<compile_context>
chip_gen: v7x
topology: tpu7x:2x2x1
jax: 0.10.2.dev20260603
libtpu: 0.0.44.dev20260713+nightly
codegen_flags: <defaults>
</compile_context>

<pallas_src>
import jax
import jax.numpy as jnp
from jax.experimental import pallas as pl
from jax.experimental.pallas import tpu as pltpu
from jax.experimental.pallas import tpu_sc as plsc

B, D, M = 1024, 64, 100000
TEMP, LAMBDA2, MU = 0.05, 0.5, 1.0
TM = 8192
NT = (M + TM - 1) // TM
CW = 256
INV_TEMP = 1.0 / TEMP

_SC_CORES, _SC_SUBCORES = 2, 16
_NW = _SC_CORES * _SC_SUBCORES
_B_PER_W = B // _NW


def _norm_rows(x):
    n = jnp.sqrt(jnp.sum(x * x, axis=1, keepdims=True))
    return x / jnp.maximum(n, 1e-12)


def _sc_gather_body(f0_hbm, f1_hbm, f2_hbm, idx_hbm, o0, o1, o2,
                    idx_v, rows_v, sem):
    wid = jax.lax.axis_index("s") * _SC_CORES + jax.lax.axis_index("c")
    base = wid * _B_PER_W
    pltpu.sync_copy(idx_hbm.at[pl.ds(base, _B_PER_W)], idx_v)
    for f_hbm, o_hbm in ((f0_hbm, o0), (f1_hbm, o1), (f2_hbm, o2)):
        pltpu.async_copy(f_hbm.at[idx_v], rows_v, sem).wait()
        pltpu.sync_copy(rows_v, o_hbm.at[pl.ds(base, _B_PER_W)])


def _sc_gather(features, features_up, features_down, targets_i32):
    mesh = plsc.VectorSubcoreMesh(core_axis_name="c", subcore_axis_name="s")
    row = jax.ShapeDtypeStruct((B, D), jnp.float32)
    fn = pl.kernel(
        _sc_gather_body,
        out_type=[row, row, row],
        mesh=mesh,
        scratch_types=[
            pltpu.VMEM((_B_PER_W,), jnp.int32),
            pltpu.VMEM((_B_PER_W, D), jnp.float32),
            pltpu.SemaphoreType.DMA,
        ],
        compiler_params=pltpu.CompilerParams(use_tc_tiling_on_sc=False,
                                             skip_device_barrier=True),
    )
    return fn(features, features_up, features_down, targets_i32)


def _stream_kernel(x_ref, xu_ref, xd_ref, f0_ref, f1_ref, f2_ref,
                   a0_ref, a1_ref, a2_ref, xn0, xn1, xn2):
    j = pl.program_id(0)

    @pl.when(j == 0)
    def _init():
        scale = jnp.float32(INV_TEMP * 1.4426950408889634)
        xn0[...] = (_norm_rows(x_ref[...]) * scale).astype(jnp.bfloat16)
        xn1[...] = (_norm_rows(xu_ref[...]) * scale).astype(jnp.bfloat16)
        xn2[...] = (_norm_rows(xd_ref[...]) * scale).astype(jnp.bfloat16)
        for a in (a0_ref, a1_ref, a2_ref):
            a[...] = jnp.zeros_like(a)

    def _chunk(xn_v, f_ref, c):
        s = jax.lax.dot_general(
            xn_v, f_ref[c * CW:(c + 1) * CW, :].astype(jnp.bfloat16),
            dimension_numbers=(((1,), (1,)), ((), ())),
            preferred_element_type=jnp.float32)
        return jnp.exp2(s)

    NC = TM // CW

    for xn, f_ref, acc in ((xn0, f0_ref, a0_ref),
                           (xn1, f1_ref, a1_ref),
                           (xn2, f2_ref, a2_ref)):
        xn_v = xn[...]

        @pl.when(j < NT - 1)
        def _full():
            tot0 = _chunk(xn_v, f_ref, 0)
            tot1 = _chunk(xn_v, f_ref, 1)
            for c in range(2, NC, 2):
                tot0 += _chunk(xn_v, f_ref, c)
                tot1 += _chunk(xn_v, f_ref, c + 1)
            acc[...] += tot0 + tot1

        @pl.when(j == NT - 1)
        def _partial():
            col = jax.lax.broadcasted_iota(jnp.int32, (1, CW), 1)
            n_valid = M - j * TM
            tot0 = jnp.where(col < n_valid, _chunk(xn_v, f_ref, 0), 0.0)
            tot1 = jnp.where(col < n_valid - CW, _chunk(xn_v, f_ref, 1), 0.0)
            for c in range(2, NC, 2):
                tot0 += jnp.where(col < n_valid - c * CW,
                                  _chunk(xn_v, f_ref, c), 0.0)
                tot1 += jnp.where(col < n_valid - (c + 1) * CW,
                                  _chunk(xn_v, f_ref, c + 1), 0.0)
            acc[...] += tot0 + tot1


def _combine_kernel(x_ref, xu_ref, xd_ref, t_ref, tu_ref, td_ref,
                    g0_ref, g1_ref, g2_ref, a0_ref, a1_ref, a2_ref,
                    out_ref):
    loss = jnp.float32(0.0)
    for k, (x_r, acc, g_ref, te_ref) in enumerate(
            ((x_ref, a0_ref, g0_ref, t_ref),
             (xu_ref, a1_ref, g1_ref, tu_ref),
             (xd_ref, a2_ref, g2_ref, td_ref))):
        xn = _norm_rows(x_r[...])
        lse = jnp.log(jnp.sum(acc[...], axis=1, keepdims=True))
        tgt_logit = jnp.sum(xn * g_ref[...], axis=1,
                            keepdims=True) * INV_TEMP
        ce = jnp.sum(lse - tgt_logit) * (1.0 / B)
        tn = _norm_rows(te_ref[...])
        distill = jnp.sum((xn - tn) ** 2) * (1.0 / B)
        w = (1.0 - LAMBDA2) if k == 0 else LAMBDA2
        loss = loss + w * (ce + MU * distill)
    out_ref[...] = jnp.reshape(loss, (1, 1))


def kernel(inputs, inputs_up, inputs_down, inputs_teacher, inputs_up_teacher,
           inputs_down_teacher, targets, epoch, features, features_up,
           features_down):
    del epoch
    full = pl.BlockSpec((B, D), lambda j: (0, 0))
    fspec = pl.BlockSpec((TM, D), lambda j: (j, 0))
    aspec = pl.BlockSpec((B, CW), lambda j: (0, 0))
    accshape = jax.ShapeDtypeStruct((B, CW), jnp.float32)

    a0, a1, a2 = pl.pallas_call(
        _stream_kernel,
        grid=(NT,),
        in_specs=[full, full, full, fspec, fspec, fspec],
        out_specs=[aspec, aspec, aspec],
        out_shape=[accshape, accshape, accshape],
        scratch_shapes=[pltpu.VMEM((B, D), jnp.bfloat16)] * 3,
        compiler_params=pltpu.CompilerParams(
            dimension_semantics=("arbitrary",)),
    )(inputs, inputs_up, inputs_down, features, features_up, features_down)

    g0, g1, g2 = _sc_gather(features, features_up, features_down,
                            targets.astype(jnp.int32))

    nospec = pl.BlockSpec((B, D), lambda: (0, 0))
    acc_in = pl.BlockSpec((B, CW), lambda: (0, 0))
    out = pl.pallas_call(
        _combine_kernel,
        in_specs=[nospec] * 9 + [acc_in] * 3,
        out_specs=pl.BlockSpec((1, 1), lambda: (0, 0)),
        out_shape=jax.ShapeDtypeStruct((1, 1), jnp.float32),
    )(inputs, inputs_up, inputs_down, inputs_teacher, inputs_up_teacher,
      inputs_down_teacher, g0, g1, g2, a0, a1, a2)
    return out[0, 0]

# --- scband reference (transcript-rebuilt; emitter-appended) ---
"""Pipeline reference for scband-cluster-memory-part-55456617726497 (READ-ONLY COPY).

The authoritative reference and input builder live on the scoring server;
editing this copy changes nothing except your own understanding.
"""

import jax, jax.numpy as jnp
import numpy as np

B, D, M = 1024, 64, 100000
TEMP, LAMBDA2, MU = 0.05, 0.5, 1.0

def _normalize(x):
    n = jnp.sqrt(jnp.sum(x * x, axis=1, keepdims=True))
    return x / jnp.maximum(n, 1e-12)

def _cross_entropy(logits, targets):
    logp = jax.nn.log_softmax(logits, axis=1)
    nll = -jnp.take_along_axis(logp, targets[:, None], axis=1)[:, 0]
    return jnp.mean(nll)

def setup_inputs(seed: int = 0) -> dict:
    key = jax.random.key(seed)
    ks = jax.random.split(key, 10)
    inp = {}
    inp['inputs'] = jax.random.normal(ks[0], (B, D), dtype=jnp.float32)
    inp['inputs_up'] = jax.random.normal(ks[1], (B, D), dtype=jnp.float32)
    inp['inputs_down'] = jax.random.normal(ks[2], (B, D), dtype=jnp.float32)
    inp['inputs_teacher'] = jax.random.normal(ks[3], (B, D), dtype=jnp.float32)
    inp['inputs_up_teacher'] = jax.random.normal(ks[4], (B, D), dtype=jnp.float32)
    inp['inputs_down_teacher'] = jax.random.normal(ks[5], (B, D), dtype=jnp.float32)
    inp['targets'] = jax.random.randint(ks[6], (B,), 0, M)
    inp['epoch'] = 1
    inp['features'] = _normalize(jax.random.normal(ks[7], (M, D), dtype=jnp.float32))
    inp['features_up'] = _normalize(jax.random.normal(ks[8], (M, D), dtype=jnp.float32))
    inp['features_down'] = _normalize(jax.random.normal(ks[9], (M, D), dtype=jnp.float32))
    return inp

def reference(inputs, inputs_up, inputs_down, inputs_teacher, inputs_up_teacher, inputs_down_teacher, targets, epoch, features, features_up, features_down):
    x = _normalize(inputs)
    xu = _normalize(inputs_up)
    xd = _normalize(inputs_down)
    t = _normalize(inputs_teacher)
    tu = _normalize(inputs_up_teacher)
    td = _normalize(inputs_down_teacher)
    # CM.forward: similarity against the full memory bank (the momentum scatter
    # update of features happens in backward, so forward math is a plain matmul)
    outputs = jnp.matmul(x, features.T) / TEMP
    outputs_up = jnp.matmul(xu, features_up.T) / TEMP
    outputs_down = jnp.matmul(xd, features_down.T) / TEMP
    loss_distill = jnp.sum(jnp.mean((x - t) ** 2, axis=0))
    loss_distill_up = jnp.sum(jnp.mean((xu - tu) ** 2, axis=0))
    loss_distill_down = jnp.sum(jnp.mean((xd - td) ** 2, axis=0))
    loss = (1.0 - LAMBDA2) * (_cross_entropy(outputs, targets) + MU * loss_distill) \
         + LAMBDA2 * (_cross_entropy(outputs_up, targets) + MU * loss_distill_up) \
         + LAMBDA2 * (_cross_entropy(outputs_down, targets) + MU * loss_distill_down)
    return loss

if __name__ == "__main__":
    import jax
    _d = setup_inputs()
    print(jax.jit(kernel)(*tuple(_d.values())))

</pallas_src>

<mosaic_0001>
#map = affine_map<(d0, d1) -> (0, 0)>
#map1 = affine_map<(d0, d1) -> (0)>
module attributes {stable_mosaic.version = 14 : i64} {
  func.func @_sc_gather_body(%arg0: i32, %arg1: i32, %arg2: memref<100000x64xf32, #tpu.memory_space<hbm>>, %arg3: memref<100000x64xf32, #tpu.memory_space<hbm>>, %arg4: memref<100000x64xf32, #tpu.memory_space<hbm>>, %arg5: memref<1024xi32, #tpu.memory_space<hbm>>, %arg6: memref<1024x64xf32, #tpu.memory_space<hbm>>, %arg7: memref<1024x64xf32, #tpu.memory_space<hbm>>, %arg8: memref<1024x64xf32, #tpu.memory_space<hbm>>, %arg9: memref<32xi32, #tpu.memory_space<vmem>>, %arg10: memref<32x64xf32, #tpu.memory_space<vmem>>, %arg11: memref<!tpu.dma_semaphore, #tpu.memory_space<semaphore_mem>>) attributes {dimension_semantics = [#tpu.dimension_semantics<core_parallel>, #tpu.dimension_semantics<subcore_parallel>], iteration_bounds = array<i64: 2, 16>, scalar_prefetch = 0 : i64, scratch_operands = 3 : i64, tpu.core_type = #tpu.core_type<sc_vector_subcore>, window_params = [{transform_indices = #map}, {transform_indices = #map}, {transform_indices = #map}, {transform_indices = #map1}, {transform_indices = #map}, {transform_indices = #map}, {transform_indices = #map}]} {
    %mul3A = arith.constant 2 : i32
    %mul3A_0 = arith.muli %arg1, %mul3A : i32
    %add3A = arith.addi %mul3A_0, %arg0 : i32
    %mul3A_1 = arith.constant 32 : i32
    %mul3A_2 = arith.muli %add3A, %mul3A_1 : i32
    "tpu.region"() ({
      %run_scoped3A = tpu.sem_alloc : memref<!tpu.dma_semaphore, #tpu.memory_space<semaphore_mem>>
      %dma_start3A_19 = tpu.memref_slice %arg5[%mul3A_2] : memref<1024xi32, #tpu.memory_space<hbm>> -> memref<32xi32, #tpu.memory_space<hbm>>
      %dma_start3A_20 = tpu.memref_slice %arg5[%mul3A_2] : memref<1024xi32, #tpu.memory_space<hbm>> -> memref<32xi32, #tpu.memory_space<hbm>>
      tpu.enqueue_dma source(%dma_start3A_20 : memref<32xi32, #tpu.memory_space<hbm>>) target(%arg9 : memref<32xi32, #tpu.memory_space<vmem>>) target_semaphore(%run_scoped3A : memref<!tpu.dma_semaphore, #tpu.memory_space<semaphore_mem>>)
      %dma_wait3A_21 = tpu.memref_slice %arg5[%mul3A_2] : memref<1024xi32, #tpu.memory_space<hbm>> -> memref<32xi32, #tpu.memory_space<hbm>>
      %dma_wait3A_22 = tpu.memref_slice %arg5[%mul3A_2] : memref<1024xi32, #tpu.memory_space<hbm>> -> memref<32xi32, #tpu.memory_space<hbm>>
      tpu.wait_dma2 semaphore(%run_scoped3A : memref<!tpu.dma_semaphore, #tpu.memory_space<semaphore_mem>>) src(%dma_wait3A_22 : memref<32xi32, #tpu.memory_space<hbm>>) dst(%arg9 : memref<32xi32, #tpu.memory_space<vmem>>)
      tpu.yield
    }) : () -> ()
    %dma_start3A = arith.constant 0 : i32
    %dma_start3A_3 = arith.constant 0 : i32
    %dma_start3A_4 = tpu.memref_slice %arg2[%dma_start3A, %dma_start3A_3] : memref<100000x64xf32, #tpu.memory_space<hbm>> -> memref<100000x64xf32, #tpu.memory_space<hbm>>
    tpu.enqueue_indirect_dma source(%dma_start3A_4 : memref<100000x64xf32, #tpu.memory_space<hbm>>) target(%arg10 : memref<32x64xf32, #tpu.memory_space<vmem>>) offsets(%arg9 : memref<32xi32, #tpu.memory_space<vmem>>) semaphore(%arg11 : memref<!tpu.dma_semaphore, #tpu.memory_space<semaphore_mem>>)
    %dma_wait3A = arith.constant 0 : i32
    %dma_wait3A_5 = arith.constant 0 : i32
    %dma_wait3A_6 = tpu.memref_slice %arg2[%dma_wait3A, %dma_wait3A_5] : memref<100000x64xf32, #tpu.memory_space<hbm>> -> memref<100000x64xf32, #tpu.memory_space<hbm>>
    tpu.wait_indirect_dma semaphore(%arg11 : memref<!tpu.dma_semaphore, #tpu.memory_space<semaphore_mem>>) src(%dma_wait3A_6 : memref<100000x64xf32, #tpu.memory_space<hbm>>) dst(%arg10 : memref<32x64xf32, #tpu.memory_space<vmem>>)
    "tpu.region"() ({
      %run_scoped3A = tpu.sem_alloc : memref<!tpu.dma_semaphore, #tpu.memory_space<semaphore_mem>>
      %dma_start3A_19 = arith.constant 0 : i32
      %dma_start3A_20 = tpu.memref_slice %arg6[%mul3A_2, %dma_start3A_19] : memref<1024x64xf32, #tpu.memory_space<hbm>> -> memref<32x64xf32, #tpu.memory_space<hbm>>
      %dma_start3A_21 = arith.constant 0 : i32
      %dma_start3A_22 = tpu.memref_slice %arg6[%mul3A_2, %dma_start3A_21] : memref<1024x64xf32, #tpu.memory_space<hbm>> -> memref<32x64xf32, #tpu.memory_space<hbm>>
      tpu.enqueue_dma source(%arg10 : memref<32x64xf32, #tpu.memory_space<vmem>>) target(%dma_start3A_22 : memref<32x64xf32, #tpu.memory_space<hbm>>) target_semaphore(%run_scoped3A : memref<!tpu.dma_semaphore, #tpu.memory_space<semaphore_mem>>)
      %dma_wait3A_23 = arith.constant 0 : i32
      %dma_wait3A_24 = tpu.memref_slice %arg6[%mul3A_2, %dma_wait3A_23] : memref<1024x64xf32, #tpu.memory_space<hbm>> -> memref<32x64xf32, #tpu.memory_space<hbm>>
      %dma_wait3A_25 = arith.constant 0 : i32
      %dma_wait3A_26 = tpu.memref_slice %arg6[%mul3A_2, %dma_wait3A_25] : memref<1024x64xf32, #tpu.memory_space<hbm>> -> memref<32x64xf32, #tpu.memory_space<hbm>>
      tpu.wait_dma2 semaphore(%run_scoped3A : memref<!tpu.dma_semaphore, #tpu.memory_space<semaphore_mem>>) src(%arg10 : memref<32x64xf32, #tpu.memory_space<vmem>>) dst(%dma_wait3A_26 : memref<32x64xf32, #tpu.memory_space<hbm>>)
      tpu.yield
    }) : () -> ()
    %dma_start3A_7 = arith.constant 0 : i32
    %dma_start3A_8 = arith.constant 0 : i32
    %dma_start3A_9 = tpu.memref_slice %arg3[%dma_start3A_7, %dma_start3A_8] : memref<100000x64xf32, #tpu.memory_space<hbm>> -> memref<100000x64xf32, #tpu.memory_space<hbm>>
    tpu.enqueue_indirect_dma source(%dma_start3A_9 : memref<100000x64xf32, #tpu.memory_space<hbm>>) target(%arg10 : memref<32x64xf32, #tpu.memory_space<vmem>>) offsets(%arg9 : memref<32xi32, #tpu.memory_space<vmem>>) semaphore(%arg11 : memref<!tpu.dma_semaphore, #tpu.memory_space<semaphore_mem>>)
    %dma_wait3A_10 = arith.constant 0 : i32
    %dma_wait3A_11 = arith.constant 0 : i32
    %dma_wait3A_12 = tpu.memref_slice %arg3[%dma_wait3A_10, %dma_wait3A_11] : memref<100000x64xf32, #tpu.memory_space<hbm>> -> memref<100000x64xf32, #tpu.memory_space<hbm>>
    tpu.wait_indirect_dma semaphore(%arg11 : memref<!tpu.dma_semaphore, #tpu.memory_space<semaphore_mem>>) src(%dma_wait3A_12 : memref<100000x64xf32, #tpu.memory_space<hbm>>) dst(%arg10 : memref<32x64xf32, #tpu.memory_space<vmem>>)
    "tpu.region"() ({
      %run_scoped3A = tpu.sem_alloc : memref<!tpu.dma_semaphore, #tpu.memory_space<semaphore_mem>>
      %dma_start3A_19 = arith.constant 0 : i32
      %dma_start3A_20 = tpu.memref_slice %arg7[%mul3A_2, %dma_start3A_19] : memref<1024x64xf32, #tpu.memory_space<hbm>> -> memref<32x64xf32, #tpu.memory_space<hbm>>
      %dma_start3A_21 = arith.constant 0 : i32
      %dma_start3A_22 = tpu.memref_slice %arg7[%mul3A_2, %dma_start3A_21] : memref<1024x64xf32, #tpu.memory_space<hbm>> -> memref<32x64xf32, #tpu.memory_space<hbm>>
      tpu.enqueue_dma source(%arg10 : memref<32x64xf32, #tpu.memory_space<vmem>>) target(%dma_start3A_22 : memref<32x64xf32, #tpu.memory_space<hbm>>) target_semaphore(%run_scoped3A : memref<!tpu.dma_semaphore, #tpu.memory_space<semaphore_mem>>)
      %dma_wait3A_23 = arith.constant 0 : i32
      %dma_wait3A_24 = tpu.memref_slice %arg7[%mul3A_2, %dma_wait3A_23] : memref<1024x64xf32, #tpu.memory_space<hbm>> -> memref<32x64xf32, #tpu.memory_space<hbm>>
      %dma_wait3A_25 = arith.constant 0 : i32
      %dma_wait3A_26 = tpu.memref_slice %arg7[%mul3A_2, %dma_wait3A_25] : memref<1024x64xf32, #tpu.memory_space<hbm>> -> memref<32x64xf32, #tpu.memory_space<hbm>>
      tpu.wait_dma2 semaphore(%run_scoped3A : memref<!tpu.dma_semaphore, #tpu.memory_space<semaphore_mem>>) src(%arg10 : memref<32x64xf32, #tpu.memory_space<vmem>>) dst(%dma_wait3A_26 : memref<32x64xf32, #tpu.memory_space<hbm>>)
      tpu.yield
    }) : () -> ()
    %dma_start3A_13 = arith.constant 0 : i32
    %dma_start3A_14 = arith.constant 0 : i32
    %dma_start3A_15 = tpu.memref_slice %arg4[%dma_start3A_13, %dma_start3A_14] : memref<100000x64xf32, #tpu.memory_space<hbm>> -> memref<100000x64xf32, #tpu.memory_space<hbm>>
    tpu.enqueue_indirect_dma source(%dma_start3A_15 : memref<100000x64xf32, #tpu.memory_space<hbm>>) target(%arg10 : memref<32x64xf32, #tpu.memory_space<vmem>>) offsets(%arg9 : memref<32xi32, #tpu.memory_space<vmem>>) semaphore(%arg11 : memref<!tpu.dma_semaphore, #tpu.memory_space<semaphore_mem>>)
    %dma_wait3A_16 = arith.constant 0 : i32
    %dma_wait3A_17 = arith.constant 0 : i32
    %dma_wait3A_18 = tpu.memref_slice %arg4[%dma_wait3A_16, %dma_wait3A_17] : memref<100000x64xf32, #tpu.memory_space<hbm>> -> memref<100000x64xf32, #tpu.memory_space<hbm>>
    tpu.wait_indirect_dma semaphore(%arg11 : memref<!tpu.dma_semaphore, #tpu.memory_space<semaphore_mem>>) src(%dma_wait3A_18 : memref<100000x64xf32, #tpu.memory_space<hbm>>) dst(%arg10 : memref<32x64xf32, #tpu.memory_space<vmem>>)
    "tpu.region"() ({
      %run_scoped3A = tpu.sem_alloc : memref<!tpu.dma_semaphore, #tpu.memory_space<semaphore_mem>>
      %dma_start3A_19 = arith.constant 0 : i32
      %dma_start3A_20 = tpu.memref_slice %arg8[%mul3A_2, %dma_start3A_19] : memref<1024x64xf32, #tpu.memory_space<hbm>> -> memref<32x64xf32, #tpu.memory_space<hbm>>
      %dma_start3A_21 = arith.constant 0 : i32
      %dma_start3A_22 = tpu.memref_slice %arg8[%mul3A_2, %dma_start3A_21] : memref<1024x64xf32, #tpu.memory_space<hbm>> -> memref<32x64xf32, #tpu.memory_space<hbm>>
      tpu.enqueue_dma source(%arg10 : memref<32x64xf32, #tpu.memory_space<vmem>>) target(%dma_start3A_22 : memref<32x64xf32, #tpu.memory_space<hbm>>) target_semaphore(%run_scoped3A : memref<!tpu.dma_semaphore, #tpu.memory_space<semaphore_mem>>)
      %dma_wait3A_23 = arith.constant 0 : i32
      %dma_wait3A_24 = tpu.memref_slice %arg8[%mul3A_2, %dma_wait3A_23] : memref<1024x64xf32, #tpu.memory_space<hbm>> -> memref<32x64xf32, #tpu.memory_space<hbm>>
      %dma_wait3A_25 = arith.constant 0 : i32
      %dma_wait3A_26 = tpu.memref_slice %arg8[%mul3A_2, %dma_wait3A_25] : memref<1024x64xf32, #tpu.memory_space<hbm>> -> memref<32x64xf32, #tpu.memory_space<hbm>>
      tpu.wait_dma2 semaphore(%run_scoped3A : memref<!tpu.dma_semaphore, #tpu.memory_space<semaphore_mem>>) src(%arg10 : memref<32x64xf32, #tpu.memory_space<vmem>>) dst(%dma_wait3A_26 : memref<32x64xf32, #tpu.memory_space<hbm>>)
      tpu.yield
    }) : () -> ()
    return
  }
}

module attributes {stable_mosaic.version = 14 : i64} {
  func.func @_stream_kernel(%arg0: i32, %arg1: memref<1024x64xf32, #tpu.memory_space<vmem>>, %arg2: memref<1024x64xf32, #tpu.memory_space<vmem>>, %arg3: memref<1024x64xf32, #tpu.memory_space<vmem>>, %arg4: memref<8192x64xf32, #tpu.memory_space<vmem>>, %arg5: memref<8192x64xf32, #tpu.memory_space<vmem>>, %arg6: memref<8192x64xf32, #tpu.memory_space<vmem>>, %arg7: memref<1024x256xf32, #tpu.memory_space<vmem>>, %arg8: memref<1024x256xf32, #tpu.memory_space<vmem>>, %arg9: memref<1024x256xf32, #tpu.memory_space<vmem>>, %arg10: memref<1024x64xbf16, #tpu.memory_space<vmem>>, %arg11: memref<1024x64xbf16, #tpu.memory_space<vmem>>, %arg12: memref<1024x64xbf16, #tpu.memory_space<vmem>>) attributes {dimension_semantics = [#tpu.dimension_semantics<arbitrary>], iteration_bounds = array<i64: 13>, scalar_prefetch = 0 : i64, scratch_operands = 3 : i64, tpu.core_type = #tpu.core_type<tc>, window_params = [{pipeline_mode = #tpu.pipeline_mode<synchronous>, transform_indices = @transform_0, window_bounds = array<i64: 1024, 64>}, {pipeline_mode = #tpu.pipeline_mode<synchronous>, transform_indices = @transform_1, window_bounds = array<i64: 1024, 64>}, {pipeline_mode = #tpu.pipeline_mode<synchronous>, transform_indices = @transform_2, window_bounds = array<i64: 1024, 64>}, {transform_indices = @transform_3, window_bounds = array<i64: 8192, 64>}, {transform_indices = @transform_4, window_bounds = array<i64: 8192, 64>}, {transform_indices = @transform_5, window_bounds = array<i64: 8192, 64>}, {pipeline_mode = #tpu.pipeline_mode<synchronous>, transform_indices = @transform_6, window_bounds = array<i64: 1024, 256>}, {pipeline_mode = #tpu.pipeline_mode<synchronous>, transform_indices = @transform_7, window_bounds = array<i64: 1024, 256>}, {pipeline_mode = #tpu.pipeline_mode<synchronous>, transform_indices = @transform_8, window_bounds = array<i64: 1024, 256>}]} {
    %eq3A = arith.constant 0 : i32
    %eq3A_0 = arith.cmpi eq, %arg0, %eq3A : i32
    %convert_element_type3A = arith.extui %eq3A_0 : i1 to i32
    %cond3A = arith.constant 0 : i32
    %cond3A_1 = arith.cmpi ne, %convert_element_type3A, %cond3A : i32
    scf.if %cond3A_1 {
      %get3A_39 = arith.constant 0 : index
      %get3A_40 = arith.constant 0 : index
      %get3A_41 = vector.load %arg1[%get3A_39, %get3A_40] : memref<1024x64xf32, #tpu.memory_space<vmem>>, vector<1024x64xf32>
      %mul3A = arith.mulf %get3A_41, %get3A_41 : vector<1024x64xf32>
      %reduce_sum3A = arith.constant dense<0.000000e+00> : vector<1024xf32>
      %reduce_sum3A_42 = vector.multi_reduction <add>, %mul3A, %reduce_sum3A [1] : vector<1024x64xf32> to vector<1024xf32>
      %broadcast_in_dim3A = vector.shape_cast %reduce_sum3A_42 : vector<1024xf32> to vector<1024x1xf32>
      %sqrt3A = math.sqrt %broadcast_in_dim3A : vector<1024x1xf32>
      %max3A = arith.constant 9.99999996E-13 : f32
      %max3A_43 = vector.broadcast %max3A : f32 to vector<1024x1xf32>
      %max3A_44 = arith.maximumf %sqrt3A, %max3A_43 : vector<1024x1xf32>
      %div3A = vector.broadcast %max3A_44 : vector<1024x1xf32> to vector<1024x64xf32>
      %div3A_45 = arith.divf %get3A_41, %div3A : vector<1024x64xf32>
      %mul3A_46 = arith.constant 2.885390e+01 : f32
      %mul3A_47 = vector.broadcast %mul3A_46 : f32 to vector<1024x64xf32>
      %mul3A_48 = arith.mulf %div3A_45, %mul3A_47 : vector<1024x64xf32>
      %convert_element_type3A_49 = arith.truncf %mul3A_48 : vector<1024x64xf32> to vector<1024x64xbf16>
      %swap3A = arith.constant 0 : index
      %swap3A_50 = arith.constant 0 : index
      %swap3A_51 = vector.load %arg10[%swap3A, %swap3A_50] : memref<1024x64xbf16, #tpu.memory_space<vmem>>, vector<1024x64xbf16>
      tpu.vector_store %arg10[%swap3A, %swap3A_50], %convert_element_type3A_49 {strides = array<i32>} : memref<1024x64xbf16, #tpu.memory_space<vmem>>, vector<1024x64xbf16>,
      %get3A_52 = arith.constant 0 : index
      %get3A_53 = arith.constant 0 : index
      %get3A_54 = vector.load %arg2[%get3A_52, %get3A_53] : memref<1024x64xf32, #tpu.memory_space<vmem>>, vector<1024x64xf32>
      %mul3A_55 = arith.mulf %get3A_54, %get3A_54 : vector<1024x64xf32>
      %reduce_sum3A_56 = arith.constant dense<0.000000e+00> : vector<1024xf32>
      %reduce_sum3A_57 = vector.multi_reduction <add>, %mul3A_55, %reduce_sum3A_56 [1] : vector<1024x64xf32> to vector<1024xf32>
      %broadcast_in_dim3A_58 = vector.shape_cast %reduce_sum3A_57 : vector<1024xf32> to vector<1024x1xf32>
      %sqrt3A_59 = math.sqrt %broadcast_in_dim3A_58 : vector<1024x1xf32>
      %max3A_60 = arith.constant 9.99999996E-13 : f32
      %max3A_61 = vector.broadcast %max3A_60 : f32 to vector<1024x1xf32>
      %max3A_62 = arith.maximumf %sqrt3A_59, %max3A_61 : vector<1024x1xf32>
      %div3A_63 = vector.broadcast %max3A_62 : vector<1024x1xf32> to vector<1024x64xf32>
      %div3A_64 = arith.divf %get3A_54, %div3A_63 : vector<1024x64xf32>
      %mul3A_65 = arith.constant 2.885390e+01 : f32
      %mul3A_66 = vector.broadcast %mul3A_65 : f32 to vector<1024x64xf32>
      %mul3A_67 = arith.mulf %div3A_64, %mul3A_66 : vector<1024x64xf32>
      %convert_element_type3A_68 = arith.truncf %mul3A_67 : vector<1024x64xf32> to vector<1024x64xbf16>
      %swap3A_69 = arith.constant 0 : index
      %swap3A_70 = arith.constant 0 : index
      %swap3A_71 = vector.load %arg11[%swap3A_69, %swap3A_70] : memref<1024x64xbf16, #tpu.memory_space<vmem>>, vector<1024x64xbf16>
      tpu.vector_store %arg11[%swap3A_69, %swap3A_70], %convert_element_type3A_68 {strides = array<i32>} : memref<1024x64xbf16, #tpu.memory_space<vmem>>, vector<1024x64xbf16>,
      %get3A_72 = arith.constant 0 : index
      %get3A_73 = arith.constant 0 : index
      %get3A_74 = vector.load %arg3[%get3A_72, %get3A_73] : memref<1024x64xf32, #tpu.memory_space<vmem>>, vector<1024x64xf32>
      %mul3A_75 = arith.mulf %get3A_74, %get3A_74 : vector<1024x64xf32>
      %reduce_sum3A_76 = arith.constant dense<0.000000e+00> : vector<1024xf32>
      %reduce_sum3A_77 = vector.multi_reduction <add>, %mul3A_75, %reduce_sum3A_76 [1] : vector<1024x64xf32> to vector<1024xf32>
      %broadcast_in_dim3A_78 = vector.shape_cast %reduce_sum3A_77 : vector<1024xf32> to vector<1024x1xf32>
      %sqrt3A_79 = math.sqrt %broadcast_in_dim3A_78 : vector<1024x1xf32>
      %max3A_80 = arith.constant 9.99999996E-13 : f32
      %max3A_81 = vector.broadcast %max3A_80 : f32 to vector<1024x1xf32>
      %max3A_82 = arith.maximumf %sqrt3A_79, %max3A_81 : vector<1024x1xf32>
      %div3A_83 = vector.broadcast %max3A_82 : vector<1024x1xf32> to vector<1024x64xf32>
      %div3A_84 = arith.divf %get3A_74, %div3A_83 : vector<1024x64xf32>
      %mul3A_85 = arith.constant 2.885390e+01 : f32
      %mul3A_86 = vector.broadcast %mul3A_85 : f32 to vector<1024x64xf32>
      %mul3A_87 = arith.mulf %div3A_84, %mul3A_86 : vector<1024x64xf32>
      %convert_element_type3A_88 = arith.truncf %mul3A_87 : vector<1024x64xf32> to vector<1024x64xbf16>
      %swap3A_89 = arith.constant 0 : index
      %swap3A_90 = arith.constant 0 : index
      %swap3A_91 = vector.load %arg12[%swap3A_89, %swap3A_90] : memref<1024x64xbf16, #tpu.memory_space<vmem>>, vector<1024x64xbf16>
      tpu.vector_store %arg12[%swap3A_89, %swap3A_90], %convert_element_type3A_88 {strides = array<i32>} : memref<1024x64xbf16, #tpu.memory_space<vmem>>, vector<1024x64xbf16>,
      %broadcast_in_dim3A_92 = arith.constant 0.000000e+00 : f32
      %broadcast_in_dim3A_93 = vector.broadcast %broadcast_in_dim3A_92 : f32 to vector<1024x256xf32>
      %swap3A_94 = arith.constant 0 : index
      %swap3A_95 = arith.constant 0 : index
      %swap3A_96 = vector.load %arg7[%swap3A_94, %swap3A_95] : memref<1024x256xf32, #tpu.memory_space<vmem>>, vector<1024x256xf32>
      tpu.vector_store %arg7[%swap3A_94, %swap3A_95], %broadcast_in_dim3A_93 {strides = array<i32>} : memref<1024x256xf32, #tpu.memory_space<vmem>>, vector<1024x256xf32>,
      %broadcast_in_dim3A_97 = arith.constant 0.000000e+00 : f32
      %broadcast_in_dim3A_98 = vector.broadcast %broadcast_in_dim3A_97 : f32 to vector<1024x256xf32>
      %swap3A_99 = arith.constant 0 : index
      %swap3A_100 = arith.constant 0 : index
      %swap3A_101 = vector.load %arg8[%swap3A_99, %swap3A_100] : memref<1024x256xf32, #tpu.memory_space<vmem>>, vector<1024x256xf32>
      tpu.vector_store %arg8[%swap3A_99, %swap3A_100], %broadcast_in_dim3A_98 {strides = array<i32>} : memref<1024x256xf32, #tpu.memory_space<vmem>>, vector<1024x256xf32>,
      %broadcast_in_dim3A_102 = arith.constant 0.000000e+00 : f32
      %broadcast_in_dim3A_103 = vector.broadcast %broadcast_in_dim3A_102 : f32 to vector<1024x256xf32>
      %swap3A_104 = arith.constant 0 : index
      %swap3A_105 = arith.constant 0 : index
      %swap3A_106 = vector.load %arg9[%swap3A_104, %swap3A_105] : memref<1024x256xf32, #tpu.memory_space<vmem>>, vector<1024x256xf32>
      tpu.vector_store %arg9[%swap3A_104, %swap3A_105], %broadcast_in_dim3A_103 {strides = array<i32>} : memref<1024x256xf32, #tpu.memory_space<vmem>>, vector<1024x256xf32>,
    } else {
    }
    %get3A = arith.constant 0 : index
    %get3A_2 = arith.constant 0 : index
    %get3A_3 = vector.load %arg10[%get3A, %get3A_2] : memref<1024x64xbf16, #tpu.memory_space<vmem>>, vector<1024x64xbf16>
    %lt3A = arith.constant 12 : i32
    %lt3A_4 = arith.cmpi slt, %arg0, %lt3A : i32
    %convert_element_type3A_5 = arith.extui %lt3A_4 : i1 to i32
    %cond3A_6 = arith.constant 0 : i32
    %cond3A_7 = arith.cmpi ne, %convert_element_type3A_5, %cond3A_6 : i32
    scf.if %cond3A_7 {
      %get3A_39 = arith.constant 0 : index
      %get3A_40 = arith.constant 0 : index
      %get3A_41 = vector.load %arg4[%get3A_39, %get3A_40] : memref<8192x64xf32, #tpu.memory_space<vmem>>, vector<256x64xf32>
      %convert_element_type3A_42 = arith.truncf %get3A_41 : vector<256x64xf32> to vector<256x64xbf16>
      %dot_general3A = arith.constant dense<0.000000e+00> : vector<1024x256xf32>
      %dot_general3A_43 = tpu.matmul %get3A_3, %convert_element_type3A_42, %dot_general3A {dimension_numbers = #tpu.dot_dimension_numbers<[1], [1], [0], [0], [0, 0, 1, 0], [], []>, transpose_lhs_hint = false} : vector<1024x64xbf16>, vector<256x64xbf16>, vector<1024x256xf32> -> vector<1024x256xf32>
      %exp23A = math.exp2 %dot_general3A_43 : vector<1024x256xf32>
      %get3A_44 = arith.constant 256 : index
      %get3A_45 = arith.constant 0 : index
      %get3A_46 = vector.load %arg4[%get3A_44, %get3A_45] : memref<8192x64xf32, #tpu.memory_space<vmem>>, vector<256x64xf32>
      %convert_element_type3A_47 = arith.truncf %get3A_46 : vector<256x64xf32> to vector<256x64xbf16>
      %dot_general3A_48 = arith.constant dense<0.000000e+00> : vector<1024x256xf32>
      %dot_general3A_49 = tpu.matmul %get3A_3, %convert_element_type3A_47, %dot_general3A_48 {dimension_numbers = #tpu.dot_dimension_numbers<[1], [1], [0], [0], [0, 0, 1, 0], [], []>, transpose_lhs_hint = false} : vector<1024x64xbf16>, vector<256x64xbf16>, vector<1024x256xf32> -> vector<1024x256xf32>
      %exp23A_50 = math.exp2 %dot_general3A_49 : vector<1024x256xf32>
      %get3A_51 = arith.constant 512 : index
      %get3A_52 = arith.constant 0 : index
      %get3A_53 = vector.load %arg4[%get3A_51, %get3A_52] : memref<8192x64xf32, #tpu.memory_space<vmem>>, vector<256x64xf32>
      %convert_element_type3A_54 = arith.truncf %get3A_53 : vector<256x64xf32> to vector<256x64xbf16>
      %dot_general3A_55 = arith.constant dense<0.000000e+00> : vector<1024x256xf32>
      %dot_general3A_56 = tpu.matmul %get3A_3, %convert_element_type3A_54, %dot_general3A_55 {dimension_numbers = #tpu.dot_dimension_numbers<[1], [1], [0], [0], [0, 0, 1, 0], [], []>, transpose_lhs_hint = false} : vector<1024x64xbf16>, vector<256x64xbf16>, vector<1024x256xf32> -> vector<1024x256xf32>
      %exp23A_57 = math.exp2 %dot_general3A_56 : vector<1024x256xf32>
      %add3A = arith.addf %exp23A, %exp23A_57 : vector<1024x256xf32>
      %get3A_58 = arith.constant 768 : index
      %get3A_59 = arith.constant 0 : index
      %get3A_60 = vector.load %arg4[%get3A_58, %get3A_59] : memref<8192x64xf32, #tpu.memory_space<vmem>>, vector<256x64xf32>
      %convert_element_type3A_61 = arith.truncf %get3A_60 : vector<256x64xf32> to vector<256x64xbf16>
      %dot_general3A_62 = arith.constant dense<0.000000e+00> : vector<1024x256xf32>
      %dot_general3A_63 = tpu.matmul %get3A_3, %convert_element_type3A_61, %dot_general3A_62 {dimension_numbers = #tpu.dot_dimension_numbers<[1], [1], [0], [0], [0, 0, 1, 0], [], []>, transpose_lhs_hint = false} : vector<1024x64xbf16>, vector<256x64xbf16>, vector<1024x256xf32> -> vector<1024x256xf32>
      %exp23A_64 = math.exp2 %dot_general3A_63 : vector<1024x256xf32>
      %add3A_65 = arith.addf %exp23A_50, %exp23A_64 : vector<1024x256xf32>
      %get3A_66 = arith.constant 1024 : index
      %get3A_67 = arith.constant 0 : index
      %get3A_68 = vector.load %arg4[%get3A_66, %get3A_67] : memref<8192x64xf32, #tpu.memory_space<vmem>>, vector<256x64xf32>
      %convert_element_type3A_69 = arith.truncf %get3A_68 : vector<256x64xf32> to vector<256x64xbf16>
      %dot_general3A_70 = arith.constant dense<0.000000e+00> : vector<1024x256xf32>
      %dot_general3A_71 = tpu.matmul %get3A_3, %convert_element_type3A_69, %dot_general3A_70 {dimension_numbers = #tpu.dot_dimension_numbers<[1], [1], [0], [0], [0, 0, 1, 0], [], []>, transpose_lhs_hint = false} : vector<1024x64xbf16>, vector<256x64xbf16>, vector<1024x256xf32> -> vector<1024x256xf32>
      %exp23A_72 = math.exp2 %dot_general3A_71 : vector<1024x256xf32>
      %add3A_73 = arith.addf %add3A, %exp23A_72 : vector<1024x256xf32>
      %get3A_74 = arith.constant 1280 : index
      %get3A_75 = arith.constant 0 : index
      %get3A_76 = vector.load %arg4[%get3A_74, %get3A_75] : memref<8192x64xf32, #tpu.memory_space<vmem>>, vector<256x64xf32>
      %convert_element_type3A_77 = arith.truncf %get3A_76 : vector<256x64xf32> to vector<256x64xbf16>
      %dot_general3A_78 = arith.constant dense<0.000000e+00> : vector<1024x256xf32>
      %dot_general3A_79 = tpu.matmul %get3A_3, %convert_element_type3A_77, %dot_general3A_78 {dimension_numbers = #tpu.dot_dimension_numbers<[1], [1], [0], [0], [0, 0, 1, 0], [], []>, transpose_lhs_hint = false} : vector<1024x64xbf16>, vector<256x64xbf16>, vector<1024x256xf32> -> vector<1024x256xf32>
      %exp23A_80 = math.exp2 %dot_general3A_79 : vector<1024x256xf32>
      %add3A_81 = arith.addf %add3A_65, %exp23A_80 : vector<1024x256xf32>
      %get3A_82 = arith.constant 1536 : index
      %get3A_83 = arith.constant 0 : index
      %get3A_84 = vector.load %arg4[%get3A_82, %get3A_83] : memref<8192x64xf32, #tpu.memory_space<vmem>>, vector<256x64xf32>
      %convert_element_type3A_85 = arith.truncf %get3A_84 : vector<256x64xf32> to vector<256x64xbf16>
      %dot_general3A_86 = arith.constant dense<0.000000e+00> : vector<1024x256xf32>
      %dot_general3A_87 = tpu.matmul %get3A_3, %convert_element_type3A_85, %dot_general3A_86 {dimension_numbers = #tpu.dot_dimension_numbers<[1], [1], [0], [0], [0, 0, 1, 0], [], []>, transpose_lhs_hint = false} : vector<1024x64xbf16>, vector<256x64xbf16>, vector<1024x256xf32> -> vector<1024x256xf32>
      %exp23A_88 = math.exp2 %dot_general3A_87 : vector<1024x256xf32>
      %add3A_89 = arith.addf %add3A_73, %exp23A_88 : vector<1024x256xf32>
      %get3A_90 = arith.constant 1792 : index
      %get3A_91 = arith.constant 0 : index
      %get3A_92 = vector.load %arg4[%get3A_90, %get3A_91] : memref<8192x64xf32, #tpu.memory_space<vmem>>, vector<256x64xf32>
      %convert_element_type3A_93 = arith.truncf %get3A_92 : vector<256x64xf32> to vector<256x64xbf16>
      %dot_general3A_94 = arith.constant dense<0.000000e+00> : vector<1024x256xf32>
      %dot_general3A_95 = tpu.matmul %get3A_3, %convert_element_type3A_93, %dot_general3A_94 {dimension_numbers = #tpu.dot_dimension_numbers<[1], [1], [0], [0], [0, 0, 1, 0], [], []>, transpose_lhs_hint = false} : vector<1024x64xbf16>, vector<256x64xbf16>, vector<1024x256xf32> -> vector<1024x256xf32>
      %exp23A_96 = math.exp2 %dot_general3A_95 : vector<1024x256xf32>
      %add3A_97 = arith.addf %add3A_81, %exp23A_96 : vector<1024x256xf32>
      %get3A_98 = arith.constant 2048 : index
      %get3A_99 = arith.constant 0 : index
      %get3A_100 = vector.load %arg4[%get3A_98, %get3A_99] : memref<8192x64xf32, #tpu.memory_space<vmem>>, vector<256x64xf32>
      %convert_element_type3A_101 = arith.truncf %get3A_100 : vector<256x64xf32> to vector<256x64xbf16>
      %dot_general3A_102 = arith.constant dense<0.000000e+00> : vector<1024x256xf32>
      %dot_general3A_103 = tpu.matmul %get3A_3, %convert_element_type3A_101, %dot_general3A_102 {dimension_numbers = #tpu.dot_dimension_numbers<[1], [1], [0], [0], [0, 0, 1, 0], [], []>, transpose_lhs_hint = false} : vector<1024x64xbf16>, vector<256x64xbf16>, vector<1024x256xf32> -> vector<1024x256xf32>
      %exp23A_104 = math.exp2 %dot_general3A_103 : vector<1024x256xf32>
      %add3A_105 = arith.addf %add3A_89, %exp23A_104 : vector<1024x256xf32>
      %get3A_106 = arith.constant 2304 : index
      %get3A_107 = arith.constant 0 : index
      %get3A_108 = vector.load %arg4[%get3A_106, %get3A_107] : memref<8192x64xf32, #tpu.memory_space<vmem>>, vector<256x64xf32>
      %convert_element_type3A_109 = arith.truncf %get3A_108 : vector<256x64xf32> to vector<256x64xbf16>
      %dot_general3A_110 = arith.constant dense<0.000000e+00> : vector<1024x256xf32>
      %dot_general3A_111 = tpu.matmul %get3A_3, %convert_element_type3A_109, %dot_general3A_110 {dimension_numbers = #tpu.dot_dimension_numbers<[1], [1], [0], [0], [0, 0, 1, 0], [], []>, transpose_lhs_hint = false} : vector<1024x64xbf16>, vector<256x64xbf16>, vector<1024x256xf32> -> vector<1024x256xf32>
      %exp23A_112 = math.exp2 %dot_general3A_111 : vector<1024x256xf32>
      %add3A_113 = arith.addf %add3A_97, %exp23A_112 : vector<1024x256xf32>
      %get3A_114 = arith.constant 2560 : index
      %get3A_115 = arith.constant 0 : index
      %get3A_116 = vector.load %arg4[%get3A_114, %get3A_115] : memref<8192x64xf32, #tpu.memory_space<vmem>>, vector<256x64xf32>
      %convert_element_type3A_117 = arith.truncf %get3A_116 : vector<256x64xf32> to vector<256x64xbf16>
      %dot_general3A_118 = arith.constant dense<0.000000e+00> : vector<1024x256xf32>
      %dot_general3A_119 = tpu.matmul %get3A_3, %convert_element_type3A_117, %dot_general3A_118 {dimension_numbers = #tpu.dot_dimension_numbers<[1], [1], [0], [0], [0, 0, 1, 0], [], []>, transpose_lhs_hint = false} : vector<1024x64xbf16>, vector<256x64xbf16>, vector<1024x256xf32> -> vector<1024x256xf32>
      %exp23A_120 = math.exp2 %dot_general3A_119 : vector<1024x256xf32>
      %add3A_121 = arith.addf %add3A_105, %exp23A_120 : vector<1024x256xf32>
      %get3A_122 = arith.constant 2816 : index
      %get3A_123 = arith.constant 0 : index
      %get3A_124 = vector.load %arg4[%get3A_122, %get3A_123] : memref<8192x64xf32, #tpu.memory_space<vmem>>, vector<256x64xf32>
      %convert_element_type3A_125 = arith.truncf %get3A_124 : vector<256x64xf32> to vector<256x64xbf16>
      %dot_general3A_126 = arith.constant dense<0.000000e+00> : vector<1024x256xf32>
      %dot_general3A_127 = tpu.matmul %get3A_3, %convert_element_type3A_125, %dot_general3A_126 {dimension_numbers = #tpu.dot_dimension_numbers<[1], [1], [0], [0], [0, 0, 1, 0], [], []>, transpose_lhs_hint = false} : vector<1024x64xbf16>, vector<256x64xbf16>, vector<1024x256xf32> -> vector<1024x256xf32>
      %exp23A_128 = math.exp2 %dot_general3A_127 : vector<1024x256xf32>
      %add3A_129 = arith.addf %add3A_113, %exp23A_128 : vector<1024x256xf32>
      %get3A_130 = arith.constant 3072 : index
      %get3A_131 = arith.constant 0 : index
      %get3A_132 = vector.load %arg4[%get3A_130, %get3A_131] : memref<8192x64xf32, #tpu.memory_space<vmem>>, vector<256x64xf32>
      %convert_element_type3A_133 = arith.truncf %get3A_132 : vector<256x64xf32> to vector<256x64xbf16>
      %dot_general3A_134 = arith.constant dense<0.000000e+00> : vector<1024x256xf32>
      %dot_general3A_135 = tpu.matmul %get3A_3, %convert_element_type3A_133, %dot_general3A_134 {dimension_numbers = #tpu.dot_dimension_numbers<[1], [1], [0], [0], [0, 0, 1, 0], [], []>, transpose_lhs_hint = false} : vector<1024x64xbf16>, vector<256x64xbf16>, vector<1024x256xf32> -> vector<1024x256xf32>
      %exp23A_136 = math.exp2 %dot_general3A_135 : vector<1024x256xf32>
      %add3A_137 = arith.addf %add3A_121, %exp23A_136 : vector<1024x256xf32>
      %get3A_138 = arith.constant 3328 : index
      %get3A_139 = arith.constant 0 : index
      %get3A_140 = vector.load %arg4[%get3A_138, %get3A_139] : memref<8192x64xf32, #tpu.memory_space<vmem>>, vector<256x64xf32>
      %convert_element_type3A_141 = arith.truncf %get3A_140 : vector<256x64xf32> to vector<256x64xbf16>
      %dot_general3A_142 = arith.constant dense<0.000000e+00> : vector<1024x256xf32>
      %dot_general3A_143 = tpu.matmul %get3A_3, %convert_element_type3A_141, %dot_general3A_142 {dimension_numbers = #tpu.dot_dimension_numbers<[1], [1], [0], [0], [0, 0, 1, 0], [], []>, transpose_lhs_hint = false} : vector<1024x64xbf16>, vector<256x64xbf16>, vector<1024x256xf32> -> vector<1024x256xf32>
      %exp23A_144 = math.exp2 %dot_general3A_143 : vector<1024x256xf32>
      %add3A_145 = arith.addf %add3A_129, %exp23A_144 : vector<1024x256xf32>
      %get3A_146 = arith.constant 3584 : index
      %get3A_147 = arith.constant 0 : index
      %get3A_148 = vector.load %arg4[%get3A_146, %get3A_147] : memref<8192x64xf32, #tpu.memory_space<vmem>>, vector<256x64xf32>
      %convert_element_type3A_149 = arith.truncf %get3A_148 : vector<256x64xf32> to vector<256x64xbf16>
      %dot_general3A_150 = arith.constant dense<0.000000e+00> : vector<1024x256xf32>
      %dot_general3A_151 = tpu.matmul %get3A_3, %convert_element_type3A_149, %dot_general3A_150 {dimension_numbers = #tpu.dot_dimension_numbers<[1], [1], [0], [0], [0, 0, 1, 0], [], []>, transpose_lhs_hint = false} : vector<1024x64xbf16>, vector<256x64xbf16>, vector<1024x256xf32> -> vector<1024x256xf32>
      %exp23A_152 = math.exp2 %dot_general3A_151 : vector<1024x256xf32>
      %add3A_153 = arith.addf %add3A_137, %exp23A_152 : vector<1024x256xf32>
      %get3A_154 = arith.constant 3840 : index
      %get3A_155 = arith.constant 0 : index
      %get3A_156 = vector.load %arg4[%get3A_154, %get3A_155] : memref<8192x64xf32, #tpu.memory_space<vmem>>, vector<256x64xf32>
      %convert_element_type3A_157 = arith.truncf %get3A_156 : vector<256x64xf32> to vector<256x64xbf16>
      %dot_general3A_158 = arith.constant dense<0.000000e+00> : vector<1024x256xf32>
      %dot_general3A_159 = tpu.matmul %get3A_3, %convert_element_type3A_157, %dot_general3A_158 {dimension_numbers = #tpu.dot_dimension_numbers<[1], [1], [0], [0], [0, 0, 1, 0], [], []>, transpose_lhs_hint = false} : vector<1024x64xbf16>, vector<256x64xbf16>, vector<1024x256xf32> -> vector<1024x256xf32>
      %exp23A_160 = math.exp2 %dot_general3A_159 : vector<1024x256xf32>
      %add3A_161 = arith.addf %add3A_145, %exp23A_160 : vector<1024x256xf32>
      %get3A_162 = arith.constant 4096 : index
      %get3A_163 = arith.constant 0 : index
      %get3A_164 = vector.load %arg4[%get3A_162, %get3A_163] : memref<8192x64xf32, #tpu.memory_space<vmem>>, vector<256x64xf32>
      %convert_element_type3A_165 = arith.truncf %get3A_164 : vector<256x64xf32> to vector<256x64xbf16>
      %dot_general3A_166 = arith.constant dense<0.000000e+00> : vector<1024x256xf32>
      %dot_general3A_167 = tpu.matmul %get3A_3, %convert_element_type3A_165, %dot_general3A_166 {dimension_numbers = #tpu.dot_dimension_numbers<[1], [1], [0], [0], [0, 0, 1, 0], [], []>, transpose_lhs_hint = false} : vector<1024x64xbf16>, vector<256x64xbf16>, vector<1024x256xf32> -> vector<1024x256xf32>
      %exp23A_168 = math.exp2 %dot_general3A_167 : vector<1024x256xf32>
      %add3A_169 = arith.addf %add3A_153, %exp23A_168 : vector<1024x256xf32>
      %get3A_170 = arith.constant 4352 : index
      %get3A_171 = arith.constant 0 : index
      %get3A_172 = vector.load %arg4[%get3A_170, %get3A_171] : memref<8192x64xf32, #tpu.memory_space<vmem>>, vector<256x64xf32>
      %convert_element_type3A_173 = arith.truncf %get3A_172 : vector<256x64xf32> to vector<256x64xbf16>
      %dot_general3A_174 = arith.constant dense<0.000000e+00> : vector<1024x256xf32>
      %dot_general3A_175 = tpu.matmul %get3A_3, %convert_element_type3A_173, %dot_general3A_174 {dimension_numbers = #tpu.dot_dimension_numbers<[1], [1], [0], [0], [0, 0, 1, 0], [], []>, transpose_lhs_hint = false} : vector<1024x64xbf16>, vector<256x64xbf16>, vector<1024x256xf32> -> vector<1024x256xf32>
      %exp23A_176 = math.exp2 %dot_general3A_175 : vector<1024x256xf32>
      %add3A_177 = arith.addf %add3A_161, %exp23A_176 : vector<1024x256xf32>
      %get3A_178 = arith.constant 4608 : index
      %get3A_179 = arith.constant 0 : index
      %get3A_180 = vector.load %arg4[%get3A_178, %get3A_179] : memref<8192x64xf32, #tpu.memory_space<vmem>>, vector<256x64xf32>
      %convert_element_type3A_181 = arith.truncf %get3A_180 : vector<256x64xf32> to vector<256x64xbf16>
      %dot_general3A_182 = arith.constant dense<0.000000e+00> : vector<1024x256xf32>
      %dot_general3A_183 = tpu.matmul %get3A_3, %convert_element_type3A_181, %dot_general3A_182 {dimension_numbers = #tpu.dot_dimension_numbers<[1], [1], [0], [0], [0, 0, 1, 0], [], []>, transpose_lhs_hint = false} : vector<1024x64xbf16>, vector<256x64xbf16>, vector<1024x256xf32> -> vector<1024x256xf32>
      %exp23A_184 = math.exp2 %dot_general3A_183 : vector<1024x256xf32>
      %add3A_185 = arith.addf %add3A_169, %exp23A_184 : vector<1024x256xf32>
      %get3A_186 = arith.constant 4864 : index
      %get3A_187 = arith.constant 0 : index
      %get3A_188 = vector.load %arg4[%get3A_186, %get3A_187] : memref<8192x64xf32, #tpu.memory_space<vmem>>, vector<256x64xf32>
      %convert_element_type3A_189 = arith.truncf %get3A_188 : vector<256x64xf32> to vector<256x64xbf16>
      %dot_general3A_190 = arith.constant dense<0.000000e+00> : vector<1024x256xf32>
      %dot_general3A_191 = tpu.matmul %get3A_3, %convert_element_type3A_189, %dot_general3A_190 {dimension_numbers = #tpu.dot_dimension_numbers<[1], [1], [0], [0], [0, 0, 1, 0], [], []>, transpose_lhs_hint = false} : vector<1024x64xbf16>, vector<256x64xbf16>, vector<1024x256xf32> -> vector<1024x256xf32>
      %exp23A_192 = math.exp2 %dot_general3A_191 : vector<1024x256xf32>
      %add3A_193 = arith.addf %add3A_177, %exp23A_192 : vector<1024x256xf32>
      %get3A_194 = arith.constant 5120 : index
      %get3A_195 = arith.constant 0 : index
      %get3A_196 = vector.load %arg4[%get3A_194, %get3A_195] : memref<8192x64xf32, #tpu.memory_space<vmem>>, vector<256x64xf32>
      %convert_element_type3A_197 = arith.truncf %get3A_196 : vector<256x64xf32> to vector<256x64xbf16>
      %dot_general3A_198 = arith.constant dense<0.000000e+00> : vector<1024x256xf32>
      %dot_general3A_199 = tpu.matmul %get3A_3, %convert_element_type3A_197, %dot_general3A_198 {dimension_numbers = #tpu.dot_dimension_numbers<[1], [1], [0], [0], [0, 0, 1, 0], [], []>, transpose_lhs_hint = false} : vector<1024x64xbf16>, vector<256x64xbf16>, vector<1024x256xf32> -> vector<1024x256xf32>
      %exp23A_200 = math.exp2 %dot_general3A_199 : vector<1024x256xf32>
      %add3A_201 = arith.addf %add3A_185, %exp23A_200 : vector<1024x256xf32>
      %get3A_202 = arith.constant 5376 : index
      %get3A_203 = arith.constant 0 : index
      %get3A_204 = vector.load %arg4[%get3A_202, %get3A_203] : memref<8192x64xf32, #tpu.memory_space<vmem>>, vector<256x64xf32>
      %convert_element_type3A_205 = arith.truncf %get3A_204 : vector<256x64xf32> to vector<256x64xbf16>
      %dot_general3A_206 = arith.constant dense<0.000000e+00> : vector<1024x256xf32>
      %dot_general3A_207 = tpu.matmul %get3A_3, %convert_element_type3A_205, %dot_general3A_206 {dimension_numbers = #tpu.dot_dimension_numbers<[1], [1], [0], [0], [0, 0, 1, 0], [], []>, transpose_lhs_hint = false} : vector<1024x64xbf16>, vector<256x64xbf16>, vector<1024x256xf32> -> vector<1024x256xf32>
      %exp23A_208 = math.exp2 %dot_general3A_207 : vector<1024x256xf32>
      %add3A_209 = arith.addf %add3A_193, %exp23A_208 : vector<1024x256xf32>
      %get3A_210 = arith.constant 5632 : index
      %get3A_211 = arith.constant 0 : index
      %get3A_212 = vector.load %arg4[%get3A_210, %get3A_211] : memref<8192x64xf32, #tpu.memory_space<vmem>>, vector<256x64xf32>
      %convert_element_type3A_213 = arith.truncf %get3A_212 : vector<256x64xf32> to vector<256x64xbf16>
      %dot_general3A_214 = arith.constant dense<0.000000e+00> : vector<1024x256xf32>
      %dot_general3A_215 = tpu.matmul %get3A_3, %convert_element_type3A_213, %dot_general3A_214 {dimension_numbers = #tpu.dot_dimension_numbers<[1], [1], [0], [0], [0, 0, 1, 0], [], []>, transpose_lhs_hint = false} : vector<1024x64xbf16>, vector<256x64xbf16>, vector<1024x256xf32> -> vector<1024x256xf32>
      %exp23A_216 = math.exp2 %dot_general3A_215 : vector<1024x256xf32>
      %add3A_217 = arith.addf %add3A_201, %exp23A_216 : vector<1024x256xf32>
      %get3A_218 = arith.constant 5888 : index
      %get3A_219 = arith.constant 0 : index
      %get3A_220 = vector.load %arg4[%get3A_218, %get3A_219] : memref<8192x64xf32, #tpu.memory_space<vmem>>, vector<256x64xf32>
      %convert_element_type3A_221 = arith.truncf %get3A_220 : vector<256x64xf32> to vector<256x64xbf16>
      %dot_general3A_222 = arith.constant dense<0.000000e+00> : vector<1024x256xf32>
      %dot_general3A_223 = tpu.matmul %get3A_3, %convert_element_type3A_221, %dot_general3A_222 {dimension_numbers = #tpu.dot_dimension_numbers<[1], [1], [0], [0], [0, 0, 1, 0], [], []>, transpose_lhs_hint = false} : vector<1024x64xbf16>, vector<256x64xbf16>, vector<1024x256xf32> -> vector<1024x256xf32>
      %exp23A_224 = math.exp2 %dot_general3A_223 : vector<1024x256xf32>
      %add3A_225 = arith.addf %add3A_209, %exp23A_224 : vector<1024x256xf32>
      %get3A_226 = arith.constant 6144 : index
      %get3A_227 = arith.constant 0 : index
      %get3A_228 = vector.load %arg4[%get3A_226, %get3A_227] : memref<8192x64xf32, #tpu.memory_space<vmem>>, vector<256x64xf32>
      %convert_element_type3A_229 = arith.truncf %get3A_228 : vector<256x64xf32> to vector<256x64xbf16>
      %dot_general3A_230 = arith.constant dense<0.000000e+00> : vector<1024x256xf32>
      %dot_general3A_231 = tpu.matmul %get3A_3, %convert_element_type3A_229, %dot_general3A_230 {dimension_numbers = #tpu.dot_dimension_numbers<[1], [1], [0], [0], [0, 0, 1, 0], [], []>, transpose_lhs_hint = false} : vector<1024x64xbf16>, vector<256x64xbf16>, vector<1024x256xf32> -> vector<1024x256xf32>
      %exp23A_232 = math.exp2 %dot_general3A_231 : vector<1024x256xf32>
      %add3A_233 = arith.addf %add3A_217, %exp23A_232 : vector<1024x256xf32>
      %get3A_234 = arith.constant 6400 : index
      %get3A_235 = arith.constant 0 : index
      %get3A_236 = vector.load %arg4[%get3A_234, %get3A_235] : memref<8192x64xf32, #tpu.memory_space<vmem>>, vector<256x64xf32>
      %convert_element_type3A_237 = arith.truncf %get3A_236 : vector<256x64xf32> to vector<256x64xbf16>
      %dot_general3A_238 = arith.constant dense<0.000000e+00> : vector<1024x256xf32>
      %dot_general3A_239 = tpu.matmul %get3A_3, %convert_element_type3A_237, %dot_general3A_238 {dimension_numbers = #tpu.dot_dimension_numbers<[1], [1], [0], [0], [0, 0, 1, 0], [], []>, transpose_lhs_hint = false} : vector<1024x64xbf16>, vector<256x64xbf16>, vector<1024x256xf32> -> vector<1024x256xf32>
      %exp23A_240 = math.exp2 %dot_general3A_239 : vector<1024x256xf32>
      %add3A_241 = arith.addf %add3A_225, %exp23A_240 : vector<1024x256xf32>
      %get3A_242 = arith.constant 6656 : index
      %get3A_243 = arith.constant 0 : index
      %get3A_244 = vector.load %arg4[%get3A_242, %get3A_243] : memref<8192x64xf32, #tpu.memory_space<vmem>>, vector<256x64xf32>
      %convert_element_type3A_245 = arith.truncf %get3A_244 : vector<256x64xf32> to vector<256x64xbf16>
      %dot_general3A_246 = arith.constant dense<0.000000e+00> : vector<1024x256xf32>
      %dot_general3A_247 = tpu.matmul %get3A_3, %convert_element_type3A_245, %dot_general3A_246 {dimension_numbers = #tpu.dot_dimension_numbers<[1], [1], [0], [0], [0, 0, 1, 0], [], []>, transpose_lhs_hint = false} : vector<1024x64xbf16>, vector<256x64xbf16>, vector<1024x256xf32> -> vector<1024x256xf32>
      %exp23A_248 = math.exp2 %dot_general3A_247 : vector<1024x256xf32>
      %add3A_249 = arith.addf %add3A_233, %exp23A_248 : vector<1024x256xf32>
      %get3A_250 = arith.constant 6912 : index
      %get3A_251 = arith.constant 0 : index
      %get3A_252 = vector.load %arg4[%get3A_250, %get3A_251] : memref<8192x64xf32, #tpu.memory_space<vmem>>, vector<256x64xf32>
      %convert_element_type3A_253 = arith.truncf %get3A_252 : vector<256x64xf32> to vector<256x64xbf16>
      %dot_general3A_254 = arith.constant dense<0.000000e+00> : vector<1024x256xf32>
      %dot_general3A_255 = tpu.matmul %get3A_3, %convert_element_type3A_253, %dot_general3A_254 {dimension_numbers = #tpu.dot_dimension_numbers<[1], [1], [0], [0], [0, 0, 1, 0], [], []>, transpose_lhs_hint = false} : vector<1024x64xbf16>, vector<256x64xbf16>, vector<1024x256xf32> -> vector<1024x256xf32>
      %exp23A_256 = math.exp2 %dot_general3A_255 : vector<1024x256xf32>
      %add3A_257 = arith.addf %add3A_241, %exp23A_256 : vector<1024x256xf32>
      %get3A_258 = arith.constant 7168 : index
      %get3A_259 = arith.constant 0 : index
      %get3A_260 = vector.load %arg4[%get3A_258, %get3A_259] : memref<8192x64xf32, #tpu.memory_space<vmem>>, vector<256x64xf32>
      %convert_element_type3A_261 = arith.truncf %get3A_260 : vector<256x64xf32> to vector<256x64xbf16>
      %dot_general3A_262 = arith.constant dense<0.000000e+00> : vector<1024x256xf32>
      %dot_general3A_263 = tpu.matmul %get3A_3, %convert_element_type3A_261, %dot_general3A_262 {dimension_numbers = #tpu.dot_dimension_numbers<[1], [1], [0], [0], [0, 0, 1, 0], [], []>, transpose_lhs_hint = false} : vector<1024x64xbf16>, vector<256x64xbf16>, vector<1024x256xf32> -> vector<1024x256xf32>
      %exp23A_264 = math.exp2 %dot_general3A_263 : vector<1024x256xf32>
      %add3A_265 = arith.addf %add3A_249, %exp23A_264 : vector<1024x256xf32>
      %get3A_266 = arith.constant 7424 : index
      %get3A_267 = arith.constant 0 : index
      %get3A_268 = vector.load %arg4[%get3A_266, %get3A_267] : memref<8192x64xf32, #tpu.memory_space<vmem>>, vector<256x64xf32>
      %convert_element_type3A_269 = arith.truncf %get3A_268 : vector<256x64xf32> to vector<256x64xbf16>
      %dot_general3A_270 = arith.constant dense<0.000000e+00> : vector<1024x256xf32>
      %dot_general3A_271 = tpu.matmul %get3A_3, %convert_element_type3A_269, %dot_general3A_270 {dimension_numbers = #tpu.dot_dimension_numbers<[1], [1], [0], [0], [0, 0, 1, 0], [], []>, transpose_lhs_hint = false} : vector<1024x64xbf16>, vector<256x64xbf16>, vector<1024x256xf32> -> vector<1024x256xf32>
      %exp23A_272 = math.exp2 %dot_general3A_271 : vector<1024x256xf32>
      %add3A_273 = arith.addf %add3A_257, %exp23A_272 : vector<1024x256xf32>
      %get3A_274 = arith.constant 7680 : index
      %get3A_275 = arith.constant 0 : index
      %get3A_276 = vector.load %arg4[%get3A_274, %get3A_275] : memref<8192x64xf32, #tpu.memory_space<vmem>>, vector<256x64xf32>
      %convert_element_type3A_277 = arith.truncf %get3A_276 : vector<256x64xf32> to vector<256x64xbf16>
      %dot_general3A_278 = arith.constant dense<0.000000e+00> : vector<1024x256xf32>
      %dot_general3A_279 = tpu.matmul %get3A_3, %convert_element_type3A_277, %dot_general3A_278 {dimension_numbers = #tpu.dot_dimension_numbers<[1], [1], [0], [0], [0, 0, 1, 0], [], []>, transpose_lhs_hint = false} : vector<1024x64xbf16>, vector<256x64xbf16>, vector<1024x256xf32> -> vector<1024x256xf32>
      %exp23A_280 = math.exp2 %dot_general3A_279 : vector<1024x256xf32>
      %add3A_281 = arith.addf %add3A_265, %exp23A_280 : vector<1024x256xf32>
      %get3A_282 = arith.constant 7936 : index
      %get3A_283 = arith.constant 0 : index
      %get3A_284 = vector.load %arg4[%get3A_282, %get3A_283] : memref<8192x64xf32, #tpu.memory_space<vmem>>, vector<256x64xf32>
      %convert_element_type3A_285 = arith.truncf %get3A_284 : vector<256x64xf32> to vector<256x64xbf16>
      %dot_general3A_286 = arith.constant dense<0.000000e+00> : vector<1024x256xf32>
      %dot_general3A_287 = tpu.matmul %get3A_3, %convert_element_type3A_285, %dot_general3A_286 {dimension_numbers = #tpu.dot_dimension_numbers<[1], [1], [0], [0], [0, 0, 1, 0], [], []>, transpose_lhs_hint = false} : vector<1024x64xbf16>, vector<256x64xbf16>, vector<1024x256xf32> -> vector<1024x256xf32>
      %exp23A_288 = math.exp2 %dot_general3A_287 : vector<1024x256xf32>
      %add3A_289 = arith.addf %add3A_273, %exp23A_288 : vector<1024x256xf32>
      %get3A_290 = arith.constant 0 : index
      %get3A_291 = arith.constant 0 : index
      %get3A_292 = vector.load %arg7[%get3A_290, %get3A_291] : memref<1024x256xf32, #tpu.memory_space<vmem>>, vector<1024x256xf32>
      %add3A_293 = arith.addf %add3A_281, %add3A_289 : vector<1024x256xf32>
      %add3A_294 = arith.addf %get3A_292, %add3A_293 : vector<1024x256xf32>
      %swap3A = arith.constant 0 : index
      %swap3A_295 = arith.constant 0 : index
      %swap3A_296 = vector.load %arg7[%swap3A, %swap3A_295] : memref<1024x256xf32, #tpu.memory_space<vmem>>, vector<1024x256xf32>
      tpu.vector_store %arg7[%swap3A, %swap3A_295], %add3A_294 {strides = array<i32>} : memref<1024x256xf32, #tpu.memory_space<vmem>>, vector<1024x256xf32>,
    } else {
    }
    %eq3A_8 = arith.constant 12 : i32
    %eq3A_9 = arith.cmpi eq, %arg0, %eq3A_8 : i32
    %convert_element_type3A_10 = arith.extui %eq3A_9 : i1 to i32
    %cond3A_11 = arith.constant 0 : i32
    %cond3A_12 = arith.cmpi ne, %convert_element_type3A_10, %cond3A_11 : i32
    scf.if %cond3A_12 {
      %iota3A = tpu.iota {dimensions = array<i32: 1>} : vector<1x256xi32>
      %mul3A = arith.constant 8192 : i32
      %mul3A_39 = arith.muli %arg0, %mul3A : i32
      %sub3A = arith.constant 100000 : i32
      %sub3A_40 = arith.subi %sub3A, %mul3A_39 : i32
      %lt3A_41 = vector.broadcast %sub3A_40 : i32 to vector<1x256xi32>
      %lt3A_42 = arith.cmpi slt, %iota3A, %lt3A_41 : vector<1x256xi32>
      %get3A_43 = arith.constant 0 : index
      %get3A_44 = arith.constant 0 : index
      %get3A_45 = vector.load %arg4[%get3A_43, %get3A_44] : memref<8192x64xf32, #tpu.memory_space<vmem>>, vector<256x64xf32>
      %convert_element_type3A_46 = arith.truncf %get3A_45 : vector<256x64xf32> to vector<256x64xbf16>
      %dot_general3A = arith.constant dense<0.000000e+00> : vector<1024x256xf32>
      %dot_general3A_47 = tpu.matmul %get3A_3, %convert_element_type3A_46, %dot_general3A {dimension_numbers = #tpu.dot_dimension_numbers<[1], [1], [0], [0], [0, 0, 1, 0], [], []>, transpose_lhs_hint = false} : vector<1024x64xbf16>, vector<256x64xbf16>, vector<1024x256xf32> -> vector<1024x256xf32>
      %exp23A = math.exp2 %dot_general3A_47 : vector<1024x256xf32>
      %jit3A = arith.constant 0.000000e+00 : f32
      %broadcast_in_dim3A = vector.shape_cast %lt3A_42 : vector<1x256xi1> to vector<1x256xi1>
      %broadcast_in_dim3A_48 = vector.broadcast %broadcast_in_dim3A : vector<1x256xi1> to vector<1024x256xi1>
      %broadcast_in_dim3A_49 = vector.broadcast %jit3A : f32 to vector<1024x256xf32>
      %select_n3A = arith.select %broadcast_in_dim3A_48, %exp23A, %broadcast_in_dim3A_49 : vector<1024x256xi1>, vector<1024x256xf32>
      %sub3A_50 = arith.constant 256 : i32
      %sub3A_51 = arith.subi %sub3A_40, %sub3A_50 : i32
      %lt3A_52 = vector.broadcast %sub3A_51 : i32 to vector<1x256xi32>
      %lt3A_53 = arith.cmpi slt, %iota3A, %lt3A_52 : vector<1x256xi32>
      %get3A_54 = arith.constant 256 : index
      %get3A_55 = arith.constant 0 : index
      %get3A_56 = vector.load %arg4[%get3A_54, %get3A_55] : memref<8192x64xf32, #tpu.memory_space<vmem>>, vector<256x64xf32>
      %convert_element_type3A_57 = arith.truncf %get3A_56 : vector<256x64xf32> to vector<256x64xbf16>
      %dot_general3A_58 = arith.constant dense<0.000000e+00> : vector<1024x256xf32>
      %dot_general3A_59 = tpu.matmul %get3A_3, %convert_element_type3A_57, %dot_general3A_58 {dimension_numbers = #tpu.dot_dimension_numbers<[1], [1], [0], [0], [0, 0, 1, 0], [], []>, transpose_lhs_hint = false} : vector<1024x64xbf16>, vector<256x64xbf16>, vector<1024x256xf32> -> vector<1024x256xf32>
      %exp23A_60 = math.exp2 %dot_general3A_59 : vector<1024x256xf32>
      %jit3A_61 = arith.constant 0.000000e+00 : f32
      %broadcast_in_dim3A_62 = vector.shape_cast %lt3A_53 : vector<1x256xi1> to vector<1x256xi1>
      %broadcast_in_dim3A_63 = vector.broadcast %broadcast_in_dim3A_62 : vector<1x256xi1> to vector<1024x256xi1>
      %broadcast_in_dim3A_64 = vector.broadcast %jit3A_61 : f32 to vector<1024x256xf32>
      %select_n3A_65 = arith.select %broadcast_in_dim3A_63, %exp23A_60, %broadcast_in_dim3A_64 : vector<1024x256xi1>, vector<1024x256xf32>
      %sub3A_66 = arith.constant 512 : i32
      %sub3A_67 = arith.subi %sub3A_40, %sub3A_66 : i32
      %lt3A_68 = vector.broadcast %sub3A_67 : i32 to vector<1x256xi32>
      %lt3A_69 = arith.cmpi slt, %iota3A, %lt3A_68 : vector<1x256xi32>
      %get3A_70 = arith.constant 512 : index
      %get3A_71 = arith.constant 0 : index
      %get3A_72 = vector.load %arg4[%get3A_70, %get3A_71] : memref<8192x64xf32, #tpu.memory_space<vmem>>, vector<256x64xf32>
      %convert_element_type3A_73 = arith.truncf %get3A_72 : vector<256x64xf32> to vector<256x64xbf16>
      %dot_general3A_74 = arith.constant dense<0.000000e+00> : vector<1024x256xf32>
      %dot_general3A_75 = tpu.matmul %get3A_3, %convert_element_type3A_73, %dot_general3A_74 {dimension_numbers = #tpu.dot_dimension_numbers<[1], [1], [0], [0], [0, 0, 1, 0], [], []>, transpose_lhs_hint = false} : vector<1024x64xbf16>, vector<256x64xbf16>, vector<1024x256xf32> -> vector<1024x256xf32>
      %exp23A_76 = math.exp2 %dot_general3A_75 : vector<1024x256xf32>
      %jit3A_77 = arith.constant 0.000000e+00 : f32
      %broadcast_in_dim3A_78 = vector.shape_cast %lt3A_69 : vector<1x256xi1> to vector<1x256xi1>
      %broadcast_in_dim3A_79 = vector.broadcast %broadcast_in_dim3A_78 : vector<1x256xi1> to vector<1024x256xi1>
      %broadcast_in_dim3A_80 = vector.broadcast %jit3A_77 : f32 to vector<1024x256xf32>
      %select_n3A_81 = arith.select %broadcast_in_dim3A_79, %exp23A_76, %broadcast_in_dim3A_80 : vector<1024x256xi1>, vector<1024x256xf32>
      %add3A = arith.addf %select_n3A, %select_n3A_81 : vector<1024x256xf32>
      %sub3A_82 = arith.constant 768 : i32
      %sub3A_83 = arith.subi %sub3A_40, %sub3A_82 : i32
      %lt3A_84 = vector.broadcast %sub3A_83 : i32 to vector<1x256xi32>
      %lt3A_85 = arith.cmpi slt, %iota3A, %lt3A_84 : vector<1x256xi32>
      %get3A_86 = arith.constant 768 : index
      %get3A_87 = arith.constant 0 : index
      %get3A_88 = vector.load %arg4[%get3A_86, %get3A_87] : memref<8192x64xf32, #tpu.memory_space<vmem>>, vector<256x64xf32>
      %convert_element_type3A_89 = arith.truncf %get3A_88 : vector<256x64xf32> to vector<256x64xbf16>
      %dot_general3A_90 = arith.constant dense<0.000000e+00> : vector<1024x256xf32>
      %dot_general3A_91 = tpu.matmul %get3A_3, %convert_element_type3A_89, %dot_general3A_90 {dimension_numbers = #tpu.dot_dimension_numbers<[1], [1], [0], [0], [0, 0, 1, 0], [], []>, transpose_lhs_hint = false} : vector<1024x64xbf16>, vector<256x64xbf16>, vector<1024x256xf32> -> vector<1024x256xf32>
      %exp23A_92 = math.exp2 %dot_general3A_91 : vector<1024x256xf32>
      %jit3A_93 = arith.constant 0.000000e+00 : f32
      %broadcast_in_dim3A_94 = vector.shape_cast %lt3A_85 : vector<1x256xi1> to vector<1x256xi1>
      %broadcast_in_dim3A_95 = vector.broadcast %broadcast_in_dim3A_94 : vector<1x256xi1> to vector<1024x256xi1>
      %broadcast_in_dim3A_96 = vector.broadcast %jit3A_93 : f32 to vector<1024x256xf32>
      %select_n3A_97 = arith.select %broadcast_in_dim3A_95, %exp23A_92, %broadcast_in_dim3A_96 : vector<1024x256xi1>, vector<1024x256xf32>
      %add3A_98 = arith.addf %select_n3A_65, %select_n3A_97 : vector<1024x256xf32>
      %sub3A_99 = arith.constant 1024 : i32
      %sub3A_100 = arith.subi %sub3A_40, %sub3A_99 : i32
      %lt3A_101 = vector.broadcast %sub3A_100 : i32 to vector<1x256xi32>
      %lt3A_102 = arith.cmpi slt, %iota3A, %lt3A_101 : vector<1x256xi32>
      %get3A_103 = arith.constant 1024 : index
      %get3A_104 = arith.constant 0 : index
      %get3A_105 = vector.load %arg4[%get3A_103, %get3A_104] : memref<8192x64xf32, #tpu.memory_space<vmem>>, vector<256x64xf32>
      %convert_element_type3A_106 = arith.truncf %get3A_105 : vector<256x64xf32> to vector<256x64xbf16>
      %dot_general3A_107 = arith.constant dense<0.000000e+00> : vector<1024x256xf32>
      %dot_general3A_108 = tpu.matmul %get3A_3, %convert_element_type3A_106, %dot_general3A_107 {dimension_numbers = #tpu.dot_dimension_numbers<[1], [1], [0], [0], [0, 0, 1, 0], [], []>, transpose_lhs_hint = false} : vector<1024x64xbf16>, vector<256x64xbf16>, vector<1024x256xf32> -> vector<1024x256xf32>
      %exp23A_109 = math.exp2 %dot_general3A_108 : vector<1024x256xf32>
      %jit3A_110 = arith.constant 0.000000e+00 : f32
      %broadcast_in_dim3A_111 = vector.shape_cast %lt3A_102 : vector<1x256xi1> to vector<1x256xi1>
      %broadcast_in_dim3A_112 = vector.broadcast %broadcast_in_dim3A_111 : vector<1x256xi1> to vector<1024x256xi1>
      %broadcast_in_dim3A_113 = vector.broadcast %jit3A_110 : f32 to vector<1024x256xf32>
      %select_n3A_114 = arith.select %broadcast_in_dim3A_112, %exp23A_109, %broadcast_in_dim3A_113 : vector<1024x256xi1>, vector<1024x256xf32>
      %add3A_115 = arith.addf %add3A, %select_n3A_114 : vector<1024x256xf32>
      %sub3A_116 = arith.constant 1280 : i32
      %sub3A_117 = arith.subi %sub3A_40, %sub3A_116 : i32
      %lt3A_118 = vector.broadcast %sub3A_117 : i32 to vector<1x256xi32>
      %lt3A_119 = arith.cmpi slt, %iota3A, %lt3A_118 : vector<1x256xi32>
      %get3A_120 = arith.constant 1280 : index
      %get3A_121 = arith.constant 0 : index
      %get3A_122 = vector.load %arg4[%get3A_120, %get3A_121] : memref<8192x64xf32, #tpu.memory_space<vmem>>, vector<256x64xf32>
      %convert_element_type3A_123 = arith.truncf %get3A_122 : vector<256x64xf32> to vector<256x64xbf16>
      %dot_general3A_124 = arith.constant dense<0.000000e+00> : vector<1024x256xf32>
      %dot_general3A_125 = tpu.matmul %get3A_3, %convert_element_type3A_123, %dot_general3A_124 {dimension_numbers = #tpu.dot_dimension_numbers<[1], [1], [0], [0], [0, 0, 1, 0], [], []>, transpose_lhs_hint = false} : vector<1024x64xbf16>, vector<256x64xbf16>, vector<1024x256xf32> -> vector<1024x256xf32>
      %exp23A_126 = math.exp2 %dot_general3A_125 : vector<1024x256xf32>
      %jit3A_127 = arith.constant 0.000000e+00 : f32
      %broadcast_in_dim3A_128 = vector.shape_cast %lt3A_119 : vector<1x256xi1> to vector<1x256xi1>
      %broadcast_in_dim3A_129 = vector.broadcast %broadcast_in_dim3A_128 : vector<1x256xi1> to vector<1024x256xi1>
      %broadcast_in_dim3A_130 = vector.broadcast %jit3A_127 : f32 to vector<1024x256xf32>
      %select_n3A_131 = arith.select %broadcast_in_dim3A_129, %exp23A_126, %broadcast_in_dim3A_130 : vector<1024x256xi1>, vector<1024x256xf32>
      %add3A_132 = arith.addf %add3A_98, %select_n3A_131 : vector<1024x256xf32>
      %sub3A_133 = arith.constant 1536 : i32
      %sub3A_134 = arith.subi %sub3A_40, %sub3A_133 : i32
      %lt3A_135 = vector.broadcast %sub3A_134 : i32 to vector<1x256xi32>
      %lt3A_136 = arith.cmpi slt, %iota3A, %lt3A_135 : vector<1x256xi32>
      %get3A_137 = arith.constant 1536 : index
      %get3A_138 = arith.constant 0 : index
      %get3A_139 = vector.load %arg4[%get3A_137, %get3A_138] : memref<8192x64xf32, #tpu.memory_space<vmem>>, vector<256x64xf32>
      %convert_element_type3A_140 = arith.truncf %get3A_139 : vector<256x64xf32> to vector<256x64xbf16>
      %dot_general3A_141 = arith.constant dense<0.000000e+00> : vector<1024x256xf32>
      %dot_general3A_142 = tpu.matmul %get3A_3, %convert_element_type3A_140, %dot_general3A_141 {dimension_numbers = #tpu.dot_dimension_numbers<[1], [1], [0], [0], [0, 0, 1, 0], [], []>, transpose_lhs_hint = false} : vector<1024x64xbf16>, vector<256x64xbf16>, vector<1024x256xf32> -> vector<1024x256xf32>
      %exp23A_143 = math.exp2 %dot_general3A_142 : vector<1024x256xf32>
      %jit3A_144 = arith.constant 0.000000e+00 : f32
      %broadcast_in_dim3A_145 = vector.shape_cast %lt3A_136 : vector<1x256xi1> to vector<1x256xi1>
      %broadcast_in_dim3A_146 = vector.broadcast %broadcast_in_dim3A_145 : vector<1x256xi1> to vector<1024x256xi1>
      %broadcast_in_dim3A_147 = vector.broadcast %jit3A_144 : f32 to vector<1024x256xf32>
      %select_n3A_148 = arith.select %broadcast_in_dim3A_146, %exp23A_143, %broadcast_in_dim3A_147 : vector<1024x256xi1>, vector<1024x256xf32>
      %add3A_149 = arith.addf %add3A_115, %select_n3A_148 : vector<1024x256xf32>
      %sub3A_150 = arith.constant 1792 : i32
      %sub3A_151 = arith.subi %sub3A_40, %sub3A_150 : i32
      %lt3A_152 = vector.broadcast %sub3A_151 : i32 to vector<1x256xi32>
      %lt3A_153 = arith.cmpi slt, %iota3A, %lt3A_152 : vector<1x256xi32>
      %get3A_154 = arith.constant 1792 : index
      %get3A_155 = arith.constant 0 : index
      %get3A_156 = vector.load %arg4[%get3A_154, %get3A_155] : memref<8192x64xf32, #tpu.memory_space<vmem>>, vector<256x64xf32>
      %convert_element_type3A_157 = arith.truncf %get3A_156 : vector<256x64xf32> to vector<256x64xbf16>
      %dot_general3A_158 = arith.constant dense<0.000000e+00> : vector<1024x256xf32>
      %dot_general3A_159 = tpu.matmul %get3A_3, %convert_element_type3A_157, %dot_general3A_158 {dimension_numbers = #tpu.dot_dimension_numbers<[1], [1], [0], [0], [0, 0, 1, 0], [], []>, transpose_lhs_hint = false} : vector<1024x64xbf16>, vector<256x64xbf16>, vector<1024x256xf32> -> vector<1024x256xf32>
      %exp23A_160 = math.exp2 %dot_general3A_159 : vector<1024x256xf32>
      %jit3A_161 = arith.constant 0.000000e+00 : f32
      %broadcast_in_dim3A_162 = vector.shape_cast %lt3A_153 : vector<1x256xi1> to vector<1x256xi1>
      %broadcast_in_dim3A_163 = vector.broadcast %broadcast_in_dim3A_162 : vector<1x256xi1> to vector<1024x256xi1>
      %broadcast_in_dim3A_164 = vector.broadcast %jit3A_161 : f32 to vector<1024x256xf32>
      %select_n3A_165 = arith.select %broadcast_in_dim3A_163, %exp23A_160, %broadcast_in_dim3A_164 : vector<1024x256xi1>, vector<1024x256xf32>
      %add3A_166 = arith.addf %add3A_132, %select_n3A_165 : vector<1024x256xf32>
      %sub3A_167 = arith.constant 2048 : i32
      %sub3A_168 = arith.subi %sub3A_40, %sub3A_167 : i32
      %lt3A_169 = vector.broadcast %sub3A_168 : i32 to vector<1x256xi32>
      %lt3A_170 = arith.cmpi slt, %iota3A, %lt3A_169 : vector<1x256xi32>
      %get3A_171 = arith.constant 2048 : index
      %get3A_172 = arith.constant 0 : index
      %get3A_173 = vector.load %arg4[%get3A_171, %get3A_172] : memref<8192x64xf32, #tpu.memory_space<vmem>>, vector<256x64xf32>
      %convert_element_type3A_174 = arith.truncf %get3A_173 : vector<256x64xf32> to vector<256x64xbf16>
      %dot_general3A_175 = arith.constant dense<0.000000e+00> : vector<1024x256xf32>
      %dot_general3A_176 = tpu.matmul %get3A_3, %convert_element_type3A_174, %dot_general3A_175 {dimension_numbers = #tpu.dot_dimension_numbers<[1], [1], [0], [0], [0, 0, 1, 0], [], []>, transpose_lhs_hint = false} : vector<1024x64xbf16>, vector<256x64xbf16>, vector<1024x256xf32> -> vector<1024x256xf32>
      %exp23A_177 = math.exp2 %dot_general3A_176 : vector<1024x256xf32>
      %jit3A_178 = arith.constant 0.000000e+00 : f32
      %broadcast_in_dim3A_179 = vector.shape_cast %lt3A_170 : vector<1x256xi1> to vector<1x256xi1>
      %broadcast_in_dim3A_180 = vector.broadcast %broadcast_in_dim3A_179 : vector<1x256xi1> to vector<1024x256xi1>
      %broadcast_in_dim3A_181 = vector.broadcast %jit3A_178 : f32 to vector<1024x256xf32>
      %select_n3A_182 = arith.select %broadcast_in_dim3A_180, %exp23A_177, %broadcast_in_dim3A_181 : vector<1024x256xi1>, vector<1024x256xf32>
      %add3A_183 = arith.addf %add3A_149, %select_n3A_182 : vector<1024x256xf32>
      %sub3A_184 = arith.constant 2304 : i32
      %sub3A_185 = arith.subi %sub3A_40, %sub3A_184 : i32
      %lt3A_186 = vector.broadcast %sub3A_185 : i32 to vector<1x256xi32>
      %lt3A_187 = arith.cmpi slt, %iota3A, %lt3A_186 : vector<1x256xi32>
      %get3A_188 = arith.constant 2304 : index
      %get3A_189 = arith.constant 0 : index
      %get3A_190 = vector.load %arg4[%get3A_188, %get3A_189] : memref<8192x64xf32, #tpu.memory_space<vmem>>, vector<256x64xf32>
      %convert_element_type3A_191 = arith.truncf %get3A_190 : vector<256x64xf32> to vector<256x64xbf16>
      %dot_general3A_192 = arith.constant dense<0.000000e+00> : vector<1024x256xf32>
      %dot_general3A_193 = tpu.matmul %get3A_3, %convert_element_type3A_191, %dot_general3A_192 {dimension_numbers = #tpu.dot_dimension_numbers<[1], [1], [0], [0], [0, 0, 1, 0], [], []>, transpose_lhs_hint = false} : vector<1024x64xbf16>, vector<256x64xbf16>, vector<1024x256xf32> -> vector<1024x256xf32>
      %exp23A_194 = math.exp2 %dot_general3A_193 : vector<1024x256xf32>
      %jit3A_195 = arith.constant 0.000000e+00 : f32
      %broadcast_in_dim3A_196 = vector.shape_cast %lt3A_187 : vector<1x256xi1> to vector<1x256xi1>
      %broadcast_in_dim3A_197 = vector.broadcast %broadcast_in_dim3A_196 : vector<1x256xi1> to vector<1024x256xi1>
      %broadcast_in_dim3A_198 = vector.broadcast %jit3A_195 : f32 to vector<1024x256xf32>
      %select_n3A_199 = arith.select %broadcast_in_dim3A_197, %exp23A_194, %broadcast_in_dim3A_198 : vector<1024x256xi1>, vector<1024x256xf32>
      %add3A_200 = arith.addf %add3A_166, %select_n3A_199 : vector<1024x256xf32>
      %sub3A_201 = arith.constant 2560 : i32
      %sub3A_202 = arith.subi %sub3A_40, %sub3A_201 : i32
      %lt3A_203 = vector.broadcast %sub3A_202 : i32 to vector<1x256xi32>
      %lt3A_204 = arith.cmpi slt, %iota3A, %lt3A_203 : vector<1x256xi32>
      %get3A_205 = arith.constant 2560 : index
      %get3A_206 = arith.constant 0 : index
      %get3A_207 = vector.load %arg4[%get3A_205, %get3A_206] : memref<8192x64xf32, #tpu.memory_space<vmem>>, vector<256x64xf32>
      %convert_element_type3A_208 = arith.truncf %get3A_207 : vector<256x64xf32> to vector<256x64xbf16>
      %dot_general3A_209 = arith.constant dense<0.000000e+00> : vector<1024x256xf32>
      %dot_general3A_210 = tpu.matmul %get3A_3, %convert_element_type3A_208, %dot_general3A_209 {dimension_numbers = #tpu.dot_dimension_numbers<[1], [1], [0], [0], [0, 0, 1, 0], [], []>, transpose_lhs_hint = false} : vector<1024x64xbf16>, vector<256x64xbf16>, vector<1024x256xf32> -> vector<1024x256xf32>
      %exp23A_211 = math.exp2 %dot_general3A_210 : vector<1024x256xf32>
      %jit3A_212 = arith.constant 0.000000e+00 : f32
      %broadcast_in_dim3A_213 = vector.shape_cast %lt3A_204 : vector<1x256xi1> to vector<1x256xi1>
      %broadcast_in_dim3A_214 = vector.broadcast %broadcast_in_dim3A_213 : vector<1x256xi1> to vector<1024x256xi1>
      %broadcast_in_dim3A_215 = vector.broadcast %jit3A_212 : f32 to vector<1024x256xf32>
      %select_n3A_216 = arith.select %broadcast_in_dim3A_214, %exp23A_211, %broadcast_in_dim3A_215 : vector<1024x256xi1>, vector<1024x256xf32>
      %add3A_217 = arith.addf %add3A_183, %select_n3A_216 : vector<1024x256xf32>
      %sub3A_218 = arith.constant 2816 : i32
      %sub3A_219 = arith.subi %sub3A_40, %sub3A_218 : i32
      %lt3A_220 = vector.broadcast %sub3A_219 : i32 to vector<1x256xi32>
      %lt3A_221 = arith.cmpi slt, %iota3A, %lt3A_220 : vector<1x256xi32>
      %get3A_222 = arith.constant 2816 : index
      %get3A_223 = arith.constant 0 : index
      %get3A_224 = vector.load %arg4[%get3A_222, %get3A_223] : memref<8192x64xf32, #tpu.memory_space<vmem>>, vector<256x64xf32>
      %convert_element_type3A_225 = arith.truncf %get3A_224 : vector<256x64xf32> to vector<256x64xbf16>
      %dot_general3A_226 = arith.constant dense<0.000000e+00> : vector<1024x256xf32>
      %dot_general3A_227 = tpu.matmul %get3A_3, %convert_element_type3A_225, %dot_general3A_226 {dimension_numbers = #tpu.dot_dimension_numbers<[1], [1], [0], [0], [0, 0, 1, 0], [], []>, transpose_lhs_hint = false} : vector<1024x64xbf16>, vector<256x64xbf16>, vector<1024x256xf32> -> vector<1024x256xf32>
      %exp23A_228 = math.exp2 %dot_general3A_227 : vector<1024x256xf32>
      %jit3A_229 = arith.constant 0.000000e+00 : f32
      %broadcast_in_dim3A_230 = vector.shape_cast %lt3A_221 : vector<1x256xi1> to vector<1x256xi1>
      %broadcast_in_dim3A_231 = vector.broadcast %broadcast_in_dim3A_230 : vector<1x256xi1> to vector<1024x256xi1>
      %broadcast_in_dim3A_232 = vector.broadcast %jit3A_229 : f32 to vector<1024x256xf32>
      %select_n3A_233 = arith.select %broadcast_in_dim3A_231, %exp23A_228, %broadcast_in_dim3A_232 : vector<1024x256xi1>, vector<1024x256xf32>
      %add3A_234 = arith.addf %add3A_200, %select_n3A_233 : vector<1024x256xf32>
      %sub3A_235 = arith.constant 3072 : i32
      %sub3A_236 = arith.subi %sub3A_40, %sub3A_235 : i32
      %lt3A_237 = vector.broadcast %sub3A_236 : i32 to vector<1x256xi32>
      %lt3A_238 = arith.cmpi slt, %iota3A, %lt3A_237 : vector<1x256xi32>
      %get3A_239 = arith.constant 3072 : index
      %get3A_240 = arith.constant 0 : index
      %get3A_241 = vector.load %arg4[%get3A_239, %get3A_240] : memref<8192x64xf32, #tpu.memory_space<vmem>>, vector<256x64xf32>
      %convert_element_type3A_242 = arith.truncf %get3A_241 : vector<256x64xf32> to vector<256x64xbf16>
      %dot_general3A_243 = arith.constant dense<0.000000e+00> : vector<1024x256xf32>
      %dot_general3A_244 = tpu.matmul %get3A_3, %convert_element_type3A_242, %dot_general3A_243 {dimension_numbers = #tpu.dot_dimension_numbers<[1], [1], [0], [0], [0, 0, 1, 0], [], []>, transpose_lhs_hint = false} : vector<1024x64xbf16>, vector<256x64xbf16>, vector<1024x256xf32> -> vector<1024x256xf32>
      %exp23A_245 = math.exp2 %dot_general3A_244 : vector<1024x256xf32>
      %jit3A_246 = arith.constant 0.000000e+00 : f32
      %broadcast_in_dim3A_247 = vector.shape_cast %lt3A_238 : vector<1x256xi1> to vector<1x256xi1>
      %broadcast_in_dim3A_248 = vector.broadcast %broadcast_in_dim3A_247 : vector<1x256xi1> to vector<1024x256xi1>
      %broadcast_in_dim3A_249 = vector.broadcast %jit3A_246 : f32 to vector<1024x256xf32>
      %select_n3A_250 = arith.select %broadcast_in_dim3A_248, %exp23A_245, %broadcast_in_dim3A_249 : vector<1024x256xi1>, vector<1024x256xf32>
      %add3A_251 = arith.addf %add3A_217, %select_n3A_250 : vector<1024x256xf32>
      %sub3A_252 = arith.constant 3328 : i32
      %sub3A_253 = arith.subi %sub3A_40, %sub3A_252 : i32
      %lt3A_254 = vector.broadcast %sub3A_253 : i32 to vector<1x256xi32>
      %lt3A_255 = arith.cmpi slt, %iota3A, %lt3A_254 : vector<1x256xi32>
      %get3A_256 = arith.constant 3328 : index
      %get3A_257 = arith.constant 0 : index
      %get3A_258 = vector.load %arg4[%get3A_256, %get3A_257] : memref<8192x64xf32, #tpu.memory_space<vmem>>, vector<256x64xf32>
      %convert_element_type3A_259 = arith.truncf %get3A_258 : vector<256x64xf32> to vector<256x64xbf16>
      %dot_general3A_260 = arith.constant dense<0.000000e+00> : vector<1024x256xf32>
      %dot_general3A_261 = tpu.matmul %get3A_3, %convert_element_type3A_259, %dot_general3A_260 {dimension_numbers = #tpu.dot_dimension_numbers<[1], [1], [0], [0], [0, 0, 1, 0], [], []>, transpose_lhs_hint = false} : vector<1024x64xbf16>, vector<256x64xbf16>, vector<1024x256xf32> -> vector<1024x256xf32>
      %exp23A_262 = math.exp2 %dot_general3A_261 : vector<1024x256xf32>
      %jit3A_263 = arith.constant 0.000000e+00 : f32
      %broadcast_in_dim3A_264 = vector.shape_cast %lt3A_255 : vector<1x256xi1> to vector<1x256xi1>
      %broadcast_in_dim3A_265 = vector.broadcast %broadcast_in_dim3A_264 : vector<1x256xi1> to vector<1024x256xi1>
      %broadcast_in_dim3A_266 = vector.broadcast %jit3A_263 : f32 to vector<1024x256xf32>
      %select_n3A_267 = arith.select %broadcast_in_dim3A_265, %exp23A_262, %broadcast_in_dim3A_266 : vector<1024x256xi1>, vector<1024x256xf32>
      %add3A_268 = arith.addf %add3A_234, %select_n3A_267 : vector<1024x256xf32>
      %sub3A_269 = arith.constant 3584 : i32
      %sub3A_270 = arith.subi %sub3A_40, %sub3A_269 : i32
      %lt3A_271 = vector.broadcast %sub3A_270 : i32 to vector<1x256xi32>
      %lt3A_272 = arith.cmpi slt, %iota3A, %lt3A_271 : vector<1x256xi32>
      %get3A_273 = arith.constant 3584 : index
      %get3A_274 = arith.constant 0 : index
      %get3A_275 = vector.load %arg4[%get3A_273, %get3A_274] : memref<8192x64xf32, #tpu.memory_space<vmem>>, vector<256x64xf32>
      %convert_element_type3A_276 = arith.truncf %get3A_275 : vector<256x64xf32> to vector<256x64xbf16>
      %dot_general3A_277 = arith.constant dense<0.000000e+00> : vector<1024x256xf32>
      %dot_general3A_278 = tpu.matmul %get3A_3, %convert_element_type3A_276, %dot_general3A_277 {dimension_numbers = #tpu.dot_dimension_numbers<[1], [1], [0], [0], [0, 0, 1, 0], [], []>, transpose_lhs_hint = false} : vector<1024x64xbf16>, vector<256x64xbf16>, vector<1024x256xf32> -> vector<1024x256xf32>
      %exp23A_279 = math.exp2 %dot_general3A_278 : vector<1024x256xf32>
      %jit3A_280 = arith.constant 0.000000e+00 : f32
      %broadcast_in_dim3A_281 = vector.shape_cast %lt3A_272 : vector<1x256xi1> to vector<1x256xi1>
      %broadcast_in_dim3A_282 = vector.broadcast %broadcast_in_dim3A_281 : vector<1x256xi1> to vector<1024x256xi1>
      %broadcast_in_dim3A_283 = vector.broadcast %jit3A_280 : f32 to vector<1024x256xf32>
      %select_n3A_284 = arith.select %broadcast_in_dim3A_282, %exp23A_279, %broadcast_in_dim3A_283 : vector<1024x256xi1>, vector<1024x256xf32>
      %add3A_285 = arith.addf %add3A_251, %select_n3A_284 : vector<1024x256xf32>
      %sub3A_286 = arith.constant 3840 : i32
      %sub3A_287 = arith.subi %sub3A_40, %sub3A_286 : i32
      %lt3A_288 = vector.broadcast %sub3A_287 : i32 to vector<1x256xi32>
      %lt3A_289 = arith.cmpi slt, %iota3A, %lt3A_288 : vector<1x256xi32>
      %get3A_290 = arith.constant 3840 : index
      %get3A_291 = arith.constant 0 : index
      %get3A_292 = vector.load %arg4[%get3A_290, %get3A_291] : memref<8192x64xf32, #tpu.memory_space<vmem>>, vector<256x64xf32>
      %convert_element_type3A_293 = arith.truncf %get3A_292 : vector<256x64xf32> to vector<256x64xbf16>
      %dot_general3A_294 = arith.constant dense<0.000000e+00> : vector<1024x256xf32>
      %dot_general3A_295 = tpu.matmul %get3A_3, %convert_element_type3A_293, %dot_general3A_294 {dimension_numbers = #tpu.dot_dimension_numbers<[1], [1], [0], [0], [0, 0, 1, 0], [], []>, transpose_lhs_hint = false} : vector<1024x64xbf16>, vector<256x64xbf16>, vector<1024x256xf32> -> vector<1024x256xf32>
      %exp23A_296 = math.exp2 %dot_general3A_295 : vector<1024x256xf32>
      %jit3A_297 = arith.constant 0.000000e+00 : f32
      %broadcast_in_dim3A_298 = vector.shape_cast %lt3A_289 : vector<1x256xi1> to vector<1x256xi1>
      %broadcast_in_dim3A_299 = vector.broadcast %broadcast_in_dim3A_298 : vector<1x256xi1> to vector<1024x256xi1>
      %broadcast_in_dim3A_300 = vector.broadcast %jit3A_297 : f32 to vector<1024x256xf32>
      %select_n3A_301 = arith.select %broadcast_in_dim3A_299, %exp23A_296, %broadcast_in_dim3A_300 : vector<1024x256xi1>, vector<1024x256xf32>
      %add3A_302 = arith.addf %add3A_268, %select_n3A_301 : vector<1024x256xf32>
      %sub3A_303 = arith.constant 4096 : i32
      %sub3A_304 = arith.subi %sub3A_40, %sub3A_303 : i32
      %lt3A_305 = vector.broadcast %sub3A_304 : i32 to vector<1x256xi32>
      %lt3A_306 = arith.cmpi slt, %iota3A, %lt3A_305 : vector<1x256xi32>
      %get3A_307 = arith.constant 4096 : index
      %get3A_308 = arith.constant 0 : index
      %get3A_309 = vector.load %arg4[%get3A_307, %get3A_308] : memref<8192x64xf32, #tpu.memory_space<vmem>>, vector<256x64xf32>
      %convert_element_type3A_310 = arith.truncf %get3A_309 : vector<256x64xf32> to vector<256x64xbf16>
      %dot_general3A_311 = arith.constant dense<0.000000e+00> : vector<1024x256xf32>
      %dot_general3A_312 = tpu.matmul %get3A_3, %convert_element_type3A_310, %dot_general3A_311 {dimension_numbers = #tpu.dot_dimension_numbers<[1], [1], [0], [0], [0, 0, 1, 0], [], []>, transpose_lhs_hint = false} : vector<1024x64xbf16>, vector<256x64xbf16>, vector<1024x256xf32> -> vector<1024x256xf32>
      %exp23A_313 = math.exp2 %dot_general3A_312 : vector<1024x256xf32>
      %jit3A_314 = arith.constant 0.000000e+00 : f32
      %broadcast_in_dim3A_315 = vector.shape_cast %lt3A_306 : vector<1x256xi1> to vector<1x256xi1>
      %broadcast_in_dim3A_316 = vector.broadcast %broadcast_in_dim3A_315 : vector<1x256xi1> to vector<1024x256xi1>
      %broadcast_in_dim3A_317 = vector.broadcast %jit3A_314 : f32 to vector<1024x256xf32>
      %select_n3A_318 = arith.select %broadcast_in_dim3A_316, %exp23A_313, %broadcast_in_dim3A_317 : vector<1024x256xi1>, vector<1024x256xf32>
      %add3A_319 = arith.addf %add3A_285, %select_n3A_318 : vector<1024x256xf32>
      %sub3A_320 = arith.constant 4352 : i32
      %sub3A_321 = arith.subi %sub3A_40, %sub3A_320 : i32
      %lt3A_322 = vector.broadcast %sub3A_321 : i32 to vector<1x256xi32>
      %lt3A_323 = arith.cmpi slt, %iota3A, %lt3A_322 : vector<1x256xi32>
      %get3A_324 = arith.constant 4352 : index
      %get3A_325 = arith.constant 0 : index
      %get3A_326 = vector.load %arg4[%get3A_324, %get3A_325] : memref<8192x64xf32, #tpu.memory_space<vmem>>, vector<256x64xf32>
      %convert_element_type3A_327 = arith.truncf %get3A_326 : vector<256x64xf32> to vector<256x64xbf16>
      %dot_general3A_328 = arith.constant dense<0.000000e+00> : vector<1024x256xf32>
      %dot_general3A_329 = tpu.matmul %get3A_3, %convert_element_type3A_327, %dot_general3A_328 {dimension_numbers = #tpu.dot_dimension_numbers<[1], [1], [0], [0], [0, 0, 1, 0], [], []>, transpose_lhs_hint = false} : vector<1024x64xbf16>, vector<256x64xbf16>, vector<1024x256xf32> -> vector<1024x256xf32>
      %exp23A_330 = math.exp2 %dot_general3A_329 : vector<1024x256xf32>
      %jit3A_331 = arith.constant 0.000000e+00 : f32
      %broadcast_in_dim3A_332 = vector.shape_cast %lt3A_323 : vector<1x256xi1> to vector<1x256xi1>
      %broadcast_in_dim3A_333 = vector.broadcast %broadcast_in_dim3A_332 : vector<1x256xi1> to vector<1024x256xi1>
      %broadcast_in_dim3A_334 = vector.broadcast %jit3A_331 : f32 to vector<1024x256xf32>
      %select_n3A_335 = arith.select %broadcast_in_dim3A_333, %exp23A_330, %broadcast_in_dim3A_334 : vector<1024x256xi1>, vector<1024x256xf32>
      %add3A_336 = arith.addf %add3A_302, %select_n3A_335 : vector<1024x256xf32>
      %sub3A_337 = arith.constant 4608 : i32
      %sub3A_338 = arith.subi %sub3A_40, %sub3A_337 : i32
      %lt3A_339 = vector.broadcast %sub3A_338 : i32 to vector<1x256xi32>
      %lt3A_340 = arith.cmpi slt, %iota3A, %lt3A_339 : vector<1x256xi32>
      %get3A_341 = arith.constant 4608 : index
      %get3A_342 = arith.constant 0 : index
      %get3A_343 = vector.load %arg4[%get3A_341, %get3A_342] : memref<8192x64xf32, #tpu.memory_space<vmem>>, vector<256x64xf32>
      %convert_element_type3A_344 = arith.truncf %get3A_343 : vector<256x64xf32> to vector<256x64xbf16>
      %dot_general3A_345 = arith.constant dense<0.000000e+00> : vector<1024x256xf32>
      %dot_general3A_346 = tpu.matmul %get3A_3, %convert_element_type3A_344, %dot_general3A_345 {dimension_numbers = #tpu.dot_dimension_numbers<[1], [1], [0], [0], [0, 0, 1, 0], [], []>, transpose_lhs_hint = false} : vector<1024x64xbf16>, vector<256x64xbf16>, vector<1024x256xf32> -> vector<1024x256xf32>
      %exp23A_347 = math.exp2 %dot_general3A_346 : vector<1024x256xf32>
      %jit3A_348 = arith.constant 0.000000e+00 : f32
      %broadcast_in_dim3A_349 = vector.shape_cast %lt3A_340 : vector<1x256xi1> to vector<1x256xi1>
      %broadcast_in_dim3A_350 = vector.broadcast %broadcast_in_dim3A_349 : vector<1x256xi1> to vector<1024x256xi1>
      %broadcast_in_dim3A_351 = vector.broadcast %jit3A_348 : f32 to vector<1024x256xf32>
      %select_n3A_352 = arith.select %broadcast_in_dim3A_350, %exp23A_347, %broadcast_in_dim3A_351 : vector<1024x256xi1>, vector<1024x256xf32>
      %add3A_353 = arith.addf %add3A_319, %select_n3A_352 : vector<1024x256xf32>
      %sub3A_354 = arith.constant 4864 : i32
      %sub3A_355 = arith.subi %sub3A_40, %sub3A_354 : i32
      %lt3A_356 = vector.broadcast %sub3A_355 : i32 to vector<1x256xi32>
      %lt3A_357 = arith.cmpi slt, %iota3A, %lt3A_356 : vector<1x256xi32>
      %get3A_358 = arith.constant 4864 : index
      %get3A_359 = arith.constant 0 : index
      %get3A_360 = vector.load %arg4[%get3A_358, %get3A_359] : memref<8192x64xf32, #tpu.memory_space<vmem>>, vector<256x64xf32>
      %convert_element_type3A_361 = arith.truncf %get3A_360 : vector<256x64xf32> to vector<256x64xbf16>
      %dot_general3A_362 = arith.constant dense<0.000000e+00> : vector<1024x256xf32>
      %dot_general3A_363 = tpu.matmul %get3A_3, %convert_element_type3A_361, %dot_general3A_362 {dimension_numbers = #tpu.dot_dimension_numbers<[1], [1], [0], [0], [0, 0, 1, 0], [], []>, transpose_lhs_hint = false} : vector<1024x64xbf16>, vector<256x64xbf16>, vector<1024x256xf32> -> vector<1024x256xf32>
      %exp23A_364 = math.exp2 %dot_general3A_363 : vector<1024x256xf32>
      %jit3A_365 = arith.constant 0.000000e+00 : f32
      %broadcast_in_dim3A_366 = vector.shape_cast %lt3A_357 : vector<1x256xi1> to vector<1x256xi1>
      %broadcast_in_dim3A_367 = vector.broadcast %broadcast_in_dim3A_366 : vector<1x256xi1> to vector<1024x256xi1>
      %broadcast_in_dim3A_368 = vector.broadcast %jit3A_365 : f32 to vector<1024x256xf32>
      %select_n3A_369 = arith.select %broadcast_in_dim3A_367, %exp23A_364, %broadcast_in_dim3A_368 : vector<1024x256xi1>, vector<1024x256xf32>
      %add3A_370 = arith.addf %add3A_336, %select_n3A_369 : vector<1024x256xf32>
      %sub3A_371 = arith.constant 5120 : i32
      %sub3A_372 = arith.subi %sub3A_40, %sub3A_371 : i32
      %lt3A_373 = vector.broadcast %sub3A_372 : i32 to vector<1x256xi32>
      %lt3A_374 = arith.cmpi slt, %iota3A, %lt3A_373 : vector<1x256xi32>
      %get3A_375 = arith.constant 5120 : index
      %get3A_376 = arith.constant 0 : index
      %get3A_377 = vector.load %arg4[%get3A_375, %get3A_376] : memref<8192x64xf32, #tpu.memory_space<vmem>>, vector<256x64xf32>
      %convert_element_type3A_378 = arith.truncf %get3A_377 : vector<256x64xf32> to vector<256x64xbf16>
      %dot_general3A_379 = arith.constant dense<0.000000e+00> : vector<1024x256xf32>
      %dot_general3A_380 = tpu.matmul %get3A_3, %convert_element_type3A_378, %dot_general3A_379 {dimension_numbers = #tpu.dot_dimension_numbers<[1], [1], [0], [0], [0, 0, 1, 0], [], []>, transpose_lhs_hint = false} : vector<1024x64xbf16>, vector<256x64xbf16>, vector<1024x256xf32> -> vector<1024x256xf32>
      %exp23A_381 = math.exp2 %dot_general3A_380 : vector<1024x256xf32>
      %jit3A_382 = arith.constant 0.000000e+00 : f32
      %broadcast_in_dim3A_383 = vector.shape_cast %lt3A_374 : vector<1x256xi1> to vector<1x256xi1>
      %broadcast_in_dim3A_384 = vector.broadcast %broadcast_in_dim3A_383 : vector<1x256xi1> to vector<1024x256xi1>
      %broadcast_in_dim3A_385 = vector.broadcast %jit3A_382 : f32 to vector<1024x256xf32>
      %select_n3A_386 = arith.select %broadcast_in_dim3A_384, %exp23A_381, %broadcast_in_dim3A_385 : vector<1024x256xi1>, vector<1024x256xf32>
      %add3A_387 = arith.addf %add3A_353, %select_n3A_386 : vector<1024x256xf32>
      %sub3A_388 = arith.constant 5376 : i32
      %sub3A_389 = arith.subi %sub3A_40, %sub3A_388 : i32
      %lt3A_390 = vector.broadcast %sub3A_389 : i32 to vector<1x256xi32>
      %lt3A_391 = arith.cmpi slt, %iota3A, %lt3A_390 : vector<1x256xi32>
      %get3A_392 = arith.constant 5376 : index
      %get3A_393 = arith.constant 0 : index
      %get3A_394 = vector.load %arg4[%get3A_392, %get3A_393] : memref<8192x64xf32, #tpu.memory_space<vmem>>, vector<256x64xf32>
      %convert_element_type3A_395 = arith.truncf %get3A_394 : vector<256x64xf32> to vector<256x64xbf16>
      %dot_general3A_396 = arith.constant dense<0.000000e+00> : vector<1024x256xf32>
      %dot_general3A_397 = tpu.matmul %get3A_3, %convert_element_type3A_395, %dot_general3A_396 {dimension_numbers = #tpu.dot_dimension_numbers<[1], [1], [0], [0], [0, 0, 1, 0], [], []>, transpose_lhs_hint = false} : vector<1024x64xbf16>, vector<256x64xbf16>, vector<1024x256xf32> -> vector<1024x256xf32>
      %exp23A_398 = math.exp2 %dot_general3A_397 : vector<1024x256xf32>
      %jit3A_399 = arith.constant 0.000000e+00 : f32
      %broadcast_in_dim3A_400 = vector.shape_cast %lt3A_391 : vector<1x256xi1> to vector<1x256xi1>
      %broadcast_in_dim3A_401 = vector.broadcast %broadcast_in_dim3A_400 : vector<1x256xi1> to vector<1024x256xi1>
      %broadcast_in_dim3A_402 = vector.broadcast %jit3A_399 : f32 to vector<1024x256xf32>
      %select_n3A_403 = arith.select %broadcast_in_dim3A_401, %exp23A_398, %broadcast_in_dim3A_402 : vector<1024x256xi1>, vector<1024x256xf32>
      %add3A_404 = arith.addf %add3A_370, %select_n3A_403 : vector<1024x256xf32>
      %sub3A_405 = arith.constant 5632 : i32
      %sub3A_406 = arith.subi %sub3A_40, %sub3A_405 : i32
      %lt3A_407 = vector.broadcast %sub3A_406 : i32 to vector<1x256xi32>
      %lt3A_408 = arith.cmpi slt, %iota3A, %lt3A_407 : vector<1x256xi32>
      %get3A_409 = arith.constant 5632 : index
      %get3A_410 = arith.constant 0 : index
      %get3A_411 = vector.load %arg4[%get3A_409, %get3A_410] : memref<8192x64xf32, #tpu.memory_space<vmem>>, vector<256x64xf32>
      %convert_element_type3A_412 = arith.truncf %get3A_411 : vector<256x64xf32> to vector<256x64xbf16>
      %dot_general3A_413 = arith.constant dense<0.000000e+00> : vector<1024x256xf32>
      %dot_general3A_414 = tpu.matmul %get3A_3, %convert_element_type3A_412, %dot_general3A_413 {dimension_numbers = #tpu.dot_dimension_numbers<[1], [1], [0], [0], [0, 0, 1, 0], [], []>, transpose_lhs_hint = false} : vector<1024x64xbf16>, vector<256x64xbf16>, vector<1024x256xf32> -> vector<1024x256xf32>
      %exp23A_415 = math.exp2 %dot_general3A_414 : vector<1024x256xf32>
      %jit3A_416 = arith.constant 0.000000e+00 : f32
      %broadcast_in_dim3A_417 = vector.shape_cast %lt3A_408 : vector<1x256xi1> to vector<1x256xi1>
      %broadcast_in_dim3A_418 = vector.broadcast %broadcast_in_dim3A_417 : vector<1x256xi1> to vector<1024x256xi1>
      %broadcast_in_dim3A_419 = vector.broadcast %jit3A_416 : f32 to vector<1024x256xf32>
      %select_n3A_420 = arith.select %broadcast_in_dim3A_418, %exp23A_415, %broadcast_in_dim3A_419 : vector<1024x256xi1>, vector<1024x256xf32>
      %add3A_421 = arith.addf %add3A_387, %select_n3A_420 : vector<1024x256xf32>
      %sub3A_422 = arith.constant 5888 : i32
      %sub3A_423 = arith.subi %sub3A_40, %sub3A_422 : i32
      %lt3A_424 = vector.broadcast %sub3A_423 : i32 to vector<1x256xi32>
      %lt3A_425 = arith.cmpi slt, %iota3A, %lt3A_424 : vector<1x256xi32>
      %get3A_426 = arith.constant 5888 : index
      %get3A_427 = arith.constant 0 : index
      %get3A_428 = vector.load %arg4[%get3A_426, %get3A_427] : memref<8192x64xf32, #tpu.memory_space<vmem>>, vector<256x64xf32>
      %convert_element_type3A_429 = arith.truncf %get3A_428 : vector<256x64xf32> to vector<256x64xbf16>
      %dot_general3A_430 = arith.constant dense<0.000000e+00> : vector<1024x256xf32>
      %dot_general3A_431 = tpu.matmul %get3A_3, %convert_element_type3A_429, %dot_general3A_430 {dimension_numbers = #tpu.dot_dimension_numbers<[1], [1], [0], [0], [0, 0, 1, 0], [], []>, transpose_lhs_hint = false} : vector<1024x64xbf16>, vector<256x64xbf16>, vector<1024x256xf32> -> vector<1024x256xf32>
      %exp23A_432 = math.exp2 %dot_general3A_431 : vector<1024x256xf32>
      %jit3A_433 = arith.constant 0.000000e+00 : f32
      %broadcast_in_dim3A_434 = vector.shape_cast %lt3A_425 : vector<1x256xi1> to vector<1x256xi1>
      %broadcast_in_dim3A_435 = vector.broadcast %broadcast_in_dim3A_434 : vector<1x256xi1> to vector<1024x256xi1>
      %broadcast_in_dim3A_436 = vector.broadcast %jit3A_433 : f32 to vector<1024x256xf32>
      %select_n3A_437 = arith.select %broadcast_in_dim3A_435, %exp23A_432, %broadcast_in_dim3A_436 : vector<1024x256xi1>, vector<1024x256xf32>
      %add3A_438 = arith.addf %add3A_404, %select_n3A_437 : vector<1024x256xf32>
      %sub3A_439 = arith.constant 6144 : i32
      %sub3A_440 = arith.subi %sub3A_40, %sub3A_439 : i32
      %lt3A_441 = vector.broadcast %sub3A_440 : i32 to vector<1x256xi32>
      %lt3A_442 = arith.cmpi slt, %iota3A, %lt3A_441 : vector<1x256xi32>
      %get3A_443 = arith.constant 6144 : index
      %get3A_444 = arith.constant 0 : index
      %get3A_445 = vector.load %arg4[%get3A_443, %get3A_444] : memref<8192x64xf32, #tpu.memory_space<vmem>>, vector<256x64xf32>
      %convert_element_type3A_446 = arith.truncf %get3A_445 : vector<256x64xf32> to vector<256x64xbf16>
      %dot_general3A_447 = arith.constant dense<0.000000e+00> : vector<1024x256xf32>
      %dot_general3A_448 = tpu.matmul %get3A_3, %convert_element_type3A_446, %dot_general3A_447 {dimension_numbers = #tpu.dot_dimension_numbers<[1], [1], [0], [0], [0, 0, 1, 0], [], []>, transpose_lhs_hint = false} : vector<1024x64xbf16>, vector<256x64xbf16>, vector<1024x256xf32> -> vector<1024x256xf32>
      %exp23A_449 = math.exp2 %dot_general3A_448 : vector<1024x256xf32>
      %jit3A_450 = arith.constant 0.000000e+00 : f32
      %broadcast_in_dim3A_451 = vector.shape_cast %lt3A_442 : vector<1x256xi1> to vector<1x256xi1>
      %broadcast_in_dim3A_452 = vector.broadcast %broadcast_in_dim3A_451 : vector<1x256xi1> to vector<1024x256xi1>
      %broadcast_in_dim3A_453 = vector.broadcast %jit3A_450 : f32 to vector<1024x256xf32>
      %select_n3A_454 = arith.select %broadcast_in_dim3A_452, %exp23A_449, %broadcast_in_dim3A_453 : vector<1024x256xi1>, vector<1024x256xf32>
      %add3A_455 = arith.addf %add3A_421, %select_n3A_454 : vector<1024x256xf32>
      %sub3A_456 = arith.constant 6400 : i32
      %sub3A_457 = arith.subi %sub3A_40, %sub3A_456 : i32
      %lt3A_458 = vector.broadcast %sub3A_457 : i32 to vector<1x256xi32>
      %lt3A_459 = arith.cmpi slt, %iota3A, %lt3A_458 : vector<1x256xi32>
      %get3A_460 = arith.constant 6400 : index
      %get3A_461 = arith.constant 0 : index
      %get3A_462 = vector.load %arg4[%get3A_460, %get3A_461] : memref<8192x64xf32, #tpu.memory_space<vmem>>, vector<256x64xf32>
      %convert_element_type3A_463 = arith.truncf %get3A_462 : vector<256x64xf32> to vector<256x64xbf16>
      %dot_general3A_464 = arith.constant dense<0.000000e+00> : vector<1024x256xf32>
      %dot_general3A_465 = tpu.matmul %get3A_3, %convert_element_type3A_463, %dot_general3A_464 {dimension_numbers = #tpu.dot_dimension_numbers<[1], [1], [0], [0], [0, 0, 1, 0], [], []>, transpose_lhs_hint = false} : vector<1024x64xbf16>, vector<256x64xbf16>, vector<1024x256xf32> -> vector<1024x256xf32>
      %exp23A_466 = math.exp2 %dot_general3A_465 : vector<1024x256xf32>
      %jit3A_467 = arith.constant 0.000000e+00 : f32
      %broadcast_in_dim3A_468 = vector.shape_cast %lt3A_459 : vector<1x256xi1> to vector<1x256xi1>
      %broadcast_in_dim3A_469 = vector.broadcast %broadcast_in_dim3A_468 : vector<1x256xi1> to vector<1024x256xi1>
      %broadcast_in_dim3A_470 = vector.broadcast %jit3A_467 : f32 to vector<1024x256xf32>
      %select_n3A_471 = arith.select %broadcast_in_dim3A_469, %exp23A_466, %broadcast_in_dim3A_470 : vector<1024x256xi1>, vector<1024x256xf32>
      %add3A_472 = arith.addf %add3A_438, %select_n3A_471 : vector<1024x256xf32>
      %sub3A_473 = arith.constant 6656 : i32
      %sub3A_474 = arith.subi %sub3A_40, %sub3A_473 : i32
      %lt3A_475 = vector.broadcast %sub3A_474 : i32 to vector<1x256xi32>
      %lt3A_476 = arith.cmpi slt, %iota3A, %lt3A_475 : vector<1x256xi32>
      %get3A_477 = arith.constant 6656 : index
      %get3A_478 = arith.constant 0 : index
      %get3A_479 = vector.load %arg4[%get3A_477, %get3A_478] : memref<8192x64xf32, #tpu.memory_space<vmem>>, vector<256x64xf32>
      %convert_element_type3A_480 = arith.truncf %get3A_479 : vector<256x64xf32> to vector<256x64xbf16>
      %dot_general3A_481 = arith.constant dense<0.000000e+00> : vector<1024x256xf32>
      %dot_general3A_482 = tpu.matmul %get3A_3, %convert_element_type3A_480, %dot_general3A_481 {dimension_numbers = #tpu.dot_dimension_numbers<[1], [1], [0], [0], [0, 0, 1, 0], [], []>, transpose_lhs_hint = false} : vector<1024x64xbf16>, vector<256x64xbf16>, vector<1024x256xf32> -> vector<1024x256xf32>
      %exp23A_483 = math.exp2 %dot_general3A_482 : vector<1024x256xf32>
      %jit3A_484 = arith.constant 0.000000e+00 : f32
      %broadcast_in_dim3A_485 = vector.shape_cast %lt3A_476 : vector<1x256xi1> to vector<1x256xi1>
      %broadcast_in_dim3A_486 = vector.broadcast %broadcast_in_dim3A_485 : vector<1x256xi1> to vector<1024x256xi1>
      %broadcast_in_dim3A_487 = vector.broadcast %jit3A_484 : f32 to vector<1024x256xf32>
      %select_n3A_488 = arith.select %broadcast_in_dim3A_486, %exp23A_483, %broadcast_in_dim3A_487 : vector<1024x256xi1>, vector<1024x256xf32>
      %add3A_489 = arith.addf %add3A_455, %select_n3A_488 : vector<1024x256xf32>
      %sub3A_490 = arith.constant 6912 : i32
      %sub3A_491 = arith.subi %sub3A_40, %sub3A_490 : i32
      %lt3A_492 = vector.broadcast %sub3A_491 : i32 to vector<1x256xi32>
      %lt3A_493 = arith.cmpi slt, %iota3A, %lt3A_492 : vector<1x256xi32>
      %get3A_494 = arith.constant 6912 : index
      %get3A_495 = arith.constant 0 : index
      %get3A_496 = vector.load %arg4[%get3A_494, %get3A_495] : memref<8192x64xf32, #tpu.memory_space<vmem>>, vector<256x64xf32>
      %convert_element_type3A_497 = arith.truncf %get3A_496 : vector<256x64xf32> to vector<256x64xbf16>
      %dot_general3A_498 = arith.constant dense<0.000000e+00> : vector<1024x256xf32>
      %dot_general3A_499 = tpu.matmul %get3A_3, %convert_element_type3A_497, %dot_general3A_498 {dimension_numbers = #tpu.dot_dimension_numbers<[1], [1], [0], [0], [0, 0, 1, 0], [], []>, transpose_lhs_hint = false} : vector<1024x64xbf16>, vector<256x64xbf16>, vector<1024x256xf32> -> vector<1024x256xf32>
      %exp23A_500 = math.exp2 %dot_general3A_499 : vector<1024x256xf32>
      %jit3A_501 = arith.constant 0.000000e+00 : f32
      %broadcast_in_dim3A_502 = vector.shape_cast %lt3A_493 : vector<1x256xi1> to vector<1x256xi1>
      %broadcast_in_dim3A_503 = vector.broadcast %broadcast_in_dim3A_502 : vector<1x256xi1> to vector<1024x256xi1>
      %broadcast_in_dim3A_504 = vector.broadcast %jit3A_501 : f32 to vector<1024x256xf32>
      %select_n3A_505 = arith.select %broadcast_in_dim3A_503, %exp23A_500, %broadcast_in_dim3A_504 : vector<1024x256xi1>, vector<1024x256xf32>
      %add3A_506 = arith.addf %add3A_472, %select_n3A_505 : vector<1024x256xf32>
      %sub3A_507 = arith.constant 7168 : i32
      %sub3A_508 = arith.subi %sub3A_40, %sub3A_507 : i32
      %lt3A_509 = vector.broadcast %sub3A_508 : i32 to vector<1x256xi32>
      %lt3A_510 = arith.cmpi slt, %iota3A, %lt3A_509 : vector<1x256xi32>
      %get3A_511 = arith.constant 7168 : index
      %get3A_512 = arith.constant 0 : index
      %get3A_513 = vector.load %arg4[%get3A_511, %get3A_512] : memref<8192x64xf32, #tpu.memory_space<vmem>>, vector<256x64xf32>
      %convert_element_type3A_514 = arith.truncf %get3A_513 : vector<256x64xf32> to vector<256x64xbf16>
      %dot_general3A_515 = arith.constant dense<0.000000e+00> : vector<1024x256xf32>
      %dot_general3A_516 = tpu.matmul %get3A_3, %convert_element_type3A_514, %dot_general3A_515 {dimension_numbers = #tpu.dot_dimension_numbers<[1], [1], [0], [0], [0, 0, 1, 0], [], []>, transpose_lhs_hint = false} : vector<1024x64xbf16>, vector<256x64xbf16>, vector<1024x256xf32> -> vector<1024x256xf32>
      %exp23A_517 = math.exp2 %dot_general3A_516 : vector<1024x256xf32>
      %jit3A_518 = arith.constant 0.000000e+00 : f32
      %broadcast_in_dim3A_519 = vector.shape_cast %lt3A_510 : vector<1x256xi1> to vector<1x256xi1>
      %broadcast_in_dim3A_520 = vector.broadcast %broadcast_in_dim3A_519 : vector<1x256xi1> to vector<1024x256xi1>
      %broadcast_in_dim3A_521 = vector.broadcast %jit3A_518 : f32 to vector<1024x256xf32>
      %select_n3A_522 = arith.select %broadcast_in_dim3A_520, %exp23A_517, %broadcast_in_dim3A_521 : vector<1024x256xi1>, vector<1024x256xf32>
      %add3A_523 = arith.addf %add3A_489, %select_n3A_522 : vector<1024x256xf32>
      %sub3A_524 = arith.constant 7424 : i32
      %sub3A_525 = arith.subi %sub3A_40, %sub3A_524 : i32
      %lt3A_526 = vector.broadcast %sub3A_525 : i32 to vector<1x256xi32>
      %lt3A_527 = arith.cmpi slt, %iota3A, %lt3A_526 : vector<1x256xi32>
      %get3A_528 = arith.constant 7424 : index
      %get3A_529 = arith.constant 0 : index
      %get3A_530 = vector.load %arg4[%get3A_528, %get3A_529] : memref<8192x64xf32, #tpu.memory_space<vmem>>, vector<256x64xf32>
      %convert_element_type3A_531 = arith.truncf %get3A_530 : vector<256x64xf32> to vector<256x64xbf16>
      %dot_general3A_532 = arith.constant dense<0.000000e+00> : vector<1024x256xf32>
      %dot_general3A_533 = tpu.matmul %get3A_3, %convert_element_type3A_531, %dot_general3A_532 {dimension_numbers = #tpu.dot_dimension_numbers<[1], [1], [0], [0], [0, 0, 1, 0], [], []>, transpose_lhs_hint = false} : vector<1024x64xbf16>, vector<256x64xbf16>, vector<1024x256xf32> -> vector<1024x256xf32>
      %exp23A_534 = math.exp2 %dot_general3A_533 : vector<1024x256xf32>
      %jit3A_535 = arith.constant 0.000000e+00 : f32
      %broadcast_in_dim3A_536 = vector.shape_cast %lt3A_527 : vector<1x256xi1> to vector<1x256xi1>
      %broadcast_in_dim3A_537 = vector.broadcast %broadcast_in_dim3A_536 : vector<1x256xi1> to vector<1024x256xi1>
      %broadcast_in_dim3A_538 = vector.broadcast %jit3A_535 : f32 to vector<1024x256xf32>
      %select_n3A_539 = arith.select %broadcast_in_dim3A_537, %exp23A_534, %broadcast_in_dim3A_538 : vector<1024x256xi1>, vector<1024x256xf32>
      %add3A_540 = arith.addf %add3A_506, %select_n3A_539 : vector<1024x256xf32>
      %sub3A_541 = arith.constant 7680 : i32
      %sub3A_542 = arith.subi %sub3A_40, %sub3A_541 : i32
      %lt3A_543 = vector.broadcast %sub3A_542 : i32 to vector<1x256xi32>
      %lt3A_544 = arith.cmpi slt, %iota3A, %lt3A_543 : vector<1x256xi32>
      %get3A_545 = arith.constant 7680 : index
      %get3A_546 = arith.constant 0 : index
      %get3A_547 = vector.load %arg4[%get3A_545, %get3A_546] : memref<8192x64xf32, #tpu.memory_space<vmem>>, vector<256x64xf32>
      %convert_element_type3A_548 = arith.truncf %get3A_547 : vector<256x64xf32> to vector<256x64xbf16>
      %dot_general3A_549 = arith.constant dense<0.000000e+00> : vector<1024x256xf32>
      %dot_general3A_550 = tpu.matmul %get3A_3, %convert_element_type3A_548, %dot_general3A_549 {dimension_numbers = #tpu.dot_dimension_numbers<[1], [1], [0], [0], [0, 0, 1, 0], [], []>, transpose_lhs_hint = false} : vector<1024x64xbf16>, vector<256x64xbf16>, vector<1024x256xf32> -> vector<1024x256xf32>
      %exp23A_551 = math.exp2 %dot_general3A_550 : vector<1024x256xf32>
      %jit3A_552 = arith.constant 0.000000e+00 : f32
      %broadcast_in_dim3A_553 = vector.shape_cast %lt3A_544 : vector<1x256xi1> to vector<1x256xi1>
      %broadcast_in_dim3A_554 = vector.broadcast %broadcast_in_dim3A_553 : vector<1x256xi1> to vector<1024x256xi1>
      %broadcast_in_dim3A_555 = vector.broadcast %jit3A_552 : f32 to vector<1024x256xf32>
      %select_n3A_556 = arith.select %broadcast_in_dim3A_554, %exp23A_551, %broadcast_in_dim3A_555 : vector<1024x256xi1>, vector<1024x256xf32>
      %add3A_557 = arith.addf %add3A_523, %select_n3A_556 : vector<1024x256xf32>
      %sub3A_558 = arith.constant 7936 : i32
      %sub3A_559 = arith.subi %sub3A_40, %sub3A_558 : i32
      %lt3A_560 = vector.broadcast %sub3A_559 : i32 to vector<1x256xi32>
      %lt3A_561 = arith.cmpi slt, %iota3A, %lt3A_560 : vector<1x256xi32>
      %get3A_562 = arith.constant 7936 : index
      %get3A_563 = arith.constant 0 : index
      %get3A_564 = vector.load %arg4[%get3A_562, %get3A_563] : memref<8192x64xf32, #tpu.memory_space<vmem>>, vector<256x64xf32>
      %convert_element_type3A_565 = arith.truncf %get3A_564 : vector<256x64xf32> to vector<256x64xbf16>
      %dot_general3A_566 = arith.constant dense<0.000000e+00> : vector<1024x256xf32>
      %dot_general3A_567 = tpu.matmul %get3A_3, %convert_element_type3A_565, %dot_general3A_566 {dimension_numbers = #tpu.dot_dimension_numbers<[1], [1], [0], [0], [0, 0, 1, 0], [], []>, transpose_lhs_hint = false} : vector<1024x64xbf16>, vector<256x64xbf16>, vector<1024x256xf32> -> vector<1024x256xf32>
      %exp23A_568 = math.exp2 %dot_general3A_567 : vector<1024x256xf32>
      %jit3A_569 = arith.constant 0.000000e+00 : f32
      %broadcast_in_dim3A_570 = vector.shape_cast %lt3A_561 : vector<1x256xi1> to vector<1x256xi1>
      %broadcast_in_dim3A_571 = vector.broadcast %broadcast_in_dim3A_570 : vector<1x256xi1> to vector<1024x256xi1>
      %broadcast_in_dim3A_572 = vector.broadcast %jit3A_569 : f32 to vector<1024x256xf32>
      %select_n3A_573 = arith.select %broadcast_in_dim3A_571, %exp23A_568, %broadcast_in_dim3A_572 : vector<1024x256xi1>, vector<1024x256xf32>
      %add3A_574 = arith.addf %add3A_540, %select_n3A_573 : vector<1024x256xf32>
      %get3A_575 = arith.constant 0 : index
      %get3A_576 = arith.constant 0 : index
      %get3A_577 = vector.load %arg7[%get3A_575, %get3A_576] : memref<1024x256xf32, #tpu.memory_space<vmem>>, vector<1024x256xf32>
      %add3A_578 = arith.addf %add3A_557, %add3A_574 : vector<1024x256xf32>
      %add3A_579 = arith.addf %get3A_577, %add3A_578 : vector<1024x256xf32>
      %swap3A = arith.constant 0 : index
      %swap3A_580 = arith.constant 0 : index
      %swap3A_581 = vector.load %arg7[%swap3A, %swap3A_580] : memref<1024x256xf32, #tpu.memory_space<vmem>>, vector<1024x256xf32>
      tpu.vector_store %arg7[%swap3A, %swap3A_580], %add3A_579 {strides = array<i32>} : memref<1024x256xf32, #tpu.memory_space<vmem>>, vector<1024x256xf32>,
    } else {
    }
    %get3A_13 = arith.constant 0 : index
    %get3A_14 = arith.constant 0 : index
    %get3A_15 = vector.load %arg11[%get3A_13, %get3A_14] : memref<1024x64xbf16, #tpu.memory_space<vmem>>, vector<1024x64xbf16>
    %lt3A_16 = arith.constant 12 : i32
    %lt3A_17 = arith.cmpi slt, %arg0, %lt3A_16 : i32
    %convert_element_type3A_18 = arith.extui %lt3A_17 : i1 to i32
    %cond3A_19 = arith.constant 0 : i32
    %cond3A_20 = arith.cmpi ne, %convert_element_type3A_18, %cond3A_19 : i32
    scf.if %cond3A_20 {
      %get3A_39 = arith.constant 0 : index
      %get3A_40 = arith.constant 0 : index
      %get3A_41 = vector.load %arg5[%get3A_39, %get3A_40] : memref<8192x64xf32, #tpu.memory_space<vmem>>, vector<256x64xf32>
      %convert_element_type3A_42 = arith.truncf %get3A_41 : vector<256x64xf32> to vector<256x64xbf16>
      %dot_general3A = arith.constant dense<0.000000e+00> : vector<1024x256xf32>
      %dot_general3A_43 = tpu.matmul %get3A_15, %convert_element_type3A_42, %dot_general3A {dimension_numbers = #tpu.dot_dimension_numbers<[1], [1], [0], [0], [0, 0, 1, 0], [], []>, transpose_lhs_hint = false} : vector<1024x64xbf16>, vector<256x64xbf16>, vector<1024x256xf32> -> vector<1024x256xf32>
      %exp23A = math.exp2 %dot_general3A_43 : vector<1024x256xf32>
      %get3A_44 = arith.constant 256 : index
      %get3A_45 = arith.constant 0 : index
      %get3A_46 = vector.load %arg5[%get3A_44, %get3A_45] : memref<8192x64xf32, #tpu.memory_space<vmem>>, vector<256x64xf32>
      %convert_element_type3A_47 = arith.truncf %get3A_46 : vector<256x64xf32> to vector<256x64xbf16>
      %dot_general3A_48 = arith.constant dense<0.000000e+00> : vector<1024x256xf32>
      %dot_general3A_49 = tpu.matmul %get3A_15, %convert_element_type3A_47, %dot_general3A_48 {dimension_numbers = #tpu.dot_dimension_numbers<[1], [1], [0], [0], [0, 0, 1, 0], [], []>, transpose_lhs_hint = false} : vector<1024x64xbf16>, vector<256x64xbf16>, vector<1024x256xf32> -> vector<1024x256xf32>
      %exp23A_50 = math.exp2 %dot_general3A_49 : vector<1024x256xf32>
      %get3A_51 = arith.constant 512 : index
      %get3A_52 = arith.constant 0 : index
      %get3A_53 = vector.load %arg5[%get3A_51, %get3A_52] : memref<8192x64xf32, #tpu.memory_space<vmem>>, vector<256x64xf32>
      %convert_element_type3A_54 = arith.truncf %get3A_53 : vector<256x64xf32> to vector<256x64xbf16>
      %dot_general3A_55 = arith.constant dense<0.000000e+00> : vector<1024x256xf32>
      %dot_general3A_56 = tpu.matmul %get3A_15, %convert_element_type3A_54, %dot_general3A_55 {dimension_numbers = #tpu.dot_dimension_numbers<[1], [1], [0], [0], [0, 0, 1, 0], [], []>, transpose_lhs_hint = false} : vector<1024x64xbf16>, vector<256x64xbf16>, vector<1024x256xf32> -> vector<1024x256xf32>
      %exp23A_57 = math.exp2 %dot_general3A_56 : vector<1024x256xf32>
      %add3A = arith.addf %exp23A, %exp23A_57 : vector<1024x256xf32>
      %get3A_58 = arith.constant 768 : index
      %get3A_59 = arith.constant 0 : index
      %get3A_60 = vector.load %arg5[%get3A_58, %get3A_59] : memref<8192x64xf32, #tpu.memory_space<vmem>>, vector<256x64xf32>
      %convert_element_type3A_61 = arith.truncf %get3A_60 : vector<256x64xf32> to vector<256x64xbf16>
      %dot_general3A_62 = arith.constant dense<0.000000e+00> : vector<1024x256xf32>
      %dot_general3A_63 = tpu.matmul %get3A_15, %convert_element_type3A_61, %dot_general3A_62 {dimension_numbers = #tpu.dot_dimension_numbers<[1], [1], [0], [0], [0, 0, 1, 0], [], []>, transpose_lhs_hint = false} : vector<1024x64xbf16>, vector<256x64xbf16>, vector<1024x256xf32> -> vector<1024x256xf32>
      %exp23A_64 = math.exp2 %dot_general3A_63 : vector<1024x256xf32>
      %add3A_65 = arith.addf %exp23A_50, %exp23A_64 : vector<1024x256xf32>
      %get3A_66 = arith.constant 1024 : index
      %get3A_67 = arith.constant 0 : index
      %get3A_68 = vector.load %arg5[%get3A_66, %get3A_67] : memref<8192x64xf32, #tpu.memory_space<vmem>>, vector<256x64xf32>
      %convert_element_type3A_69 = arith.truncf %get3A_68 : vector<256x64xf32> to vector<256x64xbf16>
      %dot_general3A_70 = arith.constant dense<0.000000e+00> : vector<1024x256xf32>
      %dot_general3A_71 = tpu.matmul %get3A_15, %convert_element_type3A_69, %dot_general3A_70 {dimension_numbers = #tpu.dot_dimension_numbers<[1], [1], [0], [0], [0, 0, 1, 0], [], []>, transpose_lhs_hint = false} : vector<1024x64xbf16>, vector<256x64xbf16>, vector<1024x256xf32> -> vector<1024x256xf32>
      %exp23A_72 = math.exp2 %dot_general3A_71 : vector<1024x256xf32>
      %add3A_73 = arith.addf %add3A, %exp23A_72 : vector<1024x256xf32>
      %get3A_74 = arith.constant 1280 : index
      %get3A_75 = arith.constant 0 : index
      %get3A_76 = vector.load %arg5[%get3A_74, %get3A_75] : memref<8192x64xf32, #tpu.memory_space<vmem>>, vector<256x64xf32>
      %convert_element_type3A_77 = arith.truncf %get3A_76 : vector<256x64xf32> to vector<256x64xbf16>
      %dot_general3A_78 = arith.constant dense<0.000000e+00> : vector<1024x256xf32>
      %dot_general3A_79 = tpu.matmul %get3A_15, %convert_element_type3A_77, %dot_general3A_78 {dimension_numbers = #tpu.dot_dimension_numbers<[1], [1], [0], [0], [0, 0, 1, 0], [], []>, transpose_lhs_hint = false} : vector<1024x64xbf16>, vector<256x64xbf16>, vector<1024x256xf32> -> vector<1024x256xf32>
      %exp23A_80 = math.exp2 %dot_general3A_79 : vector<1024x256xf32>
      %add3A_81 = arith.addf %add3A_65, %exp23A_80 : vector<1024x256xf32>
      %get3A_82 = arith.constant 1536 : index
      %get3A_83 = arith.constant 0 : index
      %get3A_84 = vector.load %arg5[%get3A_82, %get3A_83] : memref<8192x64xf32, #tpu.memory_space<vmem>>, vector<256x64xf32>
      %convert_element_type3A_85 = arith.truncf %get3A_84 : vector<256x64xf32> to vector<256x64xbf16>
      %dot_general3A_86 = arith.constant dense<0.000000e+00> : vector<1024x256xf32>
      %dot_general3A_87 = tpu.matmul %get3A_15, %convert_element_type3A_85, %dot_general3A_86 {dimension_numbers = #tpu.dot_dimension_numbers<[1], [1], [0], [0], [0, 0, 1, 0], [], []>, transpose_lhs_hint = false} : vector<1024x64xbf16>, vector<256x64xbf16>, vector<1024x256xf32> -> vector<1024x256xf32>
      %exp23A_88 = math.exp2 %dot_general3A_87 : vector<1024x256xf32>
      %add3A_89 = arith.addf %add3A_73, %exp23A_88 : vector<1024x256xf32>
      %get3A_90 = arith.constant 1792 : index
      %get3A_91 = arith.constant 0 : index
      %get3A_92 = vector.load %arg5[%get3A_90, %get3A_91] : memref<8192x64xf32, #tpu.memory_space<vmem>>, vector<256x64xf32>
      %convert_element_type3A_93 = arith.truncf %get3A_92 : vector<256x64xf32> to vector<256x64xbf16>
      %dot_general3A_94 = arith.constant dense<0.000000e+00> : vector<1024x256xf32>
      %dot_general3A_95 = tpu.matmul %get3A_15, %convert_element_type3A_93, %dot_general3A_94 {dimension_numbers = #tpu.dot_dimension_numbers<[1], [1], [0], [0], [0, 0, 1, 0], [], []>, transpose_lhs_hint = false} : vector<1024x64xbf16>, vector<256x64xbf16>, vector<1024x256xf32> -> vector<1024x256xf32>
      %exp23A_96 = math.exp2 %dot_general3A_95 : vector<1024x256xf32>
      %add3A_97 = arith.addf %add3A_81, %exp23A_96 : vector<1024x256xf32>
      %get3A_98 = arith.constant 2048 : index
      %get3A_99 = arith.constant 0 : index
      %get3A_100 = vector.load %arg5[%get3A_98, %get3A_99] : memref<8192x64xf32, #tpu.memory_space<vmem>>, vector<256x64xf32>
      %convert_element_type3A_101 = arith.truncf %get3A_100 : vector<256x64xf32> to vector<256x64xbf16>
      %dot_general3A_102 = arith.constant dense<0.000000e+00> : vector<1024x256xf32>
      %dot_general3A_103 = tpu.matmul %get3A_15, %convert_element_type3A_101, %dot_general3A_102 {dimension_numbers = #tpu.dot_dimension_numbers<[1], [1], [0], [0], [0, 0, 1, 0], [], []>, transpose_lhs_hint = false} : vector<1024x64xbf16>, vector<256x64xbf16>, vector<1024x256xf32> -> vector<1024x256xf32>
      %exp23A_104 = math.exp2 %dot_general3A_103 : vector<1024x256xf32>
      %add3A_105 = arith.addf %add3A_89, %exp23A_104 : vector<1024x256xf32>
      %get3A_106 = arith.constant 2304 : index
      %get3A_107 = arith.constant 0 : index
      %get3A_108 = vector.load %arg5[%get3A_106, %get3A_107] : memref<8192x64xf32, #tpu.memory_space<vmem>>, vector<256x64xf32>
      %convert_element_type3A_109 = arith.truncf %get3A_108 : vector<256x64xf32> to vector<256x64xbf16>
      %dot_general3A_110 = arith.constant dense<0.000000e+00> : vector<1024x256xf32>
      %dot_general3A_111 = tpu.matmul %get3A_15, %convert_element_type3A_109, %dot_general3A_110 {dimension_numbers = #tpu.dot_dimension_numbers<[1], [1], [0], [0], [0, 0, 1, 0], [], []>, transpose_lhs_hint = false} : vector<1024x64xbf16>, vector<256x64xbf16>, vector<1024x256xf32> -> vector<1024x256xf32>
      %exp23A_112 = math.exp2 %dot_general3A_111 : vector<1024x256xf32>
      %add3A_113 = arith.addf %add3A_97, %exp23A_112 : vector<1024x256xf32>
      %get3A_114 = arith.constant 2560 : index
      %get3A_115 = arith.constant 0 : index
      %get3A_116 = vector.load %arg5[%get3A_114, %get3A_115] : memref<8192x64xf32, #tpu.memory_space<vmem>>, vector<256x64xf32>
      %convert_element_type3A_117 = arith.truncf %get3A_116 : vector<256x64xf32> to vector<256x64xbf16>
      %dot_general3A_118 = arith.constant dense<0.000000e+00> : vector<1024x256xf32>
      %dot_general3A_119 = tpu.matmul %get3A_15, %convert_element_type3A_117, %dot_general3A_118 {dimension_numbers = #tpu.dot_dimension_numbers<[1], [1], [0], [0], [0, 0, 1, 0], [], []>, transpose_lhs_hint = false} : vector<1024x64xbf16>, vector<256x64xbf16>, vector<1024x256xf32> -> vector<1024x256xf32>
      %exp23A_120 = math.exp2 %dot_general3A_119 : vector<1024x256xf32>
      %add3A_121 = arith.addf %add3A_105, %exp23A_120 : vector<1024x256xf32>
      %get3A_122 = arith.constant 2816 : index
      %get3A_123 = arith.constant 0 : index
      %get3A_124 = vector.load %arg5[%get3A_122, %get3A_123] : memref<8192x64xf32, #tpu.memory_space<vmem>>, vector<256x64xf32>
      %convert_element_type3A_125 = arith.truncf %get3A_124 : vector<256x64xf32> to vector<256x64xbf16>
      %dot_general3A_126 = arith.constant dense<0.000000e+00> : vector<1024x256xf32>
      %dot_general3A_127 = tpu.matmul %get3A_15, %convert_element_type3A_125, %dot_general3A_126 {dimension_numbers = #tpu.dot_dimension_numbers<[1], [1], [0], [0], [0, 0, 1, 0], [], []>, transpose_lhs_hint = false} : vector<1024x64xbf16>, vector<256x64xbf16>, vector<1024x256xf32> -> vector<1024x256xf32>
      %exp23A_128 = math.exp2 %dot_general3A_127 : vector<1024x256xf32>
      %add3A_129 = arith.addf %add3A_113, %exp23A_128 : vector<1024x256xf32>
      %get3A_130 = arith.constant 3072 : index
      %get3A_131 = arith.constant 0 : index
      %get3A_132 = vector.load %arg5[%get3A_130, %get3A_131] : memref<8192x64xf32, #tpu.memory_space<vmem>>, vector<256x64xf32>
      %convert_element_type3A_133 = arith.truncf %get3A_132 : vector<256x64xf32> to vector<256x64xbf16>
      %dot_general3A_134 = arith.constant dense<0.000000e+00> : vector<1024x256xf32>
      %dot_general3A_135 = tpu.matmul %get3A_15, %convert_element_type3A_133, %dot_general3A_134 {dimension_numbers = #tpu.dot_dimension_numbers<[1], [1], [0], [0], [0, 0, 1, 0], [], []>, transpose_lhs_hint = false} : vector<1024x64xbf16>, vector<256x64xbf16>, vector<1024x256xf32> -> vector<1024x256xf32>
      %exp23A_136 = math.exp2 %dot_general3A_135 : vector<1024x256xf32>
      %add3A_137 = arith.addf %add3A_121, %exp23A_136 : vector<1024x256xf32>
      %get3A_138 = arith.constant 3328 : index
      %get3A_139 = arith.constant 0 : index
      %get3A_140 = vector.load %arg5[%get3A_138, %get3A_139] : memref<8192x64xf32, #tpu.memory_space<vmem>>, vector<256x64xf32>
      %convert_element_type3A_141 = arith.truncf %get3A_140 : vector<256x64xf32> to vector<256x64xbf16>
      %dot_general3A_142 = arith.constant dense<0.000000e+00> : vector<1024x256xf32>
      %dot_general3A_143 = tpu.matmul %get3A_15, %convert_element_type3A_141, %dot_general3A_142 {dimension_numbers = #tpu.dot_dimension_numbers<[1], [1], [0], [0], [0, 0, 1, 0], [], []>, transpose_lhs_hint = false} : vector<1024x64xbf16>, vector<256x64xbf16>, vector<1024x256xf32> -> vector<1024x256xf32>
      %exp23A_144 = math.exp2 %dot_general3A_143 : vector<1024x256xf32>
      %add3A_145 = arith.addf %add3A_129, %exp23A_144 : vector<1024x256xf32>
      %get3A_146 = arith.constant 3584 : index
      %get3A_147 = arith.constant 0 : index
      %get3A_148 = vector.load %arg5[%get3A_146, %get3A_147] : memref<8192x64xf32, #tpu.memory_space<vmem>>, vector<256x64xf32>
      %convert_element_type3A_149 = arith.truncf %get3A_148 : vector<256x64xf32> to vector<256x64xbf16>
      %dot_general3A_150 = arith.constant dense<0.000000e+00> : vector<1024x256xf32>
      %dot_general3A_151 = tpu.matmul %get3A_15, %convert_element_type3A_149, %dot_general3A_150 {dimension_numbers = #tpu.dot_dimension_numbers<[1], [1], [0], [0], [0, 0, 1, 0], [], []>, transpose_lhs_hint = false} : vector<1024x64xbf16>, vector<256x64xbf16>, vector<1024x256xf32> -> vector<1024x256xf32>
      %exp23A_152 = math.exp2 %dot_general3A_151 : vector<1024x256xf32>
      %add3A_153 = arith.addf %add3A_137, %exp23A_152 : vector<1024x256xf32>
      %get3A_154 = arith.constant 3840 : index
      %get3A_155 = arith.constant 0 : index
      %get3A_156 = vector.load %arg5[%get3A_154, %get3A_155] : memref<8192x64xf32, #tpu.memory_space<vmem>>, vector<256x64xf32>
      %convert_element_type3A_157 = arith.truncf %get3A_156 : vector<256x64xf32> to vector<256x64xbf16>
      %dot_general3A_158 = arith.constant dense<0.000000e+00> : vector<1024x256xf32>
      %dot_general3A_159 = tpu.matmul %get3A_15, %convert_element_type3A_157, %dot_general3A_158 {dimension_numbers = #tpu.dot_dimension_numbers<[1], [1], [0], [0], [0, 0, 1, 0], [], []>, transpose_lhs_hint = false} : vector<1024x64xbf16>, vector<256x64xbf16>, vector<1024x256xf32> -> vector<1024x256xf32>
      %exp23A_160 = math.exp2 %dot_general3A_159 : vector<1024x256xf32>
      %add3A_161 = arith.addf %add3A_145, %exp23A_160 : vector<1024x256xf32>
      %get3A_162 = arith.constant 4096 : index
      %get3A_163 = arith.constant 0 : index
      %get3A_164 = vector.load %arg5[%get3A_162, %get3A_163] : memref<8192x64xf32, #tpu.memory_space<vmem>>, vector<256x64xf32>
      %convert_element_type3A_165 = arith.truncf %get3A_164 : vector<256x64xf32> to vector<256x64xbf16>
      %dot_general3A_166 = arith.constant dense<0.000000e+00> : vector<1024x256xf32>
      %dot_general3A_167 = tpu.matmul %get3A_15, %convert_element_type3A_165, %dot_general3A_166 {dimension_numbers = #tpu.dot_dimension_numbers<[1], [1], [0], [0], [0, 0, 1, 0], [], []>, transpose_lhs_hint = false} : vector<1024x64xbf16>, vector<256x64xbf16>, vector<1024x256xf32> -> vector<1024x256xf32>
      %exp23A_168 = math.exp2 %dot_general3A_167 : vector<1024x256xf32>
      %add3A_169 = arith.addf %add3A_153, %exp23A_168 : vector<1024x256xf32>
      %get3A_170 = arith.constant 4352 : index
      %get3A_171 = arith.constant 0 : index
      %get3A_172 = vector.load %arg5[%get3A_170, %get3A_171] : memref<8192x64xf32, #tpu.memory_space<vmem>>, vector<256x64xf32>
      %convert_element_type3A_173 = arith.truncf %get3A_172 : vector<256x64xf32> to vector<256x64xbf16>
      %dot_general3A_174 = arith.constant dense<0.000000e+00> : vector<1024x256xf32>
      %dot_general3A_175 = tpu.matmul %get3A_15, %convert_element_type3A_173, %dot_general3A_174 {dimension_numbers = #tpu.dot_dimension_numbers<[1], [1], [0], [0], [0, 0, 1, 0], [], []>, transpose_lhs_hint = false} : vector<1024x64xbf16>, vector<256x64xbf16>, vector<1024x256xf32> -> vector<1024x256xf32>
      %exp23A_176 = math.exp2 %dot_general3A_175 : vector<1024x256xf32>
      %add3A_177 = arith.addf %add3A_161, %exp23A_176 : vector<1024x256xf32>
      %get3A_178 = arith.constant 4608 : index
      %get3A_179 = arith.constant 0 : index
      %get3A_180 = vector.load %arg5[%get3A_178, %get3A_179] : memref<8192x64xf32, #tpu.memory_space<vmem>>, vector<256x64xf32>
      %convert_element_type3A_181 = arith.truncf %get3A_180 : vector<256x64xf32> to vector<256x64xbf16>
      %dot_general3A_182 = arith.constant dense<0.000000e+00> : vector<1024x256xf32>
      %dot_general3A_183 = tpu.matmul %get3A_15, %convert_element_type3A_181, %dot_general3A_182 {dimension_numbers = #tpu.dot_dimension_numbers<[1], [1], [0], [0], [0, 0, 1, 0], [], []>, transpose_lhs_hint = false} : vector<1024x64xbf16>, vector<256x64xbf16>, vector<1024x256xf32> -> vector<1024x256xf32>
      %exp23A_184 = math.exp2 %dot_general3A_183 : vector<1024x256xf32>
      %add3A_185 = arith.addf %add3A_169, %exp23A_184 : vector<1024x256xf32>
      %get3A_186 = arith.constant 4864 : index
      %get3A_187 = arith.constant 0 : index
      %get3A_188 = vector.load %arg5[%get3A_186, %get3A_187] : memref<8192x64xf32, #tpu.memory_space<vmem>>, vector<256x64xf32>
      %convert_element_type3A_189 = arith.truncf %get3A_188 : vector<256x64xf32> to vector<256x64xbf16>
      %dot_general3A_190 = arith.constant dense<0.000000e+00> : vector<1024x256xf32>
      %dot_general3A_191 = tpu.matmul %get3A_15, %convert_element_type3A_189, %dot_general3A_190 {dimension_numbers = #tpu.dot_dimension_numbers<[1], [1], [0], [0], [0, 0, 1, 0], [], []>, transpose_lhs_hint = false} : vector<1024x64xbf16>, vector<256x64xbf16>, vector<1024x256xf32> -> vector<1024x256xf32>
      %exp23A_192 = math.exp2 %dot_general3A_191 : vector<1024x256xf32>
      %add3A_193 = arith.addf %add3A_177, %exp23A_192 : vector<1024x256xf32>
      %get3A_194 = arith.constant 5120 : index
      %get3A_195 = arith.constant 0 : index
      %get3A_196 = vector.load %arg5[%get3A_194, %get3A_195] : memref<8192x64xf32, #tpu.memory_space<vmem>>, vector<256x64xf32>
      %convert_element_type3A_197 = arith.truncf %get3A_196 : vector<256x64xf32> to vector<256x64xbf16>
      %dot_general3A_198 = arith.constant dense<0.000000e+00> : vector<1024x256xf32>
      %dot_general3A_199 = tpu.matmul %get3A_15, %convert_element_type3A_197, %dot_general3A_198 {dimension_numbers = #tpu.dot_dimension_numbers<[1], [1], [0], [0], [0, 0, 1, 0], [], []>, transpose_lhs_hint = false} : vector<1024x64xbf16>, vector<256x64xbf16>, vector<1024x256xf32> -> vector<1024x256xf32>
      %exp23A_200 = math.exp2 %dot_general3A_199 : vector<1024x256xf32>
      %add3A_201 = arith.addf %add3A_185, %exp23A_200 : vector<1024x256xf32>
      %get3A_202 = arith.constant 5376 : index
      %get3A_203 = arith.constant 0 : index
      %get3A_204 = vector.load %arg5[%get3A_202, %get3A_203] : memref<8192x64xf32, #tpu.memory_space<vmem>>, vector<256x64xf32>
      %convert_element_type3A_205 = arith.truncf %get3A_204 : vector<256x64xf32> to vector<256x64xbf16>
      %dot_general3A_206 = arith.constant dense<0.000000e+00> : vector<1024x256xf32>
      %dot_general3A_207 = tpu.matmul %get3A_15, %convert_element_type3A_205, %dot_general3A_206 {dimension_numbers = #tpu.dot_dimension_numbers<[1], [1], [0], [0], [0, 0, 1, 0], [], []>, transpose_lhs_hint = false} : vector<1024x64xbf16>, vector<256x64xbf16>, vector<1024x256xf32> -> vector<1024x256xf32>
      %exp23A_208 = math.exp2 %dot_general3A_207 : vector<1024x256xf32>
      %add3A_209 = arith.addf %add3A_193, %exp23A_208 : vector<1024x256xf32>
      %get3A_210 = arith.constant 5632 : index
      %get3A_211 = arith.constant 0 : index
      %get3A_212 = vector.load %arg5[%get3A_210, %get3A_211] : memref<8192x64xf32, #tpu.memory_space<vmem>>, vector<256x64xf32>
      %convert_element_type3A_213 = arith.truncf %get3A_212 : vector<256x64xf32> to vector<256x64xbf16>
      %dot_general3A_214 = arith.constant dense<0.000000e+00> : vector<1024x256xf32>
      %dot_general3A_215 = tpu.matmul %get3A_15, %convert_element_type3A_213, %dot_general3A_214 {dimension_numbers = #tpu.dot_dimension_numbers<[1], [1], [0], [0], [0, 0, 1, 0], [], []>, transpose_lhs_hint = false} : vector<1024x64xbf16>, vector<256x64xbf16>, vector<1024x256xf32> -> vector<1024x256xf32>
      %exp23A_216 = math.exp2 %dot_general3A_215 : vector<1024x256xf32>
      %add3A_217 = arith.addf %add3A_201, %exp23A_216 : vector<1024x256xf32>
      %get3A_218 = arith.constant 5888 : index
      %get3A_219 = arith.constant 0 : index
      %get3A_220 = vector.load %arg5[%get3A_218, %get3A_219] : memref<8192x64xf32, #tpu.memory_space<vmem>>, vector<256x64xf32>
      %convert_element_type3A_221 = arith.truncf %get3A_220 : vector<256x64xf32> to vector<256x64xbf16>
      %dot_general3A_222 = arith.constant dense<0.000000e+00> : vector<1024x256xf32>
      %dot_general3A_223 = tpu.matmul %get3A_15, %convert_element_type3A_221, %dot_general3A_222 {dimension_numbers = #tpu.dot_dimension_numbers<[1], [1], [0], [0], [0, 0, 1, 0], [], []>, transpose_lhs_hint = false} : vector<1024x64xbf16>, vector<256x64xbf16>, vector<1024x256xf32> -> vector<1024x256xf32>
      %exp23A_224 = math.exp2 %dot_general3A_223 : vector<1024x256xf32>
      %add3A_225 = arith.addf %add3A_209, %exp23A_224 : vector<1024x256xf32>
      %get3A_226 = arith.constant 6144 : index
      %get3A_227 = arith.constant 0 : index
      %get3A_228 = vector.load %arg5[%get3A_226, %get3A_227] : memref<8192x64xf32, #tpu.memory_space<vmem>>, vector<256x64xf32>
      %convert_element_type3A_229 = arith.truncf %get3A_228 : vector<256x64xf32> to vector<256x64xbf16>
      %dot_general3A_230 = arith.constant dense<0.000000e+00> : vector<1024x256xf32>
      %dot_general3A_231 = tpu.matmul %get3A_15, %convert_element_type3A_229, %dot_general3A_230 {dimension_numbers = #tpu.dot_dimension_numbers<[1], [1], [0], [0], [0, 0, 1, 0], [], []>, transpose_lhs_hint = false} : vector<1024x64xbf16>, vector<256x64xbf16>, vector<1024x256xf32> -> vector<1024x256xf32>
      %exp23A_232 = math.exp2 %dot_general3A_231 : vector<1024x256xf32>
      %add3A_233 = arith.addf %add3A_217, %exp23A_232 : vector<1024x256xf32>
      %get3A_234 = arith.constant 6400 : index
      %get3A_235 = arith.constant 0 : index
      %get3A_236 = vector.load %arg5[%get3A_234, %get3A_235] : memref<8192x64xf32, #tpu.memory_space<vmem>>, vector<256x64xf32>
      %convert_element_type3A_237 = arith.truncf %get3A_236 : vector<256x64xf32> to vector<256x64xbf16>
      %dot_general3A_238 = arith.constant dense<0.000000e+00> : vector<1024x256xf32>
      %dot_general3A_239 = tpu.matmul %get3A_15, %convert_element_type3A_237, %dot_general3A_238 {dimension_numbers = #tpu.dot_dimension_numbers<[1], [1], [0], [0], [0, 0, 1, 0], [], []>, transpose_lhs_hint = false} : vector<1024x64xbf16>, vector<256x64xbf16>, vector<1024x256xf32> -> vector<1024x256xf32>
      %exp23A_240 = math.exp2 %dot_general3A_239 : vector<1024x256xf32>
      %add3A_241 = arith.addf %add3A_225, %exp23A_240 : vector<1024x256xf32>
      %get3A_242 = arith.constant 6656 : index
      %get3A_243 = arith.constant 0 : index
      %get3A_244 = vector.load %arg5[%get3A_242, %get3A_243] : memref<8192x64xf32, #tpu.memory_space<vmem>>, vector<256x64xf32>
      %convert_element_type3A_245 = arith.truncf %get3A_244 : vector<256x64xf32> to vector<256x64xbf16>
      %dot_general3A_246 = arith.constant dense<0.000000e+00> : vector<1024x256xf32>
      %dot_general3A_247 = tpu.matmul %get3A_15, %convert_element_type3A_245, %dot_general3A_246 {dimension_numbers = #tpu.dot_dimension_numbers<[1], [1], [0], [0], [0, 0, 1, 0], [], []>, transpose_lhs_hint = false} : vector<1024x64xbf16>, vector<256x64xbf16>, vector<1024x256xf32> -> vector<1024x256xf32>
      %exp23A_248 = math.exp2 %dot_general3A_247 : vector<1024x256xf32>
      %add3A_249 = arith.addf %add3A_233, %exp23A_248 : vector<1024x256xf32>
      %get3A_250 = arith.constant 6912 : index
      %get3A_251 = arith.constant 0 : index
      %get3A_252 = vector.load %arg5[%get3A_250, %get3A_251] : memref<8192x64xf32, #tpu.memory_space<vmem>>, vector<256x64xf32>
      %convert_element_type3A_253 = arith.truncf %get3A_252 : vector<256x64xf32> to vector<256x64xbf16>
      %dot_general3A_254 = arith.constant dense<0.000000e+00> : vector<1024x256xf32>
      %dot_general3A_255 = tpu.matmul %get3A_15, %convert_element_type3A_253, %dot_general3A_254 {dimension_numbers = #tpu.dot_dimension_numbers<[1], [1], [0], [0], [0, 0, 1, 0], [], []>, transpose_lhs_hint = false} : vector<1024x64xbf16>, vector<256x64xbf16>, vector<1024x256xf32> -> vector<1024x256xf32>
      %exp23A_256 = math.exp2 %dot_general3A_255 : vector<1024x256xf32>
      %add3A_257 = arith.addf %add3A_241, %exp23A_256 : vector<1024x256xf32>
      %get3A_258 = arith.constant 7168 : index
      %get3A_259 = arith.constant 0 : index
      %get3A_260 = vector.load %arg5[%get3A_258, %get3A_259] : memref<8192x64xf32, #tpu.memory_space<vmem>>, vector<256x64xf32>
      %convert_element_type3A_261 = arith.truncf %get3A_260 : vector<256x64xf32> to vector<256x64xbf16>
      %dot_general3A_262 = arith.constant dense<0.000000e+00> : vector<1024x256xf32>
      %dot_general3A_263 = tpu.matmul %get3A_15, %convert_element_type3A_261, %dot_general3A_262 {dimension_numbers = #tpu.dot_dimension_numbers<[1], [1], [0], [0], [0, 0, 1, 0], [], []>, transpose_lhs_hint = false} : vector<1024x64xbf16>, vector<256x64xbf16>, vector<1024x256xf32> -> vector<1024x256xf32>
      %exp23A_264 = math.exp2 %dot_general3A_263 : vector<1024x256xf32>
      %add3A_265 = arith.addf %add3A_249, %exp23A_264 : vector<1024x256xf32>
      %get3A_266 = arith.constant 7424 : index
      %get3A_267 = arith.constant 0 : index
      %get3A_268 = vector.load %arg5[%get3A_266, %get3A_267] : memref<8192x64xf32, #tpu.memory_space<vmem>>, vector<256x64xf32>
      %convert_element_type3A_269 = arith.truncf %get3A_268 : vector<256x64xf32> to vector<256x64xbf16>
      %dot_general3A_270 = arith.constant dense<0.000000e+00> : vector<1024x256xf32>
      %dot_general3A_271 = tpu.matmul %get3A_15, %convert_element_type3A_269, %dot_general3A_270 {dimension_numbers = #tpu.dot_dimension_numbers<[1], [1], [0], [0], [0, 0, 1, 0], [], []>, transpose_lhs_hint = false} : vector<1024x64xbf16>, vector<256x64xbf16>, vector<1024x256xf32> -> vector<1024x256xf32>
      %exp23A_272 = math.exp2 %dot_general3A_271 : vector<1024x256xf32>
      %add3A_273 = arith.addf %add3A_257, %exp23A_272 : vector<1024x256xf32>
      %get3A_274 = arith.constant 7680 : index
      %get3A_275 = arith.constant 0 : index
      %get3A_276 = vector.load %arg5[%get3A_274, %get3A_275] : memref<8192x64xf32, #tpu.memory_space<vmem>>, vector<256x64xf32>
      %convert_element_type3A_277 = arith.truncf %get3A_276 : vector<256x64xf32> to vector<256x64xbf16>
      %dot_general3A_278 = arith.constant dense<0.000000e+00> : vector<1024x256xf32>
      %dot_general3A_279 = tpu.matmul %get3A_15, %convert_element_type3A_277, %dot_general3A_278 {dimension_numbers = #tpu.dot_dimension_numbers<[1], [1], [0], [0], [0, 0, 1, 0], [], []>, transpose_lhs_hint = false} : vector<1024x64xbf16>, vector<256x64xbf16>, vector<1024x256xf32> -> vector<1024x256xf32>
      %exp23A_280 = math.exp2 %dot_general3A_279 : vector<1024x256xf32>
      %add3A_281 = arith.addf %add3A_265, %exp23A_280 : vector<1024x256xf32>
      %get3A_282 = arith.constant 7936 : index
      %get3A_283 = arith.constant 0 : index
      %get3A_284 = vector.load %arg5[%get3A_282, %get3A_283] : memref<8192x64xf32, #tpu.memory_space<vmem>>, vector<256x64xf32>
      %convert_element_type3A_285 = arith.truncf %get3A_284 : vector<256x64xf32> to vector<256x64xbf16>
      %dot_general3A_286 = arith.constant dense<0.000000e+00> : vector<1024x256xf32>
      %dot_general3A_287 = tpu.matmul %get3A_15, %convert_element_type3A_285, %dot_general3A_286 {dimension_numbers = #tpu.dot_dimension_numbers<[1], [1], [0], [0], [0, 0, 1, 0], [], []>, transpose_lhs_hint = false} : vector<1024x64xbf16>, vector<256x64xbf16>, vector<1024x256xf32> -> vector<1024x256xf32>
      %exp23A_288 = math.exp2 %dot_general3A_287 : vector<1024x256xf32>
      %add3A_289 = arith.addf %add3A_273, %exp23A_288 : vector<1024x256xf32>
      %get3A_290 = arith.constant 0 : index
      %get3A_291 = arith.constant 0 : index
      %get3A_292 = vector.load %arg8[%get3A_290, %get3A_291] : memref<1024x256xf32, #tpu.memory_space<vmem>>, vector<1024x256xf32>
      %add3A_293 = arith.addf %add3A_281, %add3A_289 : vector<1024x256xf32>
      %add3A_294 = arith.addf %get3A_292, %add3A_293 : vector<1024x256xf32>
      %swap3A = arith.constant 0 : index
      %swap3A_295 = arith.constant 0 : index
      %swap3A_296 = vector.load %arg8[%swap3A, %swap3A_295] : memref<1024x256xf32, #tpu.memory_space<vmem>>, vector<1024x256xf32>
      tpu.vector_store %arg8[%swap3A, %swap3A_295], %add3A_294 {strides = array<i32>} : memref<1024x256xf32, #tpu.memory_space<vmem>>, vector<1024x256xf32>,
    } else {
    }
    %eq3A_21 = arith.constant 12 : i32
    %eq3A_22 = arith.cmpi eq, %arg0, %eq3A_21 : i32
    %convert_element_type3A_23 = arith.extui %eq3A_22 : i1 to i32
    %cond3A_24 = arith.constant 0 : i32
    %cond3A_25 = arith.cmpi ne, %convert_element_type3A_23, %cond3A_24 : i32
    scf.if %cond3A_25 {
      %iota3A = tpu.iota {dimensions = array<i32: 1>} : vector<1x256xi32>
      %mul3A = arith.constant 8192 : i32
      %mul3A_39 = arith.muli %arg0, %mul3A : i32
      %sub3A = arith.constant 100000 : i32
      %sub3A_40 = arith.subi %sub3A, %mul3A_39 : i32
      %lt3A_41 = vector.broadcast %sub3A_40 : i32 to vector<1x256xi32>
      %lt3A_42 = arith.cmpi slt, %iota3A, %lt3A_41 : vector<1x256xi32>
      %get3A_43 = arith.constant 0 : index
      %get3A_44 = arith.constant 0 : index
      %get3A_45 = vector.load %arg5[%get3A_43, %get3A_44] : memref<8192x64xf32, #tpu.memory_space<vmem>>, vector<256x64xf32>
      %convert_element_type3A_46 = arith.truncf %get3A_45 : vector<256x64xf32> to vector<256x64xbf16>
      %dot_general3A = arith.constant dense<0.000000e+00> : vector<1024x256xf32>
      %dot_general3A_47 = tpu.matmul %get3A_15, %convert_element_type3A_46, %dot_general3A {dimension_numbers = #tpu.dot_dimension_numbers<[1], [1], [0], [0], [0, 0, 1, 0], [], []>, transpose_lhs_hint = false} : vector<1024x64xbf16>, vector<256x64xbf16>, vector<1024x256xf32> -> vector<1024x256xf32>
      %exp23A = math.exp2 %dot_general3A_47 : vector<1024x256xf32>
      %jit3A = arith.constant 0.000000e+00 : f32
      %broadcast_in_dim3A = vector.shape_cast %lt3A_42 : vector<1x256xi1> to vector<1x256xi1>
      %broadcast_in_dim3A_48 = vector.broadcast %broadcast_in_dim3A : vector<1x256xi1> to vector<1024x256xi1>
      %broadcast_in_dim3A_49 = vector.broadcast %jit3A : f32 to vector<1024x256xf32>
      %select_n3A = arith.select %broadcast_in_dim3A_48, %exp23A, %broadcast_in_dim3A_49 : vector<1024x256xi1>, vector<1024x256xf32>
      %sub3A_50 = arith.constant 256 : i32
      %sub3A_51 = arith.subi %sub3A_40, %sub3A_50 : i32
      %lt3A_52 = vector.broadcast %sub3A_51 : i32 to vector<1x256xi32>
      %lt3A_53 = arith.cmpi slt, %iota3A, %lt3A_52 : vector<1x256xi32>
      %get3A_54 = arith.constant 256 : index
      %get3A_55 = arith.constant 0 : index
      %get3A_56 = vector.load %arg5[%get3A_54, %get3A_55] : memref<8192x64xf32, #tpu.memory_space<vmem>>, vector<256x64xf32>
      %convert_element_type3A_57 = arith.truncf %get3A_56 : vector<256x64xf32> to vector<256x64xbf16>
      %dot_general3A_58 = arith.constant dense<0.000000e+00> : vector<1024x256xf32>
      %dot_general3A_59 = tpu.matmul %get3A_15, %convert_element_type3A_57, %dot_general3A_58 {dimension_numbers = #tpu.dot_dimension_numbers<[1], [1], [0], [0], [0, 0, 1, 0], [], []>, transpose_lhs_hint = false} : vector<1024x64xbf16>, vector<256x64xbf16>, vector<1024x256xf32> -> vector<1024x256xf32>
      %exp23A_60 = math.exp2 %dot_general3A_59 : vector<1024x256xf32>
      %jit3A_61 = arith.constant 0.000000e+00 : f32
      %broadcast_in_dim3A_62 = vector.shape_cast %lt3A_53 : vector<1x256xi1> to vector<1x256xi1>
      %broadcast_in_dim3A_63 = vector.broadcast %broadcast_in_dim3A_62 : vector<1x256xi1> to vector<1024x256xi1>
      %broadcast_in_dim3A_64 = vector.broadcast %jit3A_61 : f32 to vector<1024x256xf32>
      %select_n3A_65 = arith.select %broadcast_in_dim3A_63, %exp23A_60, %broadcast_in_dim3A_64 : vector<1024x256xi1>, vector<1024x256xf32>
      %sub3A_66 = arith.constant 512 : i32
      %sub3A_67 = arith.subi %sub3A_40, %sub3A_66 : i32
      %lt3A_68 = vector.broadcast %sub3A_67 : i32 to vector<1x256xi32>
      %lt3A_69 = arith.cmpi slt, %iota3A, %lt3A_68 : vector<1x256xi32>
      %get3A_70 = arith.constant 512 : index
      %get3A_71 = arith.constant 0 : index
      %get3A_72 = vector.load %arg5[%get3A_70, %get3A_71] : memref<8192x64xf32, #tpu.memory_space<vmem>>, vector<256x64xf32>
      %convert_element_type3A_73 = arith.truncf %get3A_72 : vector<256x64xf32> to vector<256x64xbf16>
      %dot_general3A_74 = arith.constant dense<0.000000e+00> : vector<1024x256xf32>
      %dot_general3A_75 = tpu.matmul %get3A_15, %convert_element_type3A_73, %dot_general3A_74 {dimension_numbers = #tpu.dot_dimension_numbers<[1], [1], [0], [0], [0, 0, 1, 0], [], []>, transpose_lhs_hint = false} : vector<1024x64xbf16>, vector<256x64xbf16>, vector<1024x256xf32> -> vector<1024x256xf32>
      %exp23A_76 = math.exp2 %dot_general3A_75 : vector<1024x256xf32>
      %jit3A_77 = arith.constant 0.000000e+00 : f32
      %broadcast_in_dim3A_78 = vector.shape_cast %lt3A_69 : vector<1x256xi1> to vector<1x256xi1>
      %broadcast_in_dim3A_79 = vector.broadcast %broadcast_in_dim3A_78 : vector<1x256xi1> to vector<1024x256xi1>
      %broadcast_in_dim3A_80 = vector.broadcast %jit3A_77 : f32 to vector<1024x256xf32>
      %select_n3A_81 = arith.select %broadcast_in_dim3A_79, %exp23A_76, %broadcast_in_dim3A_80 : vector<1024x256xi1>, vector<1024x256xf32>
      %add3A = arith.addf %select_n3A, %select_n3A_81 : vector<1024x256xf32>
      %sub3A_82 = arith.constant 768 : i32
      %sub3A_83 = arith.subi %sub3A_40, %sub3A_82 : i32
      %lt3A_84 = vector.broadcast %sub3A_83 : i32 to vector<1x256xi32>
      %lt3A_85 = arith.cmpi slt, %iota3A, %lt3A_84 : vector<1x256xi32>
      %get3A_86 = arith.constant 768 : index
      %get3A_87 = arith.constant 0 : index
      %get3A_88 = vector.load %arg5[%get3A_86, %get3A_87] : memref<8192x64xf32, #tpu.memory_space<vmem>>, vector<256x64xf32>
      %convert_element_type3A_89 = arith.truncf %get3A_88 : vector<256x64xf32> to vector<256x64xbf16>
      %dot_general3A_90 = arith.constant dense<0.000000e+00> : vector<1024x256xf32>
      %dot_general3A_91 = tpu.matmul %get3A_15, %convert_element_type3A_89, %dot_general3A_90 {dimension_numbers = #tpu.dot_dimension_numbers<[1], [1], [0], [0], [0, 0, 1, 0], [], []>, transpose_lhs_hint = false} : vector<1024x64xbf16>, vector<256x64xbf16>, vector<1024x256xf32> -> vector<1024x256xf32>
      %exp23A_92 = math.exp2 %dot_general3A_91 : vector<1024x256xf32>
      %jit3A_93 = arith.constant 0.000000e+00 : f32
      %broadcast_in_dim3A_94 = vector.shape_cast %lt3A_85 : vector<1x256xi1> to vector<1x256xi1>
      %broadcast_in_dim3A_95 = vector.broadcast %broadcast_in_dim3A_94 : vector<1x256xi1> to vector<1024x256xi1>
      %broadcast_in_dim3A_96 = vector.broadcast %jit3A_93 : f32 to vector<1024x256xf32>
      %select_n3A_97 = arith.select %broadcast_in_dim3A_95, %exp23A_92, %broadcast_in_dim3A_96 : vector<1024x256xi1>, vector<1024x256xf32>
      %add3A_98 = arith.addf %select_n3A_65, %select_n3A_97 : vector<1024x256xf32>
      %sub3A_99 = arith.constant 1024 : i32
      %sub3A_100 = arith.subi %sub3A_40, %sub3A_99 : i32
      %lt3A_101 = vector.broadcast %sub3A_100 : i32 to vector<1x256xi32>
      %lt3A_102 = arith.cmpi slt, %iota3A, %lt3A_101 : vector<1x256xi32>
      %get3A_103 = arith.constant 1024 : index
      %get3A_104 = arith.constant 0 : index
      %get3A_105 = vector.load %arg5[%get3A_103, %get3A_104] : memref<8192x64xf32, #tpu.memory_space<vmem>>, vector<256x64xf32>
      %convert_element_type3A_106 = arith.truncf %get3A_105 : vector<256x64xf32> to vector<256x64xbf16>
      %dot_general3A_107 = arith.constant dense<0.000000e+00> : vector<1024x256xf32>
      %dot_general3A_108 = tpu.matmul %get3A_15, %convert_element_type3A_106, %dot_general3A_107 {dimension_numbers = #tpu.dot_dimension_numbers<[1], [1], [0], [0], [0, 0, 1, 0], [], []>, transpose_lhs_hint = false} : vector<1024x64xbf16>, vector<256x64xbf16>, vector<1024x256xf32> -> vector<1024x256xf32>
      %exp23A_109 = math.exp2 %dot_general3A_108 : vector<1024x256xf32>
      %jit3A_110 = arith.constant 0.000000e+00 : f32
      %broadcast_in_dim3A_111 = vector.shape_cast %lt3A_102 : vector<1x256xi1> to vector<1x256xi1>
      %broadcast_in_dim3A_112 = vector.broadcast %broadcast_in_dim3A_111 : vector<1x256xi1> to vector<1024x256xi1>
      %broadcast_in_dim3A_113 = vector.broadcast %jit3A_110 : f32 to vector<1024x256xf32>
      %select_n3A_114 = arith.select %broadcast_in_dim3A_112, %exp23A_109, %broadcast_in_dim3A_113 : vector<1024x256xi1>, vector<1024x256xf32>
      %add3A_115 = arith.addf %add3A, %select_n3A_114 : vector<1024x256xf32>
      %sub3A_116 = arith.constant 1280 : i32
      %sub3A_117 = arith.subi %sub3A_40, %sub3A_116 : i32
      %lt3A_118 = vector.broadcast %sub3A_117 : i32 to vector<1x256xi32>
      %lt3A_119 = arith.cmpi slt, %iota3A, %lt3A_118 : vector<1x256xi32>
      %get3A_120 = arith.constant 1280 : index
      %get3A_121 = arith.constant 0 : index
      %get3A_122 = vector.load %arg5[%get3A_120, %get3A_121] : memref<8192x64xf32, #tpu.memory_space<vmem>>, vector<256x64xf32>
      %convert_element_type3A_123 = arith.truncf %get3A_122 : vector<256x64xf32> to vector<256x64xbf16>
      %dot_general3A_124 = arith.constant dense<0.000000e+00> : vector<1024x256xf32>
      %dot_general3A_125 = tpu.matmul %get3A_15, %convert_element_type3A_123, %dot_general3A_124 {dimension_numbers = #tpu.dot_dimension_numbers<[1], [1], [0], [0], [0, 0, 1, 0], [], []>, transpose_lhs_hint = false} : vector<1024x64xbf16>, vector<256x64xbf16>, vector<1024x256xf32> -> vector<1024x256xf32>
      %exp23A_126 = math.exp2 %dot_general3A_125 : vector<1024x256xf32>
      %jit3A_127 = arith.constant 0.000000e+00 : f32
      %broadcast_in_dim3A_128 = vector.shape_cast %lt3A_119 : vector<1x256xi1> to vector<1x256xi1>
      %broadcast_in_dim3A_129 = vector.broadcast %broadcast_in_dim3A_128 : vector<1x256xi1> to vector<1024x256xi1>
      %broadcast_in_dim3A_130 = vector.broadcast %jit3A_127 : f32 to vector<1024x256xf32>
      %select_n3A_131 = arith.select %broadcast_in_dim3A_129, %exp23A_126, %broadcast_in_dim3A_130 : vector<1024x256xi1>, vector<1024x256xf32>
      %add3A_132 = arith.addf %add3A_98, %select_n3A_131 : vector<1024x256xf32>
      %sub3A_133 = arith.constant 1536 : i32
      %sub3A_134 = arith.subi %sub3A_40, %sub3A_133 : i32
      %lt3A_135 = vector.broadcast %sub3A_134 : i32 to vector<1x256xi32>
      %lt3A_136 = arith.cmpi slt, %iota3A, %lt3A_135 : vector<1x256xi32>
      %get3A_137 = arith.constant 1536 : index
      %get3A_138 = arith.constant 0 : index
      %get3A_139 = vector.load %arg5[%get3A_137, %get3A_138] : memref<8192x64xf32, #tpu.memory_space<vmem>>, vector<256x64xf32>
      %convert_element_type3A_140 = arith.truncf %get3A_139 : vector<256x64xf32> to vector<256x64xbf16>
      %dot_general3A_141 = arith.constant dense<0.000000e+00> : vector<1024x256xf32>
      %dot_general3A_142 = tpu.matmul %get3A_15, %convert_element_type3A_140, %dot_general3A_141 {dimension_numbers = #tpu.dot_dimension_numbers<[1], [1], [0], [0], [0, 0, 1, 0], [], []>, transpose_lhs_hint = false} : vector<1024x64xbf16>, vector<256x64xbf16>, vector<1024x256xf32> -> vector<1024x256xf32>
      %exp23A_143 = math.exp2 %dot_general3A_142 : vector<1024x256xf32>
      %jit3A_144 = arith.constant 0.000000e+00 : f32
      %broadcast_in_dim3A_145 = vector.shape_cast %lt3A_136 : vector<1x256xi1> to vector<1x256xi1>
      %broadcast_in_dim3A_146 = vector.broadcast %broadcast_in_dim3A_145 : vector<1x256xi1> to vector<1024x256xi1>
      %broadcast_in_dim3A_147 = vector.broadcast %jit3A_144 : f32 to vector<1024x256xf32>
      %select_n3A_148 = arith.select %broadcast_in_dim3A_146, %exp23A_143, %broadcast_in_dim3A_147 : vector<1024x256xi1>, vector<1024x256xf32>
      %add3A_149 = arith.addf %add3A_115, %select_n3A_148 : vector<1024x256xf32>
      %sub3A_150 = arith.constant 1792 : i32
      %sub3A_151 = arith.subi %sub3A_40, %sub3A_150 : i32
      %lt3A_152 = vector.broadcast %sub3A_151 : i32 to vector<1x256xi32>
      %lt3A_153 = arith.cmpi slt, %iota3A, %lt3A_152 : vector<1x256xi32>
      %get3A_154 = arith.constant 1792 : index
      %get3A_155 = arith.constant 0 : index
      %get3A_156 = vector.load %arg5[%get3A_154, %get3A_155] : memref<8192x64xf32, #tpu.memory_space<vmem>>, vector<256x64xf32>
      %convert_element_type3A_157 = arith.truncf %get3A_156 : vector<256x64xf32> to vector<256x64xbf16>
      %dot_general3A_158 = arith.constant dense<0.000000e+00> : vector<1024x256xf32>
      %dot_general3A_159 = tpu.matmul %get3A_15, %convert_element_type3A_157, %dot_general3A_158 {dimension_numbers = #tpu.dot_dimension_numbers<[1], [1], [0], [0], [0, 0, 1, 0], [], []>, transpose_lhs_hint = false} : vector<1024x64xbf16>, vector<256x64xbf16>, vector<1024x256xf32> -> vector<1024x256xf32>
      %exp23A_160 = math.exp2 %dot_general3A_159 : vector<1024x256xf32>
      %jit3A_161 = arith.constant 0.000000e+00 : f32
      %broadcast_in_dim3A_162 = vector.shape_cast %lt3A_153 : vector<1x256xi1> to vector<1x256xi1>
      %broadcast_in_dim3A_163 = vector.broadcast %broadcast_in_dim3A_162 : vector<1x256xi1> to vector<1024x256xi1>
      %broadcast_in_dim3A_164 = vector.broadcast %jit3A_161 : f32 to vector<1024x256xf32>
      %select_n3A_165 = arith.select %broadcast_in_dim3A_163, %exp23A_160, %broadcast_in_dim3A_164 : vector<1024x256xi1>, vector<1024x256xf32>
      %add3A_166 = arith.addf %add3A_132, %select_n3A_165 : vector<1024x256xf32>
      %sub3A_167 = arith.constant 2048 : i32
      %sub3A_168 = arith.subi %sub3A_40, %sub3A_167 : i32
      %lt3A_169 = vector.broadcast %sub3A_168 : i32 to vector<1x256xi32>
      %lt3A_170 = arith.cmpi slt, %iota3A, %lt3A_169 : vector<1x256xi32>
      %get3A_171 = arith.constant 2048 : index
      %get3A_172 = arith.constant 0 : index
      %get3A_173 = vector.load %arg5[%get3A_171, %get3A_172] : memref<8192x64xf32, #tpu.memory_space<vmem>>, vector<256x64xf32>
      %convert_element_type3A_174 = arith.truncf %get3A_173 : vector<256x64xf32> to vector<256x64xbf16>
      %dot_general3A_175 = arith.constant dense<0.000000e+00> : vector<1024x256xf32>
      %dot_general3A_176 = tpu.matmul %get3A_15, %convert_element_type3A_174, %dot_general3A_175 {dimension_numbers = #tpu.dot_dimension_numbers<[1], [1], [0], [0], [0, 0, 1, 0], [], []>, transpose_lhs_hint = false} : vector<1024x64xbf16>, vector<256x64xbf16>, vector<1024x256xf32> -> vector<1024x256xf32>
      %exp23A_177 = math.exp2 %dot_general3A_176 : vector<1024x256xf32>
      %jit3A_178 = arith.constant 0.000000e+00 : f32
      %broadcast_in_dim3A_179 = vector.shape_cast %lt3A_170 : vector<1x256xi1> to vector<1x256xi1>
      %broadcast_in_dim3A_180 = vector.broadcast %broadcast_in_dim3A_179 : vector<1x256xi1> to vector<1024x256xi1>
      %broadcast_in_dim3A_181 = vector.broadcast %jit3A_178 : f32 to vector<1024x256xf32>
      %select_n3A_182 = arith.select %broadcast_in_dim3A_180, %exp23A_177, %broadcast_in_dim3A_181 : vector<1024x256xi1>, vector<1024x256xf32>
      %add3A_183 = arith.addf %add3A_149, %select_n3A_182 : vector<1024x256xf32>
      %sub3A_184 = arith.constant 2304 : i32
      %sub3A_185 = arith.subi %sub3A_40, %sub3A_184 : i32
      %lt3A_186 = vector.broadcast %sub3A_185 : i32 to vector<1x256xi32>
      %lt3A_187 = arith.cmpi slt, %iota3A, %lt3A_186 : vector<1x256xi32>
      %get3A_188 = arith.constant 2304 : index
      %get3A_189 = arith.constant 0 : index
      %get3A_190 = vector.load %arg5[%get3A_188, %get3A_189] : memref<8192x64xf32, #tpu.memory_space<vmem>>, vector<256x64xf32>
      %convert_element_type3A_191 = arith.truncf %get3A_190 : vector<256x64xf32> to vector<256x64xbf16>
      %dot_general3A_192 = arith.constant dense<0.000000e+00> : vector<1024x256xf32>
      %dot_general3A_193 = tpu.matmul %get3A_15, %convert_element_type3A_191, %dot_general3A_192 {dimension_numbers = #tpu.dot_dimension_numbers<[1], [1], [0], [0], [0, 0, 1, 0], [], []>, transpose_lhs_hint = false} : vector<1024x64xbf16>, vector<256x64xbf16>, vector<1024x256xf32> -> vector<1024x256xf32>
      %exp23A_194 = math.exp2 %dot_general3A_193 : vector<1024x256xf32>
      %jit3A_195 = arith.constant 0.000000e+00 : f32
      %broadcast_in_dim3A_196 = vector.shape_cast %lt3A_187 : vector<1x256xi1> to vector<1x256xi1>
      %broadcast_in_dim3A_197 = vector.broadcast %broadcast_in_dim3A_196 : vector<1x256xi1> to vector<1024x256xi1>
      %broadcast_in_dim3A_198 = vector.broadcast %jit3A_195 : f32 to vector<1024x256xf32>
      %select_n3A_199 = arith.select %broadcast_in_dim3A_197, %exp23A_194, %broadcast_in_dim3A_198 : vector<1024x256xi1>, vector<1024x256xf32>
      %add3A_200 = arith.addf %add3A_166, %select_n3A_199 : vector<1024x256xf32>
      %sub3A_201 = arith.constant 2560 : i32
      %sub3A_202 = arith.subi %sub3A_40, %sub3A_201 : i32
      %lt3A_203 = vector.broadcast %sub3A_202 : i32 to vector<1x256xi32>
      %lt3A_204 = arith.cmpi slt, %iota3A, %lt3A_203 : vector<1x256xi32>
      %get3A_205 = arith.constant 2560 : index
      %get3A_206 = arith.constant 0 : index
      %get3A_207 = vector.load %arg5[%get3A_205, %get3A_206] : memref<8192x64xf32, #tpu.memory_space<vmem>>, vector<256x64xf32>
      %convert_element_type3A_208 = arith.truncf %get3A_207 : vector<256x64xf32> to vector<256x64xbf16>
      %dot_general3A_209 = arith.constant dense<0.000000e+00> : vector<1024x256xf32>
      %dot_general3A_210 = tpu.matmul %get3A_15, %convert_element_type3A_208, %dot_general3A_209 {dimension_numbers = #tpu.dot_dimension_numbers<[1], [1], [0], [0], [0, 0, 1, 0], [], []>, transpose_lhs_hint = false} : vector<1024x64xbf16>, vector<256x64xbf16>, vector<1024x256xf32> -> vector<1024x256xf32>
      %exp23A_211 = math.exp2 %dot_general3A_210 : vector<1024x256xf32>
      %jit3A_212 = arith.constant 0.000000e+00 : f32
      %broadcast_in_dim3A_213 = vector.shape_cast %lt3A_204 : vector<1x256xi1> to vector<1x256xi1>
      %broadcast_in_dim3A_214 = vector.broadcast %broadcast_in_dim3A_213 : vector<1x256xi1> to vector<1024x256xi1>
      %broadcast_in_dim3A_215 = vector.broadcast %jit3A_212 : f32 to vector<1024x256xf32>
      %select_n3A_216 = arith.select %broadcast_in_dim3A_214, %exp23A_211, %broadcast_in_dim3A_215 : vector<1024x256xi1>, vector<1024x256xf32>
      %add3A_217 = arith.addf %add3A_183, %select_n3A_216 : vector<1024x256xf32>
      %sub3A_218 = arith.constant 2816 : i32
      %sub3A_219 = arith.subi %sub3A_40, %sub3A_218 : i32
      %lt3A_220 = vector.broadcast %sub3A_219 : i32 to vector<1x256xi32>
      %lt3A_221 = arith.cmpi slt, %iota3A, %lt3A_220 : vector<1x256xi32>
      %get3A_222 = arith.constant 2816 : index
      %get3A_223 = arith.constant 0 : index
      %get3A_224 = vector.load %arg5[%get3A_222, %get3A_223] : memref<8192x64xf32, #tpu.memory_space<vmem>>, vector<256x64xf32>
      %convert_element_type3A_225 = arith.truncf %get3A_224 : vector<256x64xf32> to vector<256x64xbf16>
      %dot_general3A_226 = arith.constant dense<0.000000e+00> : vector<1024x256xf32>
      %dot_general3A_227 = tpu.matmul %get3A_15, %convert_element_type3A_225, %dot_general3A_226 {dimension_numbers = #tpu.dot_dimension_numbers<[1], [1], [0], [0], [0, 0, 1, 0], [], []>, transpose_lhs_hint = false} : vector<1024x64xbf16>, vector<256x64xbf16>, vector<1024x256xf32> -> vector<1024x256xf32>
      %exp23A_228 = math.exp2 %dot_general3A_227 : vector<1024x256xf32>
      %jit3A_229 = arith.constant 0.000000e+00 : f32
      %broadcast_in_dim3A_230 = vector.shape_cast %lt3A_221 : vector<1x256xi1> to vector<1x256xi1>
      %broadcast_in_dim3A_231 = vector.broadcast %broadcast_in_dim3A_230 : vector<1x256xi1> to vector<1024x256xi1>
      %broadcast_in_dim3A_232 = vector.broadcast %jit3A_229 : f32 to vector<1024x256xf32>
      %select_n3A_233 = arith.select %broadcast_in_dim3A_231, %exp23A_228, %broadcast_in_dim3A_232 : vector<1024x256xi1>, vector<1024x256xf32>
      %add3A_234 = arith.addf %add3A_200, %select_n3A_233 : vector<1024x256xf32>
      %sub3A_235 = arith.constant 3072 : i32
      %sub3A_236 = arith.subi %sub3A_40, %sub3A_235 : i32
      %lt3A_237 = vector.broadcast %sub3A_236 : i32 to vector<1x256xi32>
      %lt3A_238 = arith.cmpi slt, %iota3A, %lt3A_237 : vector<1x256xi32>
      %get3A_239 = arith.constant 3072 : index
      %get3A_240 = arith.constant 0 : index
      %get3A_241 = vector.load %arg5[%get3A_239, %get3A_240] : memref<8192x64xf32, #tpu.memory_space<vmem>>, vector<256x64xf32>
      %convert_element_type3A_242 = arith.truncf %get3A_241 : vector<256x64xf32> to vector<256x64xbf16>
      %dot_general3A_243 = arith.constant dense<0.000000e+00> : vector<1024x256xf32>
      %dot_general3A_244 = tpu.matmul %get3A_15, %convert_element_type3A_242, %dot_general3A_243 {dimension_numbers = #tpu.dot_dimension_numbers<[1], [1], [0], [0], [0, 0, 1, 0], [], []>, transpose_lhs_hint = false} : vector<1024x64xbf16>, vector<256x64xbf16>, vector<1024x256xf32> -> vector<1024x256xf32>
      %exp23A_245 = math.exp2 %dot_general3A_244 : vector<1024x256xf32>
      %jit3A_246 = arith.constant 0.000000e+00 : f32
      %broadcast_in_dim3A_247 = vector.shape_cast %lt3A_238 : vector<1x256xi1> to vector<1x256xi1>
      %broadcast_in_dim3A_248 = vector.broadcast %broadcast_in_dim3A_247 : vector<1x256xi1> to vector<1024x256xi1>
      %broadcast_in_dim3A_249 = vector.broadcast %jit3A_246 : f32 to vector<1024x256xf32>
      %select_n3A_250 = arith.select %broadcast_in_dim3A_248, %exp23A_245, %broadcast_in_dim3A_249 : vector<1024x256xi1>, vector<1024x256xf32>
      %add3A_251 = arith.addf %add3A_217, %select_n3A_250 : vector<1024x256xf32>
      %sub3A_252 = arith.constant 3328 : i32
      %sub3A_253 = arith.subi %sub3A_40, %sub3A_252 : i32
      %lt3A_254 = vector.broadcast %sub3A_253 : i32 to vector<1x256xi32>
      %lt3A_255 = arith.cmpi slt, %iota3A, %lt3A_254 : vector<1x256xi32>
      %get3A_256 = arith.constant 3328 : index
      %get3A_257 = arith.constant 0 : index
      %get3A_258 = vector.load %arg5[%get3A_256, %get3A_257] : memref<8192x64xf32, #tpu.memory_space<vmem>>, vector<256x64xf32>
      %convert_element_type3A_259 = arith.truncf %get3A_258 : vector<256x64xf32> to vector<256x64xbf16>
      %dot_general3A_260 = arith.constant dense<0.000000e+00> : vector<1024x256xf32>
      %dot_general3A_261 = tpu.matmul %get3A_15, %convert_element_type3A_259, %dot_general3A_260 {dimension_numbers = #tpu.dot_dimension_numbers<[1], [1], [0], [0], [0, 0, 1, 0], [], []>, transpose_lhs_hint = false} : vector<1024x64xbf16>, vector<256x64xbf16>, vector<1024x256xf32> -> vector<1024x256xf32>
      %exp23A_262 = math.exp2 %dot_general3A_261 : vector<1024x256xf32>
      %jit3A_263 = arith.constant 0.000000e+00 : f32
      %broadcast_in_dim3A_264 = vector.shape_cast %lt3A_255 : vector<1x256xi1> to vector<1x256xi1>
      %broadcast_in_dim3A_265 = vector.broadcast %broadcast_in_dim3A_264 : vector<1x256xi1> to vector<1024x256xi1>
      %broadcast_in_dim3A_266 = vector.broadcast %jit3A_263 : f32 to vector<1024x256xf32>
      %select_n3A_267 = arith.select %broadcast_in_dim3A_265, %exp23A_262, %broadcast_in_dim3A_266 : vector<1024x256xi1>, vector<1024x256xf32>
      %add3A_268 = arith.addf %add3A_234, %select_n3A_267 : vector<1024x256xf32>
      %sub3A_269 = arith.constant 3584 : i32
      %sub3A_270 = arith.subi %sub3A_40, %sub3A_269 : i32
      %lt3A_271 = vector.broadcast %sub3A_270 : i32 to vector<1x256xi32>
      %lt3A_272 = arith.cmpi slt, %iota3A, %lt3A_271 : vector<1x256xi32>
      %get3A_273 = arith.constant 3584 : index
      %get3A_274 = arith.constant 0 : index
      %get3A_275 = vector.load %arg5[%get3A_273, %get3A_274] : memref<8192x64xf32, #tpu.memory_space<vmem>>, vector<256x64xf32>
      %convert_element_type3A_276 = arith.truncf %get3A_275 : vector<256x64xf32> to vector<256x64xbf16>
      %dot_general3A_277 = arith.constant dense<0.000000e+00> : vector<1024x256xf32>
      %dot_general3A_278 = tpu.matmul %get3A_15, %convert_element_type3A_276, %dot_general3A_277 {dimension_numbers = #tpu.dot_dimension_numbers<[1], [1], [0], [0], [0, 0, 1, 0], [], []>, transpose_lhs_hint = false} : vector<1024x64xbf16>, vector<256x64xbf16>, vector<1024x256xf32> -> vector<1024x256xf32>
      %exp23A_279 = math.exp2 %dot_general3A_278 : vector<1024x256xf32>
      %jit3A_280 = arith.constant 0.000000e+00 : f32
      %broadcast_in_dim3A_281 = vector.shape_cast %lt3A_272 : vector<1x256xi1> to vector<1x256xi1>
      %broadcast_in_dim3A_282 = vector.broadcast %broadcast_in_dim3A_281 : vector<1x256xi1> to vector<1024x256xi1>
      %broadcast_in_dim3A_283 = vector.broadcast %jit3A_280 : f32 to vector<1024x256xf32>
      %select_n3A_284 = arith.select %broadcast_in_dim3A_282, %exp23A_279, %broadcast_in_dim3A_283 : vector<1024x256xi1>, vector<1024x256xf32>
      %add3A_285 = arith.addf %add3A_251, %select_n3A_284 : vector<1024x256xf32>
      %sub3A_286 = arith.constant 3840 : i32
      %sub3A_287 = arith.subi %sub3A_40, %sub3A_286 : i32
      %lt3A_288 = vector.broadcast %sub3A_287 : i32 to vector<1x256xi32>
      %lt3A_289 = arith.cmpi slt, %iota3A, %lt3A_288 : vector<1x256xi32>
      %get3A_290 = arith.constant 3840 : index
      %get3A_291 = arith.constant 0 : index
      %get3A_292 = vector.load %arg5[%get3A_290, %get3A_291] : memref<8192x64xf32, #tpu.memory_space<vmem>>, vector<256x64xf32>
      %convert_element_type3A_293 = arith.truncf %get3A_292 : vector<256x64xf32> to vector<256x64xbf16>
      %dot_general3A_294 = arith.constant dense<0.000000e+00> : vector<1024x256xf32>
      %dot_general3A_295 = tpu.matmul %get3A_15, %convert_element_type3A_293, %dot_general3A_294 {dimension_numbers = #tpu.dot_dimension_numbers<[1], [1], [0], [0], [0, 0, 1, 0], [], []>, transpose_lhs_hint = false} : vector<1024x64xbf16>, vector<256x64xbf16>, vector<1024x256xf32> -> vector<1024x256xf32>
      %exp23A_296 = math.exp2 %dot_general3A_295 : vector<1024x256xf32>
      %jit3A_297 = arith.constant 0.000000e+00 : f32
      %broadcast_in_dim3A_298 = vector.shape_cast %lt3A_289 : vector<1x256xi1> to vector<1x256xi1>
      %broadcast_in_dim3A_299 = vector.broadcast %broadcast_in_dim3A_298 : vector<1x256xi1> to vector<1024x256xi1>
      %broadcast_in_dim3A_300 = vector.broadcast %jit3A_297 : f32 to vector<1024x256xf32>
      %select_n3A_301 = arith.select %broadcast_in_dim3A_299, %exp23A_296, %broadcast_in_dim3A_300 : vector<1024x256xi1>, vector<1024x256xf32>
      %add3A_302 = arith.addf %add3A_268, %select_n3A_301 : vector<1024x256xf32>
      %sub3A_303 = arith.constant 4096 : i32
      %sub3A_304 = arith.subi %sub3A_40, %sub3A_303 : i32
      %lt3A_305 = vector.broadcast %sub3A_304 : i32 to vector<1x256xi32>
      %lt3A_306 = arith.cmpi slt, %iota3A, %lt3A_305 : vector<1x256xi32>
      %get3A_307 = arith.constant 4096 : index
      %get3A_308 = arith.constant 0 : index
      %get3A_309 = vector.load %arg5[%get3A_307, %get3A_308] : memref<8192x64xf32, #tpu.memory_space<vmem>>, vector<256x64xf32>
      %convert_element_type3A_310 = arith.truncf %get3A_309 : vector<256x64xf32> to vector<256x64xbf16>
      %dot_general3A_311 = arith.constant dense<0.000000e+00> : vector<1024x256xf32>
      %dot_general3A_312 = tpu.matmul %get3A_15, %convert_element_type3A_310, %dot_general3A_311 {dimension_numbers = #tpu.dot_dimension_numbers<[1], [1], [0], [0], [0, 0, 1, 0], [], []>, transpose_lhs_hint = false} : vector<1024x64xbf16>, vector<256x64xbf16>, vector<1024x256xf32> -> vector<1024x256xf32>
      %exp23A_313 = math.exp2 %dot_general3A_312 : vector<1024x256xf32>
      %jit3A_314 = arith.constant 0.000000e+00 : f32
      %broadcast_in_dim3A_315 = vector.shape_cast %lt3A_306 : vector<1x256xi1> to vector<1x256xi1>
      %broadcast_in_dim3A_316 = vector.broadcast %broadcast_in_dim3A_315 : vector<1x256xi1> to vector<1024x256xi1>
      %broadcast_in_dim3A_317 = vector.broadcast %jit3A_314 : f32 to vector<1024x256xf32>
      %select_n3A_318 = arith.select %broadcast_in_dim3A_316, %exp23A_313, %broadcast_in_dim3A_317 : vector<1024x256xi1>, vector<1024x256xf32>
      %add3A_319 = arith.addf %add3A_285, %select_n3A_318 : vector<1024x256xf32>
      %sub3A_320 = arith.constant 4352 : i32
      %sub3A_321 = arith.subi %sub3A_40, %sub3A_320 : i32
      %lt3A_322 = vector.broadcast %sub3A_321 : i32 to vector<1x256xi32>
      %lt3A_323 = arith.cmpi slt, %iota3A, %lt3A_322 : vector<1x256xi32>
      %get3A_324 = arith.constant 4352 : index
      %get3A_325 = arith.constant 0 : index
      %get3A_326 = vector.load %arg5[%get3A_324, %get3A_325] : memref<8192x64xf32, #tpu.memory_space<vmem>>, vector<256x64xf32>
      %convert_element_type3A_327 = arith.truncf %get3A_326 : vector<256x64xf32> to vector<256x64xbf16>
      %dot_general3A_328 = arith.constant dense<0.000000e+00> : vector<1024x256xf32>
      %dot_general3A_329 = tpu.matmul %get3A_15, %convert_element_type3A_327, %dot_general3A_328 {dimension_numbers = #tpu.dot_dimension_numbers<[1], [1], [0], [0], [0, 0, 1, 0], [], []>, transpose_lhs_hint = false} : vector<1024x64xbf16>, vector<256x64xbf16>, vector<1024x256xf32> -> vector<1024x256xf32>
      %exp23A_330 = math.exp2 %dot_general3A_329 : vector<1024x256xf32>
      %jit3A_331 = arith.constant 0.000000e+00 : f32
      %broadcast_in_dim3A_332 = vector.shape_cast %lt3A_323 : vector<1x256xi1> to vector<1x256xi1>
      %broadcast_in_dim3A_333 = vector.broadcast %broadcast_in_dim3A_332 : vector<1x256xi1> to vector<1024x256xi1>
      %broadcast_in_dim3A_334 = vector.broadcast %jit3A_331 : f32 to vector<1024x256xf32>
      %select_n3A_335 = arith.select %broadcast_in_dim3A_333, %exp23A_330, %broadcast_in_dim3A_334 : vector<1024x256xi1>, vector<1024x256xf32>
      %add3A_336 = arith.addf %add3A_302, %select_n3A_335 : vector<1024x256xf32>
      %sub3A_337 = arith.constant 4608 : i32
      %sub3A_338 = arith.subi %sub3A_40, %sub3A_337 : i32
      %lt3A_339 = vector.broadcast %sub3A_338 : i32 to vector<1x256xi32>
      %lt3A_340 = arith.cmpi slt, %iota3A, %lt3A_339 : vector<1x256xi32>
      %get3A_341 = arith.constant 4608 : index
      %get3A_342 = arith.constant 0 : index
      %get3A_343 = vector.load %arg5[%get3A_341, %get3A_342] : memref<8192x64xf32, #tpu.memory_space<vmem>>, vector<256x64xf32>
      %convert_element_type3A_344 = arith.truncf %get3A_343 : vector<256x64xf32> to vector<256x64xbf16>
      %dot_general3A_345 = arith.constant dense<0.000000e+00> : vector<1024x256xf32>
      %dot_general3A_346 = tpu.matmul %get3A_15, %convert_element_type3A_344, %dot_general3A_345 {dimension_numbers = #tpu.dot_dimension_numbers<[1], [1], [0], [0], [0, 0, 1, 0], [], []>, transpose_lhs_hint = false} : vector<1024x64xbf16>, vector<256x64xbf16>, vector<1024x256xf32> -> vector<1024x256xf32>
      %exp23A_347 = math.exp2 %dot_general3A_346 : vector<1024x256xf32>
      %jit3A_348 = arith.constant 0.000000e+00 : f32
      %broadcast_in_dim3A_349 = vector.shape_cast %lt3A_340 : vector<1x256xi1> to vector<1x256xi1>
      %broadcast_in_dim3A_350 = vector.broadcast %broadcast_in_dim3A_349 : vector<1x256xi1> to vector<1024x256xi1>
      %broadcast_in_dim3A_351 = vector.broadcast %jit3A_348 : f32 to vector<1024x256xf32>
      %select_n3A_352 = arith.select %broadcast_in_dim3A_350, %exp23A_347, %broadcast_in_dim3A_351 : vector<1024x256xi1>, vector<1024x256xf32>
      %add3A_353 = arith.addf %add3A_319, %select_n3A_352 : vector<1024x256xf32>
      %sub3A_354 = arith.constant 4864 : i32
      %sub3A_355 = arith.subi %sub3A_40, %sub3A_354 : i32
      %lt3A_356 = vector.broadcast %sub3A_355 : i32 to vector<1x256xi32>
      %lt3A_357 = arith.cmpi slt, %iota3A, %lt3A_356 : vector<1x256xi32>
      %get3A_358 = arith.constant 4864 : index
      %get3A_359 = arith.constant 0 : index
      %get3A_360 = vector.load %arg5[%get3A_358, %get3A_359] : memref<8192x64xf32, #tpu.memory_space<vmem>>, vector<256x64xf32>
      %convert_element_type3A_361 = arith.truncf %get3A_360 : vector<256x64xf32> to vector<256x64xbf16>
      %dot_general3A_362 = arith.constant dense<0.000000e+00> : vector<1024x256xf32>
      %dot_general3A_363 = tpu.matmul %get3A_15, %convert_element_type3A_361, %dot_general3A_362 {dimension_numbers = #tpu.dot_dimension_numbers<[1], [1], [0], [0], [0, 0, 1, 0], [], []>, transpose_lhs_hint = false} : vector<1024x64xbf16>, vector<256x64xbf16>, vector<1024x256xf32> -> vector<1024x256xf32>
      %exp23A_364 = math.exp2 %dot_general3A_363 : vector<1024x256xf32>
      %jit3A_365 = arith.constant 0.000000e+00 : f32
      %broadcast_in_dim3A_366 = vector.shape_cast %lt3A_357 : vector<1x256xi1> to vector<1x256xi1>
      %broadcast_in_dim3A_367 = vector.broadcast %broadcast_in_dim3A_366 : vector<1x256xi1> to vector<1024x256xi1>
      %broadcast_in_dim3A_368 = vector.broadcast %jit3A_365 : f32 to vector<1024x256xf32>
      %select_n3A_369 = arith.select %broadcast_in_dim3A_367, %exp23A_364, %broadcast_in_dim3A_368 : vector<1024x256xi1>, vector<1024x256xf32>
      %add3A_370 = arith.addf %add3A_336, %select_n3A_369 : vector<1024x256xf32>
      %sub3A_371 = arith.constant 5120 : i32
      %sub3A_372 = arith.subi %sub3A_40, %sub3A_371 : i32
      %lt3A_373 = vector.broadcast %sub3A_372 : i32 to vector<1x256xi32>
      %lt3A_374 = arith.cmpi slt, %iota3A, %lt3A_373 : vector<1x256xi32>
      %get3A_375 = arith.constant 5120 : index
      %get3A_376 = arith.constant 0 : index
      %get3A_377 = vector.load %arg5[%get3A_375, %get3A_376] : memref<8192x64xf32, #tpu.memory_space<vmem>>, vector<256x64xf32>
      %convert_element_type3A_378 = arith.truncf %get3A_377 : vector<256x64xf32> to vector<256x64xbf16>
      %dot_general3A_379 = arith.constant dense<0.000000e+00> : vector<1024x256xf32>
      %dot_general3A_380 = tpu.matmul %get3A_15, %convert_element_type3A_378, %dot_general3A_379 {dimension_numbers = #tpu.dot_dimension_numbers<[1], [1], [0], [0], [0, 0, 1, 0], [], []>, transpose_lhs_hint = false} : vector<1024x64xbf16>, vector<256x64xbf16>, vector<1024x256xf32> -> vector<1024x256xf32>
      %exp23A_381 = math.exp2 %dot_general3A_380 : vector<1024x256xf32>
      %jit3A_382 = arith.constant 0.000000e+00 : f32
      %broadcast_in_dim3A_383 = vector.shape_cast %lt3A_374 : vector<1x256xi1> to vector<1x256xi1>
      %broadcast_in_dim3A_384 = vector.broadcast %broadcast_in_dim3A_383 : vector<1x256xi1> to vector<1024x256xi1>
      %broadcast_in_dim3A_385 = vector.broadcast %jit3A_382 : f32 to vector<1024x256xf32>
      %select_n3A_386 = arith.select %broadcast_in_dim3A_384, %exp23A_381, %broadcast_in_dim3A_385 : vector<1024x256xi1>, vector<1024x256xf32>
      %add3A_387 = arith.addf %add3A_353, %select_n3A_386 : vector<1024x256xf32>
      %sub3A_388 = arith.constant 5376 : i32
      %sub3A_389 = arith.subi %sub3A_40, %sub3A_388 : i32
      %lt3A_390 = vector.broadcast %sub3A_389 : i32 to vector<1x256xi32>
      %lt3A_391 = arith.cmpi slt, %iota3A, %lt3A_390 : vector<1x256xi32>
      %get3A_392 = arith.constant 5376 : index
      %get3A_393 = arith.constant 0 : index
      %get3A_394 = vector.load %arg5[%get3A_392, %get3A_393] : memref<8192x64xf32, #tpu.memory_space<vmem>>, vector<256x64xf32>
      %convert_element_type3A_395 = arith.truncf %get3A_394 : vector<256x64xf32> to vector<256x64xbf16>
      %dot_general3A_396 = arith.constant dense<0.000000e+00> : vector<1024x256xf32>
      %dot_general3A_397 = tpu.matmul %get3A_15, %convert_element_type3A_395, %dot_general3A_396 {dimension_numbers = #tpu.dot_dimension_numbers<[1], [1], [0], [0], [0, 0, 1, 0], [], []>, transpose_lhs_hint = false} : vector<1024x64xbf16>, vector<256x64xbf16>, vector<1024x256xf32> -> vector<1024x256xf32>
      %exp23A_398 = math.exp2 %dot_general3A_397 : vector<1024x256xf32>
      %jit3A_399 = arith.constant 0.000000e+00 : f32
      %broadcast_in_dim3A_400 = vector.shape_cast %lt3A_391 : vector<1x256xi1> to vector<1x256xi1>
      %broadcast_in_dim3A_401 = vector.broadcast %broadcast_in_dim3A_400 : vector<1x256xi1> to vector<1024x256xi1>
      %broadcast_in_dim3A_402 = vector.broadcast %jit3A_399 : f32 to vector<1024x256xf32>
      %select_n3A_403 = arith.select %broadcast_in_dim3A_401, %exp23A_398, %broadcast_in_dim3A_402 : vector<1024x256xi1>, vector<1024x256xf32>
      %add3A_404 = arith.addf %add3A_370, %select_n3A_403 : vector<1024x256xf32>
      %sub3A_405 = arith.constant 5632 : i32
      %sub3A_406 = arith.subi %sub3A_40, %sub3A_405 : i32
      %lt3A_407 = vector.broadcast %sub3A_406 : i32 to vector<1x256xi32>
      %lt3A_408 = arith.cmpi slt, %iota3A, %lt3A_407 : vector<1x256xi32>
      %get3A_409 = arith.constant 5632 : index
      %get3A_410 = arith.constant 0 : index
      %get3A_411 = vector.load %arg5[%get3A_409, %get3A_410] : memref<8192x64xf32, #tpu.memory_space<vmem>>, vector<256x64xf32>
      %convert_element_type3A_412 = arith.truncf %get3A_411 : vector<256x64xf32> to vector<256x64xbf16>
      %dot_general3A_413 = arith.constant dense<0.000000e+00> : vector<1024x256xf32>
      %dot_general3A_414 = tpu.matmul %get3A_15, %convert_element_type3A_412, %dot_general3A_413 {dimension_numbers = #tpu.dot_dimension_numbers<[1], [1], [0], [0], [0, 0, 1, 0], [], []>, transpose_lhs_hint = false} : vector<1024x64xbf16>, vector<256x64xbf16>, vector<1024x256xf32> -> vector<1024x256xf32>
      %exp23A_415 = math.exp2 %dot_general3A_414 : vector<1024x256xf32>
      %jit3A_416 = arith.constant 0.000000e+00 : f32
      %broadcast_in_dim3A_417 = vector.shape_cast %lt3A_408 : vector<1x256xi1> to vector<1x256xi1>
      %broadcast_in_dim3A_418 = vector.broadcast %broadcast_in_dim3A_417 : vector<1x256xi1> to vector<1024x256xi1>
      %broadcast_in_dim3A_419 = vector.broadcast %jit3A_416 : f32 to vector<1024x256xf32>
      %select_n3A_420 = arith.select %broadcast_in_dim3A_418, %exp23A_415, %broadcast_in_dim3A_419 : vector<1024x256xi1>, vector<1024x256xf32>
      %add3A_421 = arith.addf %add3A_387, %select_n3A_420 : vector<1024x256xf32>
      %sub3A_422 = arith.constant 5888 : i32
      %sub3A_423 = arith.subi %sub3A_40, %sub3A_422 : i32
      %lt3A_424 = vector.broadcast %sub3A_423 : i32 to vector<1x256xi32>
      %lt3A_425 = arith.cmpi slt, %iota3A, %lt3A_424 : vector<1x256xi32>
      %get3A_426 = arith.constant 5888 : index
      %get3A_427 = arith.constant 0 : index
      %get3A_428 = vector.load %arg5[%get3A_426, %get3A_427] : memref<8192x64xf32, #tpu.memory_space<vmem>>, vector<256x64xf32>
      %convert_element_type3A_429 = arith.truncf %get3A_428 : vector<256x64xf32> to vector<256x64xbf16>
      %dot_general3A_430 = arith.constant dense<0.000000e+00> : vector<1024x256xf32>
      %dot_general3A_431 = tpu.matmul %get3A_15, %convert_element_type3A_429, %dot_general3A_430 {dimension_numbers = #tpu.dot_dimension_numbers<[1], [1], [0], [0], [0, 0, 1, 0], [], []>, transpose_lhs_hint = false} : vector<1024x64xbf16>, vector<256x64xbf16>, vector<1024x256xf32> -> vector<1024x256xf32>
      %exp23A_432 = math.exp2 %dot_general3A_431 : vector<1024x256xf32>
      %jit3A_433 = arith.constant 0.000000e+00 : f32
      %broadcast_in_dim3A_434 = vector.shape_cast %lt3A_425 : vector<1x256xi1> to vector<1x256xi1>
      %broadcast_in_dim3A_435 = vector.broadcast %broadcast_in_dim3A_434 : vector<1x256xi1> to vector<1024x256xi1>
      %broadcast_in_dim3A_436 = vector.broadcast %jit3A_433 : f32 to vector<1024x256xf32>
      %select_n3A_437 = arith.select %broadcast_in_dim3A_435, %exp23A_432, %broadcast_in_dim3A_436 : vector<1024x256xi1>, vector<1024x256xf32>
      %add3A_438 = arith.addf %add3A_404, %select_n3A_437 : vector<1024x256xf32>
      %sub3A_439 = arith.constant 6144 : i32
      %sub3A_440 = arith.subi %sub3A_40, %sub3A_439 : i32
      %lt3A_441 = vector.broadcast %sub3A_440 : i32 to vector<1x256xi32>
      %lt3A_442 = arith.cmpi slt, %iota3A, %lt3A_441 : vector<1x256xi32>
      %get3A_443 = arith.constant 6144 : index
      %get3A_444 = arith.constant 0 : index
      %get3A_445 = vector.load %arg5[%get3A_443, %get3A_444] : memref<8192x64xf32, #tpu.memory_space<vmem>>, vector<256x64xf32>
      %convert_element_type3A_446 = arith.truncf %get3A_445 : vector<256x64xf32> to vector<256x64xbf16>
      %dot_general3A_447 = arith.constant dense<0.000000e+00> : vector<1024x256xf32>
      %dot_general3A_448 = tpu.matmul %get3A_15, %convert_element_type3A_446, %dot_general3A_447 {dimension_numbers = #tpu.dot_dimension_numbers<[1], [1], [0], [0], [0, 0, 1, 0], [], []>, transpose_lhs_hint = false} : vector<1024x64xbf16>, vector<256x64xbf16>, vector<1024x256xf32> -> vector<1024x256xf32>
      %exp23A_449 = math.exp2 %dot_general3A_448 : vector<1024x256xf32>
      %jit3A_450 = arith.constant 0.000000e+00 : f32
      %broadcast_in_dim3A_451 = vector.shape_cast %lt3A_442 : vector<1x256xi1> to vector<1x256xi1>
      %broadcast_in_dim3A_452 = vector.broadcast %broadcast_in_dim3A_451 : vector<1x256xi1> to vector<1024x256xi1>
      %broadcast_in_dim3A_453 = vector.broadcast %jit3A_450 : f32 to vector<1024x256xf32>
      %select_n3A_454 = arith.select %broadcast_in_dim3A_452, %exp23A_449, %broadcast_in_dim3A_453 : vector<1024x256xi1>, vector<1024x256xf32>
      %add3A_455 = arith.addf %add3A_421, %select_n3A_454 : vector<1024x256xf32>
      %sub3A_456 = arith.constant 6400 : i32
      %sub3A_457 = arith.subi %sub3A_40, %sub3A_456 : i32
      %lt3A_458 = vector.broadcast %sub3A_457 : i32 to vector<1x256xi32>
      %lt3A_459 = arith.cmpi slt, %iota3A, %lt3A_458 : vector<1x256xi32>
      %get3A_460 = arith.constant 6400 : index
      %get3A_461 = arith.constant 0 : index
      %get3A_462 = vector.load %arg5[%get3A_460, %get3A_461] : memref<8192x64xf32, #tpu.memory_space<vmem>>, vector<256x64xf32>
      %convert_element_type3A_463 = arith.truncf %get3A_462 : vector<256x64xf32> to vector<256x64xbf16>
      %dot_general3A_464 = arith.constant dense<0.000000e+00> : vector<1024x256xf32>
      %dot_general3A_465 = tpu.matmul %get3A_15, %convert_element_type3A_463, %dot_general3A_464 {dimension_numbers = #tpu.dot_dimension_numbers<[1], [1], [0], [0], [0, 0, 1, 0], [], []>, transpose_lhs_hint = false} : vector<1024x64xbf16>, vector<256x64xbf16>, vector<1024x256xf32> -> vector<1024x256xf32>
      %exp23A_466 = math.exp2 %dot_general3A_465 : vector<1024x256xf32>
      %jit3A_467 = arith.constant 0.000000e+00 : f32
      %broadcast_in_dim3A_468 = vector.shape_cast %lt3A_459 : vector<1x256xi1> to vector<1x256xi1>
      %broadcast_in_dim3A_469 = vector.broadcast %broadcast_in_dim3A_468 : vector<1x256xi1> to vector<1024x256xi1>
      %broadcast_in_dim3A_470 = vector.broadcast %jit3A_467 : f32 to vector<1024x256xf32>
      %select_n3A_471 = arith.select %broadcast_in_dim3A_469, %exp23A_466, %broadcast_in_dim3A_470 : vector<1024x256xi1>, vector<1024x256xf32>
      %add3A_472 = arith.addf %add3A_438, %select_n3A_471 : vector<1024x256xf32>
      %sub3A_473 = arith.constant 6656 : i32
      %sub3A_474 = arith.subi %sub3A_40, %sub3A_473 : i32
      %lt3A_475 = vector.broadcast %sub3A_474 : i32 to vector<1x256xi32>
      %lt3A_476 = arith.cmpi slt, %iota3A, %lt3A_475 : vector<1x256xi32>
      %get3A_477 = arith.constant 6656 : index
      %get3A_478 = arith.constant 0 : index
      %get3A_479 = vector.load %arg5[%get3A_477, %get3A_478] : memref<8192x64xf32, #tpu.memory_space<vmem>>, vector<256x64xf32>
      %convert_element_type3A_480 = arith.truncf %get3A_479 : vector<256x64xf32> to vector<256x64xbf16>
      %dot_general3A_481 = arith.constant dense<0.000000e+00> : vector<1024x256xf32>
      %dot_general3A_482 = tpu.matmul %get3A_15, %convert_element_type3A_480, %dot_general3A_481 {dimension_numbers = #tpu.dot_dimension_numbers<[1], [1], [0], [0], [0, 0, 1, 0], [], []>, transpose_lhs_hint = false} : vector<1024x64xbf16>, vector<256x64xbf16>, vector<1024x256xf32> -> vector<1024x256xf32>
      %exp23A_483 = math.exp2 %dot_general3A_482 : vector<1024x256xf32>
      %jit3A_484 = arith.constant 0.000000e+00 : f32
      %broadcast_in_dim3A_485 = vector.shape_cast %lt3A_476 : vector<1x256xi1> to vector<1x256xi1>
      %broadcast_in_dim3A_486 = vector.broadcast %broadcast_in_dim3A_485 : vector<1x256xi1> to vector<1024x256xi1>
      %broadcast_in_dim3A_487 = vector.broadcast %jit3A_484 : f32 to vector<1024x256xf32>
      %select_n3A_488 = arith.select %broadcast_in_dim3A_486, %exp23A_483, %broadcast_in_dim3A_487 : vector<1024x256xi1>, vector<1024x256xf32>
      %add3A_489 = arith.addf %add3A_455, %select_n3A_488 : vector<1024x256xf32>
      %sub3A_490 = arith.constant 6912 : i32
      %sub3A_491 = arith.subi %sub3A_40, %sub3A_490 : i32
      %lt3A_492 = vector.broadcast %sub3A_491 : i32 to vector<1x256xi32>
      %lt3A_493 = arith.cmpi slt, %iota3A, %lt3A_492 : vector<1x256xi32>
      %get3A_494 = arith.constant 6912 : index
      %get3A_495 = arith.constant 0 : index
      %get3A_496 = vector.load %arg5[%get3A_494, %get3A_495] : memref<8192x64xf32, #tpu.memory_space<vmem>>, vector<256x64xf32>
      %convert_element_type3A_497 = arith.truncf %get3A_496 : vector<256x64xf32> to vector<256x64xbf16>
      %dot_general3A_498 = arith.constant dense<0.000000e+00> : vector<1024x256xf32>
      %dot_general3A_499 = tpu.matmul %get3A_15, %convert_element_type3A_497, %dot_general3A_498 {dimension_numbers = #tpu.dot_dimension_numbers<[1], [1], [0], [0], [0, 0, 1, 0], [], []>, transpose_lhs_hint = false} : vector<1024x64xbf16>, vector<256x64xbf16>, vector<1024x256xf32> -> vector<1024x256xf32>
      %exp23A_500 = math.exp2 %dot_general3A_499 : vector<1024x256xf32>
      %jit3A_501 = arith.constant 0.000000e+00 : f32
      %broadcast_in_dim3A_502 = vector.shape_cast %lt3A_493 : vector<1x256xi1> to vector<1x256xi1>
      %broadcast_in_dim3A_503 = vector.broadcast %broadcast_in_dim3A_502 : vector<1x256xi1> to vector<1024x256xi1>
      %broadcast_in_dim3A_504 = vector.broadcast %jit3A_501 : f32 to vector<1024x256xf32>
      %select_n3A_505 = arith.select %broadcast_in_dim3A_503, %exp23A_500, %broadcast_in_dim3A_504 : vector<1024x256xi1>, vector<1024x256xf32>
      %add3A_506 = arith.addf %add3A_472, %select_n3A_505 : vector<1024x256xf32>
      %sub3A_507 = arith.constant 7168 : i32
      %sub3A_508 = arith.subi %sub3A_40, %sub3A_507 : i32
      %lt3A_509 = vector.broadcast %sub3A_508 : i32 to vector<1x256xi32>
      %lt3A_510 = arith.cmpi slt, %iota3A, %lt3A_509 : vector<1x256xi32>
      %get3A_511 = arith.constant 7168 : index
      %get3A_512 = arith.constant 0 : index
      %get3A_513 = vector.load %arg5[%get3A_511, %get3A_512] : memref<8192x64xf32, #tpu.memory_space<vmem>>, vector<256x64xf32>
      %convert_element_type3A_514 = arith.truncf %get3A_513 : vector<256x64xf32> to vector<256x64xbf16>
      %dot_general3A_515 = arith.constant dense<0.000000e+00> : vector<1024x256xf32>
      %dot_general3A_516 = tpu.matmul %get3A_15, %convert_element_type3A_514, %dot_general3A_515 {dimension_numbers = #tpu.dot_dimension_numbers<[1], [1], [0], [0], [0, 0, 1, 0], [], []>, transpose_lhs_hint = false} : vector<1024x64xbf16>, vector<256x64xbf16>, vector<1024x256xf32> -> vector<1024x256xf32>
      %exp23A_517 = math.exp2 %dot_general3A_516 : vector<1024x256xf32>
      %jit3A_518 = arith.constant 0.000000e+00 : f32
      %broadcast_in_dim3A_519 = vector.shape_cast %lt3A_510 : vector<1x256xi1> to vector<1x256xi1>
      %broadcast_in_dim3A_520 = vector.broadcast %broadcast_in_dim3A_519 : vector<1x256xi1> to vector<1024x256xi1>
      %broadcast_in_dim3A_521 = vector.broadcast %jit3A_518 : f32 to vector<1024x256xf32>
      %select_n3A_522 = arith.select %broadcast_in_dim3A_520, %exp23A_517, %broadcast_in_dim3A_521 : vector<1024x256xi1>, vector<1024x256xf32>
      %add3A_523 = arith.addf %add3A_489, %select_n3A_522 : vector<1024x256xf32>
      %sub3A_524 = arith.constant 7424 : i32
      %sub3A_525 = arith.subi %sub3A_40, %sub3A_524 : i32
      %lt3A_526 = vector.broadcast %sub3A_525 : i32 to vector<1x256xi32>
      %lt3A_527 = arith.cmpi slt, %iota3A, %lt3A_526 : vector<1x256xi32>
      %get3A_528 = arith.constant 7424 : index
      %get3A_529 = arith.constant 0 : index
      %get3A_530 = vector.load %arg5[%get3A_528, %get3A_529] : memref<8192x64xf32, #tpu.memory_space<vmem>>, vector<256x64xf32>
      %convert_element_type3A_531 = arith.truncf %get3A_530 : vector<256x64xf32> to vector<256x64xbf16>
      %dot_general3A_532 = arith.constant dense<0.000000e+00> : vector<1024x256xf32>
      %dot_general3A_533 = tpu.matmul %get3A_15, %convert_element_type3A_531, %dot_general3A_532 {dimension_numbers = #tpu.dot_dimension_numbers<[1], [1], [0], [0], [0, 0, 1, 0], [], []>, transpose_lhs_hint = false} : vector<1024x64xbf16>, vector<256x64xbf16>, vector<1024x256xf32> -> vector<1024x256xf32>
      %exp23A_534 = math.exp2 %dot_general3A_533 : vector<1024x256xf32>
      %jit3A_535 = arith.constant 0.000000e+00 : f32
      %broadcast_in_dim3A_536 = vector.shape_cast %lt3A_527 : vector<1x256xi1> to vector<1x256xi1>
      %broadcast_in_dim3A_537 = vector.broadcast %broadcast_in_dim3A_536 : vector<1x256xi1> to vector<1024x256xi1>
      %broadcast_in_dim3A_538 = vector.broadcast %jit3A_535 : f32 to vector<1024x256xf32>
      %select_n3A_539 = arith.select %broadcast_in_dim3A_537, %exp23A_534, %broadcast_in_dim3A_538 : vector<1024x256xi1>, vector<1024x256xf32>
      %add3A_540 = arith.addf %add3A_506, %select_n3A_539 : vector<1024x256xf32>
      %sub3A_541 = arith.constant 7680 : i32
      %sub3A_542 = arith.subi %sub3A_40, %sub3A_541 : i32
      %lt3A_543 = vector.broadcast %sub3A_542 : i32 to vector<1x256xi32>
      %lt3A_544 = arith.cmpi slt, %iota3A, %lt3A_543 : vector<1x256xi32>
      %get3A_545 = arith.constant 7680 : index
      %get3A_546 = arith.constant 0 : index
      %get3A_547 = vector.load %arg5[%get3A_545, %get3A_546] : memref<8192x64xf32, #tpu.memory_space<vmem>>, vector<256x64xf32>
      %convert_element_type3A_548 = arith.truncf %get3A_547 : vector<256x64xf32> to vector<256x64xbf16>
      %dot_general3A_549 = arith.constant dense<0.000000e+00> : vector<1024x256xf32>
      %dot_general3A_550 = tpu.matmul %get3A_15, %convert_element_type3A_548, %dot_general3A_549 {dimension_numbers = #tpu.dot_dimension_numbers<[1], [1], [0], [0], [0, 0, 1, 0], [], []>, transpose_lhs_hint = false} : vector<1024x64xbf16>, vector<256x64xbf16>, vector<1024x256xf32> -> vector<1024x256xf32>
      %exp23A_551 = math.exp2 %dot_general3A_550 : vector<1024x256xf32>
      %jit3A_552 = arith.constant 0.000000e+00 : f32
      %broadcast_in_dim3A_553 = vector.shape_cast %lt3A_544 : vector<1x256xi1> to vector<1x256xi1>
      %broadcast_in_dim3A_554 = vector.broadcast %broadcast_in_dim3A_553 : vector<1x256xi1> to vector<1024x256xi1>
      %broadcast_in_dim3A_555 = vector.broadcast %jit3A_552 : f32 to vector<1024x256xf32>
      %select_n3A_556 = arith.select %broadcast_in_dim3A_554, %exp23A_551, %broadcast_in_dim3A_555 : vector<1024x256xi1>, vector<1024x256xf32>
      %add3A_557 = arith.addf %add3A_523, %select_n3A_556 : vector<1024x256xf32>
      %sub3A_558 = arith.constant 7936 : i32
      %sub3A_559 = arith.subi %sub3A_40, %sub3A_558 : i32
      %lt3A_560 = vector.broadcast %sub3A_559 : i32 to vector<1x256xi32>
      %lt3A_561 = arith.cmpi slt, %iota3A, %lt3A_560 : vector<1x256xi32>
      %get3A_562 = arith.constant 7936 : index
      %get3A_563 = arith.constant 0 : index
      %get3A_564 = vector.load %arg5[%get3A_562, %get3A_563] : memref<8192x64xf32, #tpu.memory_space<vmem>>, vector<256x64xf32>
      %convert_element_type3A_565 = arith.truncf %get3A_564 : vector<256x64xf32> to vector<256x64xbf16>
      %dot_general3A_566 = arith.constant dense<0.000000e+00> : vector<1024x256xf32>
      %dot_general3A_567 = tpu.matmul %get3A_15, %convert_element_type3A_565, %dot_general3A_566 {dimension_numbers = #tpu.dot_dimension_numbers<[1], [1], [0], [0], [0, 0, 1, 0], [], []>, transpose_lhs_hint = false} : vector<1024x64xbf16>, vector<256x64xbf16>, vector<1024x256xf32> -> vector<1024x256xf32>
      %exp23A_568 = math.exp2 %dot_general3A_567 : vector<1024x256xf32>
      %jit3A_569 = arith.constant 0.000000e+00 : f32
      %broadcast_in_dim3A_570 = vector.shape_cast %lt3A_561 : vector<1x256xi1> to vector<1x256xi1>
      %broadcast_in_dim3A_571 = vector.broadcast %broadcast_in_dim3A_570 : vector<1x256xi1> to vector<1024x256xi1>
      %broadcast_in_dim3A_572 = vector.broadcast %jit3A_569 : f32 to vector<1024x256xf32>
      %select_n3A_573 = arith.select %broadcast_in_dim3A_571, %exp23A_568, %broadcast_in_dim3A_572 : vector<1024x256xi1>, vector<1024x256xf32>
      %add3A_574 = arith.addf %add3A_540, %select_n3A_573 : vector<1024x256xf32>
      %get3A_575 = arith.constant 0 : index
      %get3A_576 = arith.constant 0 : index
      %get3A_577 = vector.load %arg8[%get3A_575, %get3A_576] : memref<1024x256xf32, #tpu.memory_space<vmem>>, vector<1024x256xf32>
      %add3A_578 = arith.addf %add3A_557, %add3A_574 : vector<1024x256xf32>
      %add3A_579 = arith.addf %get3A_577, %add3A_578 : vector<1024x256xf32>
      %swap3A = arith.constant 0 : index
      %swap3A_580 = arith.constant 0 : index
      %swap3A_581 = vector.load %arg8[%swap3A, %swap3A_580] : memref<1024x256xf32, #tpu.memory_space<vmem>>, vector<1024x256xf32>
      tpu.vector_store %arg8[%swap3A, %swap3A_580], %add3A_579 {strides = array<i32>} : memref<1024x256xf32, #tpu.memory_space<vmem>>, vector<1024x256xf32>,
    } else {
    }
    %get3A_26 = arith.constant 0 : index
    %get3A_27 = arith.constant 0 : index
    %get3A_28 = vector.load %arg12[%get3A_26, %get3A_27] : memref<1024x64xbf16, #tpu.memory_space<vmem>>, vector<1024x64xbf16>
    %lt3A_29 = arith.constant 12 : i32
    %lt3A_30 = arith.cmpi slt, %arg0, %lt3A_29 : i32
    %convert_element_type3A_31 = arith.extui %lt3A_30 : i1 to i32
    %cond3A_32 = arith.constant 0 : i32
    %cond3A_33 = arith.cmpi ne, %convert_element_type3A_31, %cond3A_32 : i32
    scf.if %cond3A_33 {
      %get3A_39 = arith.constant 0 : index
      %get3A_40 = arith.constant 0 : index
      %get3A_41 = vector.load %arg6[%get3A_39, %get3A_40] : memref<8192x64xf32, #tpu.memory_space<vmem>>, vector<256x64xf32>
      %convert_element_type3A_42 = arith.truncf %get3A_41 : vector<256x64xf32> to vector<256x64xbf16>
      %dot_general3A = arith.constant dense<0.000000e+00> : vector<1024x256xf32>
      %dot_general3A_43 = tpu.matmul %get3A_28, %convert_element_type3A_42, %dot_general3A {dimension_numbers = #tpu.dot_dimension_numbers<[1], [1], [0], [0], [0, 0, 1, 0], [], []>, transpose_lhs_hint = false} : vector<1024x64xbf16>, vector<256x64xbf16>, vector<1024x256xf32> -> vector<1024x256xf32>
      %exp23A = math.exp2 %dot_general3A_43 : vector<1024x256xf32>
      %get3A_44 = arith.constant 256 : index
      %get3A_45 = arith.constant 0 : index
      %get3A_46 = vector.load %arg6[%get3A_44, %get3A_45] : memref<8192x64xf32, #tpu.memory_space<vmem>>, vector<256x64xf32>
      %convert_element_type3A_47 = arith.truncf %get3A_46 : vector<256x64xf32> to vector<256x64xbf16>
      %dot_general3A_48 = arith.constant dense<0.000000e+00> : vector<1024x256xf32>
      %dot_general3A_49 = tpu.matmul %get3A_28, %convert_element_type3A_47, %dot_general3A_48 {dimension_numbers = #tpu.dot_dimension_numbers<[1], [1], [0], [0], [0, 0, 1, 0], [], []>, transpose_lhs_hint = false} : vector<1024x64xbf16>, vector<256x64xbf16>, vector<1024x256xf32> -> vector<1024x256xf32>
      %exp23A_50 = math.exp2 %dot_general3A_49 : vector<1024x256xf32>
      %get3A_51 = arith.constant 512 : index
      %get3A_52 = arith.constant 0 : index
      %get3A_53 = vector.load %arg6[%get3A_51, %get3A_52] : memref<8192x64xf32, #tpu.memory_space<vmem>>, vector<256x64xf32>
      %convert_element_type3A_54 = arith.truncf %get3A_53 : vector<256x64xf32> to vector<256x64xbf16>
      %dot_general3A_55 = arith.constant dense<0.000000e+00> : vector<1024x256xf32>
      %dot_general3A_56 = tpu.matmul %get3A_28, %convert_element_type3A_54, %dot_general3A_55 {dimension_numbers = #tpu.dot_dimension_numbers<[1], [1], [0], [0], [0, 0, 1, 0], [], []>, transpose_lhs_hint = false} : vector<1024x64xbf16>, vector<256x64xbf16>, vector<1024x256xf32> -> vector<1024x256xf32>
      %exp23A_57 = math.exp2 %dot_general3A_56 : vector<1024x256xf32>
      %add3A = arith.addf %exp23A, %exp23A_57 : vector<1024x256xf32>
      %get3A_58 = arith.constant 768 : index
      %get3A_59 = arith.constant 0 : index
      %get3A_60 = vector.load %arg6[%get3A_58, %get3A_59] : memref<8192x64xf32, #tpu.memory_space<vmem>>, vector<256x64xf32>
      %convert_element_type3A_61 = arith.truncf %get3A_60 : vector<256x64xf32> to vector<256x64xbf16>
      %dot_general3A_62 = arith.constant dense<0.000000e+00> : vector<1024x256xf32>
      %dot_general3A_63 = tpu.matmul %get3A_28, %convert_element_type3A_61, %dot_general3A_62 {dimension_numbers = #tpu.dot_dimension_numbers<[1], [1], [0], [0], [0, 0, 1, 0], [], []>, transpose_lhs_hint = false} : vector<1024x64xbf16>, vector<256x64xbf16>, vector<1024x256xf32> -> vector<1024x256xf32>
      %exp23A_64 = math.exp2 %dot_general3A_63 : vector<1024x256xf32>
      %add3A_65 = arith.addf %exp23A_50, %exp23A_64 : vector<1024x256xf32>
      %get3A_66 = arith.constant 1024 : index
      %get3A_67 = arith.constant 0 : index
      %get3A_68 = vector.load %arg6[%get3A_66, %get3A_67] : memref<8192x64xf32, #tpu.memory_space<vmem>>, vector<256x64xf32>
      %convert_element_type3A_69 = arith.truncf %get3A_68 : vector<256x64xf32> to vector<256x64xbf16>
      %dot_general3A_70 = arith.constant dense<0.000000e+00> : vector<1024x256xf32>
      %dot_general3A_71 = tpu.matmul %get3A_28, %convert_element_type3A_69, %dot_general3A_70 {dimension_numbers = #tpu.dot_dimension_numbers<[1], [1], [0], [0], [0, 0, 1, 0], [], []>, transpose_lhs_hint = false} : vector<1024x64xbf16>, vector<256x64xbf16>, vector<1024x256xf32> -> vector<1024x256xf32>
      %exp23A_72 = math.exp2 %dot_general3A_71 : vector<1024x256xf32>
      %add3A_73 = arith.addf %add3A, %exp23A_72 : vector<1024x256xf32>
      %get3A_74 = arith.constant 1280 : index
      %get3A_75 = arith.constant 0 : index
      %get3A_76 = vector.load %arg6[%get3A_74, %get3A_75] : memref<8192x64xf32, #tpu.memory_space<vmem>>, vector<256x64xf32>
      %convert_element_type3A_77 = arith.truncf %get3A_76 : vector<256x64xf32> to vector<256x64xbf16>
      %dot_general3A_78 = arith.constant dense<0.000000e+00> : vector<1024x256xf32>
      %dot_general3A_79 = tpu.matmul %get3A_28, %convert_element_type3A_77, %dot_general3A_78 {dimension_numbers = #tpu.dot_dimension_numbers<[1], [1], [0], [0], [0, 0, 1, 0], [], []>, transpose_lhs_hint = false} : vector<1024x64xbf16>, vector<256x64xbf16>, vector<1024x256xf32> -> vector<1024x256xf32>
      %exp23A_80 = math.exp2 %dot_general3A_79 : vector<1024x256xf32>
      %add3A_81 = arith.addf %add3A_65, %exp23A_80 : vector<1024x256xf32>
      %get3A_82 = arith.constant 1536 : index
      %get3A_83 = arith.constant 0 : index
      %get3A_84 = vector.load %arg6[%get3A_82, %get3A_83] : memref<8192x64xf32, #tpu.memory_space<vmem>>, vector<256x64xf32>
      %convert_element_type3A_85 = arith.truncf %get3A_84 : vector<256x64xf32> to vector<256x64xbf16>
      %dot_general3A_86 = arith.constant dense<0.000000e+00> : vector<1024x256xf32>
      %dot_general3A_87 = tpu.matmul %get3A_28, %convert_element_type3A_85, %dot_general3A_86 {dimension_numbers = #tpu.dot_dimension_numbers<[1], [1], [0], [0], [0, 0, 1, 0], [], []>, transpose_lhs_hint = false} : vector<1024x64xbf16>, vector<256x64xbf16>, vector<1024x256xf32> -> vector<1024x256xf32>
      %exp23A_88 = math.exp2 %dot_general3A_87 : vector<1024x256xf32>
      %add3A_89 = arith.addf %add3A_73, %exp23A_88 : vector<1024x256xf32>
      %get3A_90 = arith.constant 1792 : index
      %get3A_91 = arith.constant 0 : index
      %get3A_92 = vector.load %arg6[%get3A_90, %get3A_91] : memref<8192x64xf32, #tpu.memory_space<vmem>>, vector<256x64xf32>
      %convert_element_type3A_93 = arith.truncf %get3A_92 : vector<256x64xf32> to vector<256x64xbf16>
      %dot_general3A_94 = arith.constant dense<0.000000e+00> : vector<1024x256xf32>
      %dot_general3A_95 = tpu.matmul %get3A_28, %convert_element_type3A_93, %dot_general3A_94 {dimension_numbers = #tpu.dot_dimension_numbers<[1], [1], [0], [0], [0, 0, 1, 0], [], []>, transpose_lhs_hint = false} : vector<1024x64xbf16>, vector<256x64xbf16>, vector<1024x256xf32> -> vector<1024x256xf32>
      %exp23A_96 = math.exp2 %dot_general3A_95 : vector<1024x256xf32>
      %add3A_97 = arith.addf %add3A_81, %exp23A_96 : vector<1024x256xf32>
      %get3A_98 = arith.constant 2048 : index
      %get3A_99 = arith.constant 0 : index
      %get3A_100 = vector.load %arg6[%get3A_98, %get3A_99] : memref<8192x64xf32, #tpu.memory_space<vmem>>, vector<256x64xf32>
      %convert_element_type3A_101 = arith.truncf %get3A_100 : vector<256x64xf32> to vector<256x64xbf16>
      %dot_general3A_102 = arith.constant dense<0.000000e+00> : vector<1024x256xf32>
      %dot_general3A_103 = tpu.matmul %get3A_28, %convert_element_type3A_101, %dot_general3A_102 {dimension_numbers = #tpu.dot_dimension_numbers<[1], [1], [0], [0], [0, 0, 1, 0], [], []>, transpose_lhs_hint = false} : vector<1024x64xbf16>, vector<256x64xbf16>, vector<1024x256xf32> -> vector<1024x256xf32>
      %exp23A_104 = math.exp2 %dot_general3A_103 : vector<1024x256xf32>
      %add3A_105 = arith.addf %add3A_89, %exp23A_104 : vector<1024x256xf32>
      %get3A_106 = arith.constant 2304 : index
      %get3A_107 = arith.constant 0 : index
      %get3A_108 = vector.load %arg6[%get3A_106, %get3A_107] : memref<8192x64xf32, #tpu.memory_space<vmem>>, vector<256x64xf32>
      %convert_element_type3A_109 = arith.truncf %get3A_108 : vector<256x64xf32> to vector<256x64xbf16>
      %dot_general3A_110 = arith.constant dense<0.000000e+00> : vector<1024x256xf32>
      %dot_general3A_111 = tpu.matmul %get3A_28, %convert_element_type3A_109, %dot_general3A_110 {dimension_numbers = #tpu.dot_dimension_numbers<[1], [1], [0], [0], [0, 0, 1, 0], [], []>, transpose_lhs_hint = false} : vector<1024x64xbf16>, vector<256x64xbf16>, vector<1024x256xf32> -> vector<1024x256xf32>
      %exp23A_112 = math.exp2 %dot_general3A_111 : vector<1024x256xf32>
      %add3A_113 = arith.addf %add3A_97, %exp23A_112 : vector<1024x256xf32>
      %get3A_114 = arith.constant 2560 : index
      %get3A_115 = arith.constant 0 : index
      %get3A_116 = vector.load %arg6[%get3A_114, %get3A_115] : memref<8192x64xf32, #tpu.memory_space<vmem>>, vector<256x64xf32>
      %convert_element_type3A_117 = arith.truncf %get3A_116 : vector<256x64xf32> to vector<256x64xbf16>
      %dot_general3A_118 = arith.constant dense<0.000000e+00> : vector<1024x256xf32>
      %dot_general3A_119 = tpu.matmul %get3A_28, %convert_element_type3A_117, %dot_general3A_118 {dimension_numbers = #tpu.dot_dimension_numbers<[1], [1], [0], [0], [0, 0, 1, 0], [], []>, transpose_lhs_hint = false} : vector<1024x64xbf16>, vector<256x64xbf16>, vector<1024x256xf32> -> vector<1024x256xf32>
      %exp23A_120 = math.exp2 %dot_general3A_119 : vector<1024x256xf32>
      %add3A_121 = arith.addf %add3A_105, %exp23A_120 : vector<1024x256xf32>
      %get3A_122 = arith.constant 2816 : index
      %get3A_123 = arith.constant 0 : index
      %get3A_124 = vector.load %arg6[%get3A_122, %get3A_123] : memref<8192x64xf32, #tpu.memory_space<vmem>>, vector<256x64xf32>
      %convert_element_type3A_125 = arith.truncf %get3A_124 : vector<256x64xf32> to vector<256x64xbf16>
      %dot_general3A_126 = arith.constant dense<0.000000e+00> : vector<1024x256xf32>
      %dot_general3A_127 = tpu.matmul %get3A_28, %convert_element_type3A_125, %dot_general3A_126 {dimension_numbers = #tpu.dot_dimension_numbers<[1], [1], [0], [0], [0, 0, 1, 0], [], []>, transpose_lhs_hint = false} : vector<1024x64xbf16>, vector<256x64xbf16>, vector<1024x256xf32> -> vector<1024x256xf32>
      %exp23A_128 = math.exp2 %dot_general3A_127 : vector<1024x256xf32>
      %add3A_129 = arith.addf %add3A_113, %exp23A_128 : vector<1024x256xf32>
      %get3A_130 = arith.constant 3072 : index
      %get3A_131 = arith.constant 0 : index
      %get3A_132 = vector.load %arg6[%get3A_130, %get3A_131] : memref<8192x64xf32, #tpu.memory_space<vmem>>, vector<256x64xf32>
      %convert_element_type3A_133 = arith.truncf %get3A_132 : vector<256x64xf32> to vector<256x64xbf16>
      %dot_general3A_134 = arith.constant dense<0.000000e+00> : vector<1024x256xf32>
      %dot_general3A_135 = tpu.matmul %get3A_28, %convert_element_type3A_133, %dot_general3A_134 {dimension_numbers = #tpu.dot_dimension_numbers<[1], [1], [0], [0], [0, 0, 1, 0], [], []>, transpose_lhs_hint = false} : vector<1024x64xbf16>, vector<256x64xbf16>, vector<1024x256xf32> -> vector<1024x256xf32>
      %exp23A_136 = math.exp2 %dot_general3A_135 : vector<1024x256xf32>
      %add3A_137 = arith.addf %add3A_121, %exp23A_136 : vector<1024x256xf32>
      %get3A_138 = arith.constant 3328 : index
      %get3A_139 = arith.constant 0 : index
      %get3A_140 = vector.load %arg6[%get3A_138, %get3A_139] : memref<8192x64xf32, #tpu.memory_space<vmem>>, vector<256x64xf32>
      %convert_element_type3A_141 = arith.truncf %get3A_140 : vector<256x64xf32> to vector<256x64xbf16>
      %dot_general3A_142 = arith.constant dense<0.000000e+00> : vector<1024x256xf32>
      %dot_general3A_143 = tpu.matmul %get3A_28, %convert_element_type3A_141, %dot_general3A_142 {dimension_numbers = #tpu.dot_dimension_numbers<[1], [1], [0], [0], [0, 0, 1, 0], [], []>, transpose_lhs_hint = false} : vector<1024x64xbf16>, vector<256x64xbf16>, vector<1024x256xf32> -> vector<1024x256xf32>
      %exp23A_144 = math.exp2 %dot_general3A_143 : vector<1024x256xf32>
      %add3A_145 = arith.addf %add3A_129, %exp23A_144 : vector<1024x256xf32>
      %get3A_146 = arith.constant 3584 : index
      %get3A_147 = arith.constant 0 : index
      %get3A_148 = vector.load %arg6[%get3A_146, %get3A_147] : memref<8192x64xf32, #tpu.memory_space<vmem>>, vector<256x64xf32>
      %convert_element_type3A_149 = arith.truncf %get3A_148 : vector<256x64xf32> to vector<256x64xbf16>
      %dot_general3A_150 = arith.constant dense<0.000000e+00> : vector<1024x256xf32>
      %dot_general3A_151 = tpu.matmul %get3A_28, %convert_element_type3A_149, %dot_general3A_150 {dimension_numbers = #tpu.dot_dimension_numbers<[1], [1], [0], [0], [0, 0, 1, 0], [], []>, transpose_lhs_hint = false} : vector<1024x64xbf16>, vector<256x64xbf16>, vector<1024x256xf32> -> vector<1024x256xf32>
      %exp23A_152 = math.exp2 %dot_general3A_151 : vector<1024x256xf32>
      %add3A_153 = arith.addf %add3A_137, %exp23A_152 : vector<1024x256xf32>
      %get3A_154 = arith.constant 3840 : index
      %get3A_155 = arith.constant 0 : index
      %get3A_156 = vector.load %arg6[%get3A_154, %get3A_155] : memref<8192x64xf32, #tpu.memory_space<vmem>>, vector<256x64xf32>
      %convert_element_type3A_157 = arith.truncf %get3A_156 : vector<256x64xf32> to vector<256x64xbf16>
      %dot_general3A_158 = arith.constant dense<0.000000e+00> : vector<1024x256xf32>
      %dot_general3A_159 = tpu.matmul %get3A_28, %convert_element_type3A_157, %dot_general3A_158 {dimension_numbers = #tpu.dot_dimension_numbers<[1], [1], [0], [0], [0, 0, 1, 0], [], []>, transpose_lhs_hint = false} : vector<1024x64xbf16>, vector<256x64xbf16>, vector<1024x256xf32> -> vector<1024x256xf32>
      %exp23A_160 = math.exp2 %dot_general3A_159 : vector<1024x256xf32>
      %add3A_161 = arith.addf %add3A_145, %exp23A_160 : vector<1024x256xf32>
      %get3A_162 = arith.constant 4096 : index
      %get3A_163 = arith.constant 0 : index
      %get3A_164 = vector.load %arg6[%get3A_162, %get3A_163] : memref<8192x64xf32, #tpu.memory_space<vmem>>, vector<256x64xf32>
      %convert_element_type3A_165 = arith.truncf %get3A_164 : vector<256x64xf32> to vector<256x64xbf16>
      %dot_general3A_166 = arith.constant dense<0.000000e+00> : vector<1024x256xf32>
      %dot_general3A_167 = tpu.matmul %get3A_28, %convert_element_type3A_165, %dot_general3A_166 {dimension_numbers = #tpu.dot_dimension_numbers<[1], [1], [0], [0], [0, 0, 1, 0], [], []>, transpose_lhs_hint = false} : vector<1024x64xbf16>, vector<256x64xbf16>, vector<1024x256xf32> -> vector<1024x256xf32>
      %exp23A_168 = math.exp2 %dot_general3A_167 : vector<1024x256xf32>
      %add3A_169 = arith.addf %add3A_153, %exp23A_168 : vector<1024x256xf32>
      %get3A_170 = arith.constant 4352 : index
      %get3A_171 = arith.constant 0 : index
      %get3A_172 = vector.load %arg6[%get3A_170, %get3A_171] : memref<8192x64xf32, #tpu.memory_space<vmem>>, vector<256x64xf32>
      %convert_element_type3A_173 = arith.truncf %get3A_172 : vector<256x64xf32> to vector<256x64xbf16>
      %dot_general3A_174 = arith.constant dense<0.000000e+00> : vector<1024x256xf32>
      %dot_general3A_175 = tpu.matmul %get3A_28, %convert_element_type3A_173, %dot_general3A_174 {dimension_numbers = #tpu.dot_dimension_numbers<[1], [1], [0], [0], [0, 0, 1, 0], [], []>, transpose_lhs_hint = false} : vector<1024x64xbf16>, vector<256x64xbf16>, vector<1024x256xf32> -> vector<1024x256xf32>
      %exp23A_176 = math.exp2 %dot_general3A_175 : vector<1024x256xf32>
      %add3A_177 = arith.addf %add3A_161, %exp23A_176 : vector<1024x256xf32>
      %get3A_178 = arith.constant 4608 : index
      %get3A_179 = arith.constant 0 : index
      %get3A_180 = vector.load %arg6[%get3A_178, %get3A_179] : memref<8192x64xf32, #tpu.memory_space<vmem>>, vector<256x64xf32>
      %convert_element_type3A_181 = arith.truncf %get3A_180 : vector<256x64xf32> to vector<256x64xbf16>
      %dot_general3A_182 = arith.constant dense<0.000000e+00> : vector<1024x256xf32>
      %dot_general3A_183 = tpu.matmul %get3A_28, %convert_element_type3A_181, %dot_general3A_182 {dimension_numbers = #tpu.dot_dimension_numbers<[1], [1], [0], [0], [0, 0, 1, 0], [], []>, transpose_lhs_hint = false} : vector<1024x64xbf16>, vector<256x64xbf16>, vector<1024x256xf32> -> vector<1024x256xf32>
      %exp23A_184 = math.exp2 %dot_general3A_183 : vector<1024x256xf32>
      %add3A_185 = arith.addf %add3A_169, %exp23A_184 : vector<1024x256xf32>
      %get3A_186 = arith.constant 4864 : index
      %get3A_187 = arith.constant 0 : index
      %get3A_188 = vector.load %arg6[%get3A_186, %get3A_187] : memref<8192x64xf32, #tpu.memory_space<vmem>>, vector<256x64xf32>
      %convert_element_type3A_189 = arith.truncf %get3A_188 : vector<256x64xf32> to vector<256x64xbf16>
      %dot_general3A_190 = arith.constant dense<0.000000e+00> : vector<1024x256xf32>
      %dot_general3A_191 = tpu.matmul %get3A_28, %convert_element_type3A_189, %dot_general3A_190 {dimension_numbers = #tpu.dot_dimension_numbers<[1], [1], [0], [0], [0, 0, 1, 0], [], []>, transpose_lhs_hint = false} : vector<1024x64xbf16>, vector<256x64xbf16>, vector<1024x256xf32> -> vector<1024x256xf32>
      %exp23A_192 = math.exp2 %dot_general3A_191 : vector<1024x256xf32>
      %add3A_193 = arith.addf %add3A_177, %exp23A_192 : vector<1024x256xf32>
      %get3A_194 = arith.constant 5120 : index
      %get3A_195 = arith.constant 0 : index
      %get3A_196 = vector.load %arg6[%get3A_194, %get3A_195] : memref<8192x64xf32, #tpu.memory_space<vmem>>, vector<256x64xf32>
      %convert_element_type3A_197 = arith.truncf %get3A_196 : vector<256x64xf32> to vector<256x64xbf16>
      %dot_general3A_198 = arith.constant dense<0.000000e+00> : vector<1024x256xf32>
      %dot_general3A_199 = tpu.matmul %get3A_28, %convert_element_type3A_197, %dot_general3A_198 {dimension_numbers = #tpu.dot_dimension_numbers<[1], [1], [0], [0], [0, 0, 1, 0], [], []>, transpose_lhs_hint = false} : vector<1024x64xbf16>, vector<256x64xbf16>, vector<1024x256xf32> -> vector<1024x256xf32>
      %exp23A_200 = math.exp2 %dot_general3A_199 : vector<1024x256xf32>
      %add3A_201 = arith.addf %add3A_185, %exp23A_200 : vector<1024x256xf32>
      %get3A_202 = arith.constant 5376 : index
      %get3A_203 = arith.constant 0 : index
      %get3A_204 = vector.load %arg6[%get3A_202, %get3A_203] : memref<8192x64xf32, #tpu.memory_space<vmem>>, vector<256x64xf32>
      %convert_element_type3A_205 = arith.truncf %get3A_204 : vector<256x64xf32> to vector<256x64xbf16>
      %dot_general3A_206 = arith.constant dense<0.000000e+00> : vector<1024x256xf32>
      %dot_general3A_207 = tpu.matmul %get3A_28, %convert_element_type3A_205, %dot_general3A_206 {dimension_numbers = #tpu.dot_dimension_numbers<[1], [1], [0], [0], [0, 0, 1, 0], [], []>, transpose_lhs_hint = false} : vector<1024x64xbf16>, vector<256x64xbf16>, vector<1024x256xf32> -> vector<1024x256xf32>
      %exp23A_208 = math.exp2 %dot_general3A_207 : vector<1024x256xf32>
      %add3A_209 = arith.addf %add3A_193, %exp23A_208 : vector<1024x256xf32>
      %get3A_210 = arith.constant 5632 : index
      %get3A_211 = arith.constant 0 : index
      %get3A_212 = vector.load %arg6[%get3A_210, %get3A_211] : memref<8192x64xf32, #tpu.memory_space<vmem>>, vector<256x64xf32>
      %convert_element_type3A_213 = arith.truncf %get3A_212 : vector<256x64xf32> to vector<256x64xbf16>
      %dot_general3A_214 = arith.constant dense<0.000000e+00> : vector<1024x256xf32>
      %dot_general3A_215 = tpu.matmul %get3A_28, %convert_element_type3A_213, %dot_general3A_214 {dimension_numbers = #tpu.dot_dimension_numbers<[1], [1], [0], [0], [0, 0, 1, 0], [], []>, transpose_lhs_hint = false} : vector<1024x64xbf16>, vector<256x64xbf16>, vector<1024x256xf32> -> vector<1024x256xf32>
      %exp23A_216 = math.exp2 %dot_general3A_215 : vector<1024x256xf32>
      %add3A_217 = arith.addf %add3A_201, %exp23A_216 : vector<1024x256xf32>
      %get3A_218 = arith.constant 5888 : index
      %get3A_219 = arith.constant 0 : index
      %get3A_220 = vector.load %arg6[%get3A_218, %get3A_219] : memref<8192x64xf32, #tpu.memory_space<vmem>>, vector<256x64xf32>
      %convert_element_type3A_221 = arith.truncf %get3A_220 : vector<256x64xf32> to vector<256x64xbf16>
      %dot_general3A_222 = arith.constant dense<0.000000e+00> : vector<1024x256xf32>
      %dot_general3A_223 = tpu.matmul %get3A_28, %convert_element_type3A_221, %dot_general3A_222 {dimension_numbers = #tpu.dot_dimension_numbers<[1], [1], [0], [0], [0, 0, 1, 0], [], []>, transpose_lhs_hint = false} : vector<1024x64xbf16>, vector<256x64xbf16>, vector<1024x256xf32> -> vector<1024x256xf32>
      %exp23A_224 = math.exp2 %dot_general3A_223 : vector<1024x256xf32>
      %add3A_225 = arith.addf %add3A_209, %exp23A_224 : vector<1024x256xf32>
      %get3A_226 = arith.constant 6144 : index
      %get3A_227 = arith.constant 0 : index
      %get3A_228 = vector.load %arg6[%get3A_226, %get3A_227] : memref<8192x64xf32, #tpu.memory_space<vmem>>, vector<256x64xf32>
      %convert_element_type3A_229 = arith.truncf %get3A_228 : vector<256x64xf32> to vector<256x64xbf16>
      %dot_general3A_230 = arith.constant dense<0.000000e+00> : vector<1024x256xf32>
      %dot_general3A_231 = tpu.matmul %get3A_28, %convert_element_type3A_229, %dot_general3A_230 {dimension_numbers = #tpu.dot_dimension_numbers<[1], [1], [0], [0], [0, 0, 1, 0], [], []>, transpose_lhs_hint = false} : vector<1024x64xbf16>, vector<256x64xbf16>, vector<1024x256xf32> -> vector<1024x256xf32>
      %exp23A_232 = math.exp2 %dot_general3A_231 : vector<1024x256xf32>
      %add3A_233 = arith.addf %add3A_217, %exp23A_232 : vector<1024x256xf32>
      %get3A_234 = arith.constant 6400 : index
      %get3A_235 = arith.constant 0 : index
      %get3A_236 = vector.load %arg6[%get3A_234, %get3A_235] : memref<8192x64xf32, #tpu.memory_space<vmem>>, vector<256x64xf32>
      %convert_element_type3A_237 = arith.truncf %get3A_236 : vector<256x64xf32> to vector<256x64xbf16>
      %dot_general3A_238 = arith.constant dense<0.000000e+00> : vector<1024x256xf32>
      %dot_general3A_239 = tpu.matmul %get3A_28, %convert_element_type3A_237, %dot_general3A_238 {dimension_numbers = #tpu.dot_dimension_numbers<[1], [1], [0], [0], [0, 0, 1, 0], [], []>, transpose_lhs_hint = false} : vector<1024x64xbf16>, vector<256x64xbf16>, vector<1024x256xf32> -> vector<1024x256xf32>
      %exp23A_240 = math.exp2 %dot_general3A_239 : vector<1024x256xf32>
      %add3A_241 = arith.addf %add3A_225, %exp23A_240 : vector<1024x256xf32>
      %get3A_242 = arith.constant 6656 : index
      %get3A_243 = arith.constant 0 : index
      %get3A_244 = vector.load %arg6[%get3A_242, %get3A_243] : memref<8192x64xf32, #tpu.memory_space<vmem>>, vector<256x64xf32>
      %convert_element_type3A_245 = arith.truncf %get3A_244 : vector<256x64xf32> to vector<256x64xbf16>
      %dot_general3A_246 = arith.constant dense<0.000000e+00> : vector<1024x256xf32>
      %dot_general3A_247 = tpu.matmul %get3A_28, %convert_element_type3A_245, %dot_general3A_246 {dimension_numbers = #tpu.dot_dimension_numbers<[1], [1], [0], [0], [0, 0, 1, 0], [], []>, transpose_lhs_hint = false} : vector<1024x64xbf16>, vector<256x64xbf16>, vector<1024x256xf32> -> vector<1024x256xf32>
      %exp23A_248 = math.exp2 %dot_general3A_247 : vector<1024x256xf32>
      %add3A_249 = arith.addf %add3A_233, %exp23A_248 : vector<1024x256xf32>
      %get3A_250 = arith.constant 6912 : index
      %get3A_251 = arith.constant 0 : index
      %get3A_252 = vector.load %arg6[%get3A_250, %get3A_251] : memref<8192x64xf32, #tpu.memory_space<vmem>>, vector<256x64xf32>
      %convert_element_type3A_253 = arith.truncf %get3A_252 : vector<256x64xf32> to vector<256x64xbf16>
      %dot_general3A_254 = arith.constant dense<0.000000e+00> : vector<1024x256xf32>
      %dot_general3A_255 = tpu.matmul %get3A_28, %convert_element_type3A_253, %dot_general3A_254 {dimension_numbers = #tpu.dot_dimension_numbers<[1], [1], [0], [0], [0, 0, 1, 0], [], []>, transpose_lhs_hint = false} : vector<1024x64xbf16>, vector<256x64xbf16>, vector<1024x256xf32> -> vector<1024x256xf32>
      %exp23A_256 = math.exp2 %dot_general3A_255 : vector<1024x256xf32>
      %add3A_257 = arith.addf %add3A_241, %exp23A_256 : vector<1024x256xf32>
      %get3A_258 = arith.constant 7168 : index
      %get3A_259 = arith.constant 0 : index
      %get3A_260 = vector.load %arg6[%get3A_258, %get3A_259] : memref<8192x64xf32, #tpu.memory_space<vmem>>, vector<256x64xf32>
      %convert_element_type3A_261 = arith.truncf %get3A_260 : vector<256x64xf32> to vector<256x64xbf16>
      %dot_general3A_262 = arith.constant dense<0.000000e+00> : vector<1024x256xf32>
      %dot_general3A_263 = tpu.matmul %get3A_28, %convert_element_type3A_261, %dot_general3A_262 {dimension_numbers = #tpu.dot_dimension_numbers<[1], [1], [0], [0], [0, 0, 1, 0], [], []>, transpose_lhs_hint = false} : vector<1024x64xbf16>, vector<256x64xbf16>, vector<1024x256xf32> -> vector<1024x256xf32>
      %exp23A_264 = math.exp2 %dot_general3A_263 : vector<1024x256xf32>
      %add3A_265 = arith.addf %add3A_249, %exp23A_264 : vector<1024x256xf32>
      %get3A_266 = arith.constant 7424 : index
      %get3A_267 = arith.constant 0 : index
      %get3A_268 = vector.load %arg6[%get3A_266, %get3A_267] : memref<8192x64xf32, #tpu.memory_space<vmem>>, vector<256x64xf32>
      %convert_element_type3A_269 = arith.truncf %get3A_268 : vector<256x64xf32> to vector<256x64xbf16>
      %dot_general3A_270 = arith.constant dense<0.000000e+00> : vector<1024x256xf32>
      %dot_general3A_271 = tpu.matmul %get3A_28, %convert_element_type3A_269, %dot_general3A_270 {dimension_numbers = #tpu.dot_dimension_numbers<[1], [1], [0], [0], [0, 0, 1, 0], [], []>, transpose_lhs_hint = false} : vector<1024x64xbf16>, vector<256x64xbf16>, vector<1024x256xf32> -> vector<1024x256xf32>
      %exp23A_272 = math.exp2 %dot_general3A_271 : vector<1024x256xf32>
      %add3A_273 = arith.addf %add3A_257, %exp23A_272 : vector<1024x256xf32>
      %get3A_274 = arith.constant 7680 : index
      %get3A_275 = arith.constant 0 : index
      %get3A_276 = vector.load %arg6[%get3A_274, %get3A_275] : memref<8192x64xf32, #tpu.memory_space<vmem>>, vector<256x64xf32>
      %convert_element_type3A_277 = arith.truncf %get3A_276 : vector<256x64xf32> to vector<256x64xbf16>
      %dot_general3A_278 = arith.constant dense<0.000000e+00> : vector<1024x256xf32>
      %dot_general3A_279 = tpu.matmul %get3A_28, %convert_element_type3A_277, %dot_general3A_278 {dimension_numbers = #tpu.dot_dimension_numbers<[1], [1], [0], [0], [0, 0, 1, 0], [], []>, transpose_lhs_hint = false} : vector<1024x64xbf16>, vector<256x64xbf16>, vector<1024x256xf32> -> vector<1024x256xf32>
      %exp23A_280 = math.exp2 %dot_general3A_279 : vector<1024x256xf32>
      %add3A_281 = arith.addf %add3A_265, %exp23A_280 : vector<1024x256xf32>
      %get3A_282 = arith.constant 7936 : index
      %get3A_283 = arith.constant 0 : index
      %get3A_284 = vector.load %arg6[%get3A_282, %get3A_283] : memref<8192x64xf32, #tpu.memory_space<vmem>>, vector<256x64xf32>
      %convert_element_type3A_285 = arith.truncf %get3A_284 : vector<256x64xf32> to vector<256x64xbf16>
      %dot_general3A_286 = arith.constant dense<0.000000e+00> : vector<1024x256xf32>
      %dot_general3A_287 = tpu.matmul %get3A_28, %convert_element_type3A_285, %dot_general3A_286 {dimension_numbers = #tpu.dot_dimension_numbers<[1], [1], [0], [0], [0, 0, 1, 0], [], []>, transpose_lhs_hint = false} : vector<1024x64xbf16>, vector<256x64xbf16>, vector<1024x256xf32> -> vector<1024x256xf32>
      %exp23A_288 = math.exp2 %dot_general3A_287 : vector<1024x256xf32>
      %add3A_289 = arith.addf %add3A_273, %exp23A_288 : vector<1024x256xf32>
      %get3A_290 = arith.constant 0 : index
      %get3A_291 = arith.constant 0 : index
      %get3A_292 = vector.load %arg9[%get3A_290, %get3A_291] : memref<1024x256xf32, #tpu.memory_space<vmem>>, vector<1024x256xf32>
      %add3A_293 = arith.addf %add3A_281, %add3A_289 : vector<1024x256xf32>
      %add3A_294 = arith.addf %get3A_292, %add3A_293 : vector<1024x256xf32>
      %swap3A = arith.constant 0 : index
      %swap3A_295 = arith.constant 0 : index
      %swap3A_296 = vector.load %arg9[%swap3A, %swap3A_295] : memref<1024x256xf32, #tpu.memory_space<vmem>>, vector<1024x256xf32>
      tpu.vector_store %arg9[%swap3A, %swap3A_295], %add3A_294 {strides = array<i32>} : memref<1024x256xf32, #tpu.memory_space<vmem>>, vector<1024x256xf32>,
    } else {
    }
    %eq3A_34 = arith.constant 12 : i32
    %eq3A_35 = arith.cmpi eq, %arg0, %eq3A_34 : i32
    %convert_element_type3A_36 = arith.extui %eq3A_35 : i1 to i32
    %cond3A_37 = arith.constant 0 : i32
    %cond3A_38 = arith.cmpi ne, %convert_element_type3A_36, %cond3A_37 : i32
    scf.if %cond3A_38 {
      %iota3A = tpu.iota {dimensions = array<i32: 1>} : vector<1x256xi32>
      %mul3A = arith.constant 8192 : i32
      %mul3A_39 = arith.muli %arg0, %mul3A : i32
      %sub3A = arith.constant 100000 : i32
      %sub3A_40 = arith.subi %sub3A, %mul3A_39 : i32
      %lt3A_41 = vector.broadcast %sub3A_40 : i32 to vector<1x256xi32>
      %lt3A_42 = arith.cmpi slt, %iota3A, %lt3A_41 : vector<1x256xi32>
      %get3A_43 = arith.constant 0 : index
      %get3A_44 = arith.constant 0 : index
      %get3A_45 = vector.load %arg6[%get3A_43, %get3A_44] : memref<8192x64xf32, #tpu.memory_space<vmem>>, vector<256x64xf32>
      %convert_element_type3A_46 = arith.truncf %get3A_45 : vector<256x64xf32> to vector<256x64xbf16>
      %dot_general3A = arith.constant dense<0.000000e+00> : vector<1024x256xf32>
      %dot_general3A_47 = tpu.matmul %get3A_28, %convert_element_type3A_46, %dot_general3A {dimension_numbers = #tpu.dot_dimension_numbers<[1], [1], [0], [0], [0, 0, 1, 0], [], []>, transpose_lhs_hint = false} : vector<1024x64xbf16>, vector<256x64xbf16>, vector<1024x256xf32> -> vector<1024x256xf32>
      %exp23A = math.exp2 %dot_general3A_47 : vector<1024x256xf32>
      %jit3A = arith.constant 0.000000e+00 : f32
      %broadcast_in_dim3A = vector.shape_cast %lt3A_42 : vector<1x256xi1> to vector<1x256xi1>
      %broadcast_in_dim3A_48 = vector.broadcast %broadcast_in_dim3A : vector<1x256xi1> to vector<1024x256xi1>
      %broadcast_in_dim3A_49 = vector.broadcast %jit3A : f32 to vector<1024x256xf32>
      %select_n3A = arith.select %broadcast_in_dim3A_48, %exp23A, %broadcast_in_dim3A_49 : vector<1024x256xi1>, vector<1024x256xf32>
      %sub3A_50 = arith.constant 256 : i32
      %sub3A_51 = arith.subi %sub3A_40, %sub3A_50 : i32
      %lt3A_52 = vector.broadcast %sub3A_51 : i32 to vector<1x256xi32>
      %lt3A_53 = arith.cmpi slt, %iota3A, %lt3A_52 : vector<1x256xi32>
      %get3A_54 = arith.constant 256 : index
      %get3A_55 = arith.constant 0 : index
      %get3A_56 = vector.load %arg6[%get3A_54, %get3A_55] : memref<8192x64xf32, #tpu.memory_space<vmem>>, vector<256x64xf32>
      %convert_element_type3A_57 = arith.truncf %get3A_56 : vector<256x64xf32> to vector<256x64xbf16>
      %dot_general3A_58 = arith.constant dense<0.000000e+00> : vector<1024x256xf32>
      %dot_general3A_59 = tpu.matmul %get3A_28, %convert_element_type3A_57, %dot_general3A_58 {dimension_numbers = #tpu.dot_dimension_numbers<[1], [1], [0], [0], [0, 0, 1, 0], [], []>, transpose_lhs_hint = false} : vector<1024x64xbf16>, vector<256x64xbf16>, vector<1024x256xf32> -> vector<1024x256xf32>
      %exp23A_60 = math.exp2 %dot_general3A_59 : vector<1024x256xf32>
      %jit3A_61 = arith.constant 0.000000e+00 : f32
      %broadcast_in_dim3A_62 = vector.shape_cast %lt3A_53 : vector<1x256xi1> to vector<1x256xi1>
      %broadcast_in_dim3A_63 = vector.broadcast %broadcast_in_dim3A_62 : vector<1x256xi1> to vector<1024x256xi1>
      %broadcast_in_dim3A_64 = vector.broadcast %jit3A_61 : f32 to vector<1024x256xf32>
      %select_n3A_65 = arith.select %broadcast_in_dim3A_63, %exp23A_60, %broadcast_in_dim3A_64 : vector<1024x256xi1>, vector<1024x256xf32>
      %sub3A_66 = arith.constant 512 : i32
      %sub3A_67 = arith.subi %sub3A_40, %sub3A_66 : i32
      %lt3A_68 = vector.broadcast %sub3A_67 : i32 to vector<1x256xi32>
      %lt3A_69 = arith.cmpi slt, %iota3A, %lt3A_68 : vector<1x256xi32>
      %get3A_70 = arith.constant 512 : index
      %get3A_71 = arith.constant 0 : index
      %get3A_72 = vector.load %arg6[%get3A_70, %get3A_71] : memref<8192x64xf32, #tpu.memory_space<vmem>>, vector<256x64xf32>
      %convert_element_type3A_73 = arith.truncf %get3A_72 : vector<256x64xf32> to vector<256x64xbf16>
      %dot_general3A_74 = arith.constant dense<0.000000e+00> : vector<1024x256xf32>
      %dot_general3A_75 = tpu.matmul %get3A_28, %convert_element_type3A_73, %dot_general3A_74 {dimension_numbers = #tpu.dot_dimension_numbers<[1], [1], [0], [0], [0, 0, 1, 0], [], []>, transpose_lhs_hint = false} : vector<1024x64xbf16>, vector<256x64xbf16>, vector<1024x256xf32> -> vector<1024x256xf32>
      %exp23A_76 = math.exp2 %dot_general3A_75 : vector<1024x256xf32>
      %jit3A_77 = arith.constant 0.000000e+00 : f32
      %broadcast_in_dim3A_78 = vector.shape_cast %lt3A_69 : vector<1x256xi1> to vector<1x256xi1>
      %broadcast_in_dim3A_79 = vector.broadcast %broadcast_in_dim3A_78 : vector<1x256xi1> to vector<1024x256xi1>
      %broadcast_in_dim3A_80 = vector.broadcast %jit3A_77 : f32 to vector<1024x256xf32>
      %select_n3A_81 = arith.select %broadcast_in_dim3A_79, %exp23A_76, %broadcast_in_dim3A_80 : vector<1024x256xi1>, vector<1024x256xf32>
      %add3A = arith.addf %select_n3A, %select_n3A_81 : vector<1024x256xf32>
      %sub3A_82 = arith.constant 768 : i32
      %sub3A_83 = arith.subi %sub3A_40, %sub3A_82 : i32
      %lt3A_84 = vector.broadcast %sub3A_83 : i32 to vector<1x256xi32>
      %lt3A_85 = arith.cmpi slt, %iota3A, %lt3A_84 : vector<1x256xi32>
      %get3A_86 = arith.constant 768 : index
      %get3A_87 = arith.constant 0 : index
      %get3A_88 = vector.load %arg6[%get3A_86, %get3A_87] : memref<8192x64xf32, #tpu.memory_space<vmem>>, vector<256x64xf32>
      %convert_element_type3A_89 = arith.truncf %get3A_88 : vector<256x64xf32> to vector<256x64xbf16>
      %dot_general3A_90 = arith.constant dense<0.000000e+00> : vector<1024x256xf32>
      %dot_general3A_91 = tpu.matmul %get3A_28, %convert_element_type3A_89, %dot_general3A_90 {dimension_numbers = #tpu.dot_dimension_numbers<[1], [1], [0], [0], [0, 0, 1, 0], [], []>, transpose_lhs_hint = false} : vector<1024x64xbf16>, vector<256x64xbf16>, vector<1024x256xf32> -> vector<1024x256xf32>
      %exp23A_92 = math.exp2 %dot_general3A_91 : vector<1024x256xf32>
      %jit3A_93 = arith.constant 0.000000e+00 : f32
      %broadcast_in_dim3A_94 = vector.shape_cast %lt3A_85 : vector<1x256xi1> to vector<1x256xi1>
      %broadcast_in_dim3A_95 = vector.broadcast %broadcast_in_dim3A_94 : vector<1x256xi1> to vector<1024x256xi1>
      %broadcast_in_dim3A_96 = vector.broadcast %jit3A_93 : f32 to vector<1024x256xf32>
      %select_n3A_97 = arith.select %broadcast_in_dim3A_95, %exp23A_92, %broadcast_in_dim3A_96 : vector<1024x256xi1>, vector<1024x256xf32>
      %add3A_98 = arith.addf %select_n3A_65, %select_n3A_97 : vector<1024x256xf32>
      %sub3A_99 = arith.constant 1024 : i32
      %sub3A_100 = arith.subi %sub3A_40, %sub3A_99 : i32
      %lt3A_101 = vector.broadcast %sub3A_100 : i32 to vector<1x256xi32>
      %lt3A_102 = arith.cmpi slt, %iota3A, %lt3A_101 : vector<1x256xi32>
      %get3A_103 = arith.constant 1024 : index
      %get3A_104 = arith.constant 0 : index
      %get3A_105 = vector.load %arg6[%get3A_103, %get3A_104] : memref<8192x64xf32, #tpu.memory_space<vmem>>, vector<256x64xf32>
      %convert_element_type3A_106 = arith.truncf %get3A_105 : vector<256x64xf32> to vector<256x64xbf16>
      %dot_general3A_107 = arith.constant dense<0.000000e+00> : vector<1024x256xf32>
      %dot_general3A_108 = tpu.matmul %get3A_28, %convert_element_type3A_106, %dot_general3A_107 {dimension_numbers = #tpu.dot_dimension_numbers<[1], [1], [0], [0], [0, 0, 1, 0], [], []>, transpose_lhs_hint = false} : vector<1024x64xbf16>, vector<256x64xbf16>, vector<1024x256xf32> -> vector<1024x256xf32>
      %exp23A_109 = math.exp2 %dot_general3A_108 : vector<1024x256xf32>
      %jit3A_110 = arith.constant 0.000000e+00 : f32
      %broadcast_in_dim3A_111 = vector.shape_cast %lt3A_102 : vector<1x256xi1> to vector<1x256xi1>
      %broadcast_in_dim3A_112 = vector.broadcast %broadcast_in_dim3A_111 : vector<1x256xi1> to vector<1024x256xi1>
      %broadcast_in_dim3A_113 = vector.broadcast %jit3A_110 : f32 to vector<1024x256xf32>
      %select_n3A_114 = arith.select %broadcast_in_dim3A_112, %exp23A_109, %broadcast_in_dim3A_113 : vector<1024x256xi1>, vector<1024x256xf32>
      %add3A_115 = arith.addf %add3A, %select_n3A_114 : vector<1024x256xf32>
      %sub3A_116 = arith.constant 1280 : i32
      %sub3A_117 = arith.subi %sub3A_40, %sub3A_116 : i32
      %lt3A_118 = vector.broadcast %sub3A_117 : i32 to vector<1x256xi32>
      %lt3A_119 = arith.cmpi slt, %iota3A, %lt3A_118 : vector<1x256xi32>
      %get3A_120 = arith.constant 1280 : index
      %get3A_121 = arith.constant 0 : index
      %get3A_122 = vector.load %arg6[%get3A_120, %get3A_121] : memref<8192x64xf32, #tpu.memory_space<vmem>>, vector<256x64xf32>
      %convert_element_type3A_123 = arith.truncf %get3A_122 : vector<256x64xf32> to vector<256x64xbf16>
      %dot_general3A_124 = arith.constant dense<0.000000e+00> : vector<1024x256xf32>
      %dot_general3A_125 = tpu.matmul %get3A_28, %convert_element_type3A_123, %dot_general3A_124 {dimension_numbers = #tpu.dot_dimension_numbers<[1], [1], [0], [0], [0, 0, 1, 0], [], []>, transpose_lhs_hint = false} : vector<1024x64xbf16>, vector<256x64xbf16>, vector<1024x256xf32> -> vector<1024x256xf32>
      %exp23A_126 = math.exp2 %dot_general3A_125 : vector<1024x256xf32>
      %jit3A_127 = arith.constant 0.000000e+00 : f32
      %broadcast_in_dim3A_128 = vector.shape_cast %lt3A_119 : vector<1x256xi1> to vector<1x256xi1>
      %broadcast_in_dim3A_129 = vector.broadcast %broadcast_in_dim3A_128 : vector<1x256xi1> to vector<1024x256xi1>
      %broadcast_in_dim3A_130 = vector.broadcast %jit3A_127 : f32 to vector<1024x256xf32>
      %select_n3A_131 = arith.select %broadcast_in_dim3A_129, %exp23A_126, %broadcast_in_dim3A_130 : vector<1024x256xi1>, vector<1024x256xf32>
      %add3A_132 = arith.addf %add3A_98, %select_n3A_131 : vector<1024x256xf32>
      %sub3A_133 = arith.constant 1536 : i32
      %sub3A_134 = arith.subi %sub3A_40, %sub3A_133 : i32
      %lt3A_135 = vector.broadcast %sub3A_134 : i32 to vector<1x256xi32>
      %lt3A_136 = arith.cmpi slt, %iota3A, %lt3A_135 : vector<1x256xi32>
      %get3A_137 = arith.constant 1536 : index
      %get3A_138 = arith.constant 0 : index
      %get3A_139 = vector.load %arg6[%get3A_137, %get3A_138] : memref<8192x64xf32, #tpu.memory_space<vmem>>, vector<256x64xf32>
      %convert_element_type3A_140 = arith.truncf %get3A_139 : vector<256x64xf32> to vector<256x64xbf16>
      %dot_general3A_141 = arith.constant dense<0.000000e+00> : vector<1024x256xf32>
      %dot_general3A_142 = tpu.matmul %get3A_28, %convert_element_type3A_140, %dot_general3A_141 {dimension_numbers = #tpu.dot_dimension_numbers<[1], [1], [0], [0], [0, 0, 1, 0], [], []>, transpose_lhs_hint = false} : vector<1024x64xbf16>, vector<256x64xbf16>, vector<1024x256xf32> -> vector<1024x256xf32>
      %exp23A_143 = math.exp2 %dot_general3A_142 : vector<1024x256xf32>
      %jit3A_144 = arith.constant 0.000000e+00 : f32
      %broadcast_in_dim3A_145 = vector.shape_cast %lt3A_136 : vector<1x256xi1> to vector<1x256xi1>
      %broadcast_in_dim3A_146 = vector.broadcast %broadcast_in_dim3A_145 : vector<1x256xi1> to vector<1024x256xi1>
      %broadcast_in_dim3A_147 = vector.broadcast %jit3A_144 : f32 to vector<1024x256xf32>
      %select_n3A_148 = arith.select %broadcast_in_dim3A_146, %exp23A_143, %broadcast_in_dim3A_147 : vector<1024x256xi1>, vector<1024x256xf32>
      %add3A_149 = arith.addf %add3A_115, %select_n3A_148 : vector<1024x256xf32>
      %sub3A_150 = arith.constant 1792 : i32
      %sub3A_151 = arith.subi %sub3A_40, %sub3A_150 : i32
      %lt3A_152 = vector.broadcast %sub3A_151 : i32 to vector<1x256xi32>
      %lt3A_153 = arith.cmpi slt, %iota3A, %lt3A_152 : vector<1x256xi32>
      %get3A_154 = arith.constant 1792 : index
      %get3A_155 = arith.constant 0 : index
      %get3A_156 = vector.load %arg6[%get3A_154, %get3A_155] : memref<8192x64xf32, #tpu.memory_space<vmem>>, vector<256x64xf32>
      %convert_element_type3A_157 = arith.truncf %get3A_156 : vector<256x64xf32> to vector<256x64xbf16>
      %dot_general3A_158 = arith.constant dense<0.000000e+00> : vector<1024x256xf32>
      %dot_general3A_159 = tpu.matmul %get3A_28, %convert_element_type3A_157, %dot_general3A_158 {dimension_numbers = #tpu.dot_dimension_numbers<[1], [1], [0], [0], [0, 0, 1, 0], [], []>, transpose_lhs_hint = false} : vector<1024x64xbf16>, vector<256x64xbf16>, vector<1024x256xf32> -> vector<1024x256xf32>
      %exp23A_160 = math.exp2 %dot_general3A_159 : vector<1024x256xf32>
      %jit3A_161 = arith.constant 0.000000e+00 : f32
      %broadcast_in_dim3A_162 = vector.shape_cast %lt3A_153 : vector<1x256xi1> to vector<1x256xi1>
      %broadcast_in_dim3A_163 = vector.broadcast %broadcast_in_dim3A_162 : vector<1x256xi1> to vector<1024x256xi1>
      %broadcast_in_dim3A_164 = vector.broadcast %jit3A_161 : f32 to vector<1024x256xf32>
      %select_n3A_165 = arith.select %broadcast_in_dim3A_163, %exp23A_160, %broadcast_in_dim3A_164 : vector<1024x256xi1>, vector<1024x256xf32>
      %add3A_166 = arith.addf %add3A_132, %select_n3A_165 : vector<1024x256xf32>
      %sub3A_167 = arith.constant 2048 : i32
      %sub3A_168 = arith.subi %sub3A_40, %sub3A_167 : i32
      %lt3A_169 = vector.broadcast %sub3A_168 : i32 to vector<1x256xi32>
      %lt3A_170 = arith.cmpi slt, %iota3A, %lt3A_169 : vector<1x256xi32>
      %get3A_171 = arith.constant 2048 : index
      %get3A_172 = arith.constant 0 : index
      %get3A_173 = vector.load %arg6[%get3A_171, %get3A_172] : memref<8192x64xf32, #tpu.memory_space<vmem>>, vector<256x64xf32>
      %convert_element_type3A_174 = arith.truncf %get3A_173 : vector<256x64xf32> to vector<256x64xbf16>
      %dot_general3A_175 = arith.constant dense<0.000000e+00> : vector<1024x256xf32>
      %dot_general3A_176 = tpu.matmul %get3A_28, %convert_element_type3A_174, %dot_general3A_175 {dimension_numbers = #tpu.dot_dimension_numbers<[1], [1], [0], [0], [0, 0, 1, 0], [], []>, transpose_lhs_hint = false} : vector<1024x64xbf16>, vector<256x64xbf16>, vector<1024x256xf32> -> vector<1024x256xf32>
      %exp23A_177 = math.exp2 %dot_general3A_176 : vector<1024x256xf32>
      %jit3A_178 = arith.constant 0.000000e+00 : f32
      %broadcast_in_dim3A_179 = vector.shape_cast %lt3A_170 : vector<1x256xi1> to vector<1x256xi1>
      %broadcast_in_dim3A_180 = vector.broadcast %broadcast_in_dim3A_179 : vector<1x256xi1> to vector<1024x256xi1>
      %broadcast_in_dim3A_181 = vector.broadcast %jit3A_178 : f32 to vector<1024x256xf32>
      %select_n3A_182 = arith.select %broadcast_in_dim3A_180, %exp23A_177, %broadcast_in_dim3A_181 : vector<1024x256xi1>, vector<1024x256xf32>
      %add3A_183 = arith.addf %add3A_149, %select_n3A_182 : vector<1024x256xf32>
      %sub3A_184 = arith.constant 2304 : i32
      %sub3A_185 = arith.subi %sub3A_40, %sub3A_184 : i32
      %lt3A_186 = vector.broadcast %sub3A_185 : i32 to vector<1x256xi32>
      %lt3A_187 = arith.cmpi slt, %iota3A, %lt3A_186 : vector<1x256xi32>
      %get3A_188 = arith.constant 2304 : index
      %get3A_189 = arith.constant 0 : index
      %get3A_190 = vector.load %arg6[%get3A_188, %get3A_189] : memref<8192x64xf32, #tpu.memory_space<vmem>>, vector<256x64xf32>
      %convert_element_type3A_191 = arith.truncf %get3A_190 : vector<256x64xf32> to vector<256x64xbf16>
      %dot_general3A_192 = arith.constant dense<0.000000e+00> : vector<1024x256xf32>
      %dot_general3A_193 = tpu.matmul %get3A_28, %convert_element_type3A_191, %dot_general3A_192 {dimension_numbers = #tpu.dot_dimension_numbers<[1], [1], [0], [0], [0, 0, 1, 0], [], []>, transpose_lhs_hint = false} : vector<1024x64xbf16>, vector<256x64xbf16>, vector<1024x256xf32> -> vector<1024x256xf32>
      %exp23A_194 = math.exp2 %dot_general3A_193 : vector<1024x256xf32>
      %jit3A_195 = arith.constant 0.000000e+00 : f32
      %broadcast_in_dim3A_196 = vector.shape_cast %lt3A_187 : vector<1x256xi1> to vector<1x256xi1>
      %broadcast_in_dim3A_197 = vector.broadcast %broadcast_in_dim3A_196 : vector<1x256xi1> to vector<1024x256xi1>
      %broadcast_in_dim3A_198 = vector.broadcast %jit3A_195 : f32 to vector<1024x256xf32>
      %select_n3A_199 = arith.select %broadcast_in_dim3A_197, %exp23A_194, %broadcast_in_dim3A_198 : vector<1024x256xi1>, vector<1024x256xf32>
      %add3A_200 = arith.addf %add3A_166, %select_n3A_199 : vector<1024x256xf32>
      %sub3A_201 = arith.constant 2560 : i32
      %sub3A_202 = arith.subi %sub3A_40, %sub3A_201 : i32
      %lt3A_203 = vector.broadcast %sub3A_202 : i32 to vector<1x256xi32>
      %lt3A_204 = arith.cmpi slt, %iota3A, %lt3A_203 : vector<1x256xi32>
      %get3A_205 = arith.constant 2560 : index
      %get3A_206 = arith.constant 0 : index
      %get3A_207 = vector.load %arg6[%get3A_205, %get3A_206] : memref<8192x64xf32, #tpu.memory_space<vmem>>, vector<256x64xf32>
      %convert_element_type3A_208 = arith.truncf %get3A_207 : vector<256x64xf32> to vector<256x64xbf16>
      %dot_general3A_209 = arith.constant dense<0.000000e+00> : vector<1024x256xf32>
      %dot_general3A_210 = tpu.matmul %get3A_28, %convert_element_type3A_208, %dot_general3A_209 {dimension_numbers = #tpu.dot_dimension_numbers<[1], [1], [0], [0], [0, 0, 1, 0], [], []>, transpose_lhs_hint = false} : vector<1024x64xbf16>, vector<256x64xbf16>, vector<1024x256xf32> -> vector<1024x256xf32>
      %exp23A_211 = math.exp2 %dot_general3A_210 : vector<1024x256xf32>
      %jit3A_212 = arith.constant 0.000000e+00 : f32
      %broadcast_in_dim3A_213 = vector.shape_cast %lt3A_204 : vector<1x256xi1> to vector<1x256xi1>
      %broadcast_in_dim3A_214 = vector.broadcast %broadcast_in_dim3A_213 : vector<1x256xi1> to vector<1024x256xi1>
      %broadcast_in_dim3A_215 = vector.broadcast %jit3A_212 : f32 to vector<1024x256xf32>
      %select_n3A_216 = arith.select %broadcast_in_dim3A_214, %exp23A_211, %broadcast_in_dim3A_215 : vector<1024x256xi1>, vector<1024x256xf32>
      %add3A_217 = arith.addf %add3A_183, %select_n3A_216 : vector<1024x256xf32>
      %sub3A_218 = arith.constant 2816 : i32
      %sub3A_219 = arith.subi %sub3A_40, %sub3A_218 : i32
      %lt3A_220 = vector.broadcast %sub3A_219 : i32 to vector<1x256xi32>
      %lt3A_221 = arith.cmpi slt, %iota3A, %lt3A_220 : vector<1x256xi32>
      %get3A_222 = arith.constant 2816 : index
      %get3A_223 = arith.constant 0 : index
      %get3A_224 = vector.load %arg6[%get3A_222, %get3A_223] : memref<8192x64xf32, #tpu.memory_space<vmem>>, vector<256x64xf32>
      %convert_element_type3A_225 = arith.truncf %get3A_224 : vector<256x64xf32> to vector<256x64xbf16>
      %dot_general3A_226 = arith.constant dense<0.000000e+00> : vector<1024x256xf32>
      %dot_general3A_227 = tpu.matmul %get3A_28, %convert_element_type3A_225, %dot_general3A_226 {dimension_numbers = #tpu.dot_dimension_numbers<[1], [1], [0], [0], [0, 0, 1, 0], [], []>, transpose_lhs_hint = false} : vector<1024x64xbf16>, vector<256x64xbf16>, vector<1024x256xf32> -> vector<1024x256xf32>
      %exp23A_228 = math.exp2 %dot_general3A_227 : vector<1024x256xf32>
      %jit3A_229 = arith.constant 0.000000e+00 : f32
      %broadcast_in_dim3A_230 = vector.shape_cast %lt3A_221 : vector<1x256xi1> to vector<1x256xi1>
      %broadcast_in_dim3A_231 = vector.broadcast %broadcast_in_dim3A_230 : vector<1x256xi1> to vector<1024x256xi1>
      %broadcast_in_dim3A_232 = vector.broadcast %jit3A_229 : f32 to vector<1024x256xf32>
      %select_n3A_233 = arith.select %broadcast_in_dim3A_231, %exp23A_228, %broadcast_in_dim3A_232 : vector<1024x256xi1>, vector<1024x256xf32>
      %add3A_234 = arith.addf %add3A_200, %select_n3A_233 : vector<1024x256xf32>
      %sub3A_235 = arith.constant 3072 : i32
      %sub3A_236 = arith.subi %sub3A_40, %sub3A_235 : i32
      %lt3A_237 = vector.broadcast %sub3A_236 : i32 to vector<1x256xi32>
      %lt3A_238 = arith.cmpi slt, %iota3A, %lt3A_237 : vector<1x256xi32>
      %get3A_239 = arith.constant 3072 : index
      %get3A_240 = arith.constant 0 : index
      %get3A_241 = vector.load %arg6[%get3A_239, %get3A_240] : memref<8192x64xf32, #tpu.memory_space<vmem>>, vector<256x64xf32>
      %convert_element_type3A_242 = arith.truncf %get3A_241 : vector<256x64xf32> to vector<256x64xbf16>
      %dot_general3A_243 = arith.constant dense<0.000000e+00> : vector<1024x256xf32>
      %dot_general3A_244 = tpu.matmul %get3A_28, %convert_element_type3A_242, %dot_general3A_243 {dimension_numbers = #tpu.dot_dimension_numbers<[1], [1], [0], [0], [0, 0, 1, 0], [], []>, transpose_lhs_hint = false} : vector<1024x64xbf16>, vector<256x64xbf16>, vector<1024x256xf32> -> vector<1024x256xf32>
      %exp23A_245 = math.exp2 %dot_general3A_244 : vector<1024x256xf32>
      %jit3A_246 = arith.constant 0.000000e+00 : f32
      %broadcast_in_dim3A_247 = vector.shape_cast %lt3A_238 : vector<1x256xi1> to vector<1x256xi1>
      %broadcast_in_dim3A_248 = vector.broadcast %broadcast_in_dim3A_247 : vector<1x256xi1> to vector<1024x256xi1>
      %broadcast_in_dim3A_249 = vector.broadcast %jit3A_246 : f32 to vector<1024x256xf32>
      %select_n3A_250 = arith.select %broadcast_in_dim3A_248, %exp23A_245, %broadcast_in_dim3A_249 : vector<1024x256xi1>, vector<1024x256xf32>
      %add3A_251 = arith.addf %add3A_217, %select_n3A_250 : vector<1024x256xf32>
      %sub3A_252 = arith.constant 3328 : i32
      %sub3A_253 = arith.subi %sub3A_40, %sub3A_252 : i32
      %lt3A_254 = vector.broadcast %sub3A_253 : i32 to vector<1x256xi32>
      %lt3A_255 = arith.cmpi slt, %iota3A, %lt3A_254 : vector<1x256xi32>
      %get3A_256 = arith.constant 3328 : index
      %get3A_257 = arith.constant 0 : index
      %get3A_258 = vector.load %arg6[%get3A_256, %get3A_257] : memref<8192x64xf32, #tpu.memory_space<vmem>>, vector<256x64xf32>
      %convert_element_type3A_259 = arith.truncf %get3A_258 : vector<256x64xf32> to vector<256x64xbf16>
      %dot_general3A_260 = arith.constant dense<0.000000e+00> : vector<1024x256xf32>
      %dot_general3A_261 = tpu.matmul %get3A_28, %convert_element_type3A_259, %dot_general3A_260 {dimension_numbers = #tpu.dot_dimension_numbers<[1], [1], [0], [0], [0, 0, 1, 0], [], []>, transpose_lhs_hint = false} : vector<1024x64xbf16>, vector<256x64xbf16>, vector<1024x256xf32> -> vector<1024x256xf32>
      %exp23A_262 = math.exp2 %dot_general3A_261 : vector<1024x256xf32>
      %jit3A_263 = arith.constant 0.000000e+00 : f32
      %broadcast_in_dim3A_264 = vector.shape_cast %lt3A_255 : vector<1x256xi1> to vector<1x256xi1>
      %broadcast_in_dim3A_265 = vector.broadcast %broadcast_in_dim3A_264 : vector<1x256xi1> to vector<1024x256xi1>
      %broadcast_in_dim3A_266 = vector.broadcast %jit3A_263 : f32 to vector<1024x256xf32>
      %select_n3A_267 = arith.select %broadcast_in_dim3A_265, %exp23A_262, %broadcast_in_dim3A_266 : vector<1024x256xi1>, vector<1024x256xf32>
      %add3A_268 = arith.addf %add3A_234, %select_n3A_267 : vector<1024x256xf32>
      %sub3A_269 = arith.constant 3584 : i32
      %sub3A_270 = arith.subi %sub3A_40, %sub3A_269 : i32
      %lt3A_271 = vector.broadcast %sub3A_270 : i32 to vector<1x256xi32>
      %lt3A_272 = arith.cmpi slt, %iota3A, %lt3A_271 : vector<1x256xi32>
      %get3A_273 = arith.constant 3584 : index
      %get3A_274 = arith.constant 0 : index
      %get3A_275 = vector.load %arg6[%get3A_273, %get3A_274] : memref<8192x64xf32, #tpu.memory_space<vmem>>, vector<256x64xf32>
      %convert_element_type3A_276 = arith.truncf %get3A_275 : vector<256x64xf32> to vector<256x64xbf16>
      %dot_general3A_277 = arith.constant dense<0.000000e+00> : vector<1024x256xf32>
      %dot_general3A_278 = tpu.matmul %get3A_28, %convert_element_type3A_276, %dot_general3A_277 {dimension_numbers = #tpu.dot_dimension_numbers<[1], [1], [0], [0], [0, 0, 1, 0], [], []>, transpose_lhs_hint = false} : vector<1024x64xbf16>, vector<256x64xbf16>, vector<1024x256xf32> -> vector<1024x256xf32>
      %exp23A_279 = math.exp2 %dot_general3A_278 : vector<1024x256xf32>
      %jit3A_280 = arith.constant 0.000000e+00 : f32
      %broadcast_in_dim3A_281 = vector.shape_cast %lt3A_272 : vector<1x256xi1> to vector<1x256xi1>
      %broadcast_in_dim3A_282 = vector.broadcast %broadcast_in_dim3A_281 : vector<1x256xi1> to vector<1024x256xi1>
      %broadcast_in_dim3A_283 = vector.broadcast %jit3A_280 : f32 to vector<1024x256xf32>
      %select_n3A_284 = arith.select %broadcast_in_dim3A_282, %exp23A_279, %broadcast_in_dim3A_283 : vector<1024x256xi1>, vector<1024x256xf32>
      %add3A_285 = arith.addf %add3A_251, %select_n3A_284 : vector<1024x256xf32>
      %sub3A_286 = arith.constant 3840 : i32
      %sub3A_287 = arith.subi %sub3A_40, %sub3A_286 : i32
      %lt3A_288 = vector.broadcast %sub3A_287 : i32 to vector<1x256xi32>
      %lt3A_289 = arith.cmpi slt, %iota3A, %lt3A_288 : vector<1x256xi32>
      %get3A_290 = arith.constant 3840 : index
      %get3A_291 = arith.constant 0 : index
      %get3A_292 = vector.load %arg6[%get3A_290, %get3A_291] : memref<8192x64xf32, #tpu.memory_space<vmem>>, vector<256x64xf32>
      %convert_element_type3A_293 = arith.truncf %get3A_292 : vector<256x64xf32> to vector<256x64xbf16>
      %dot_general3A_294 = arith.constant dense<0.000000e+00> : vector<1024x256xf32>
      %dot_general3A_295 = tpu.matmul %get3A_28, %convert_element_type3A_293, %dot_general3A_294 {dimension_numbers = #tpu.dot_dimension_numbers<[1], [1], [0], [0], [0, 0, 1, 0], [], []>, transpose_lhs_hint = false} : vector<1024x64xbf16>, vector<256x64xbf16>, vector<1024x256xf32> -> vector<1024x256xf32>
      %exp23A_296 = math.exp2 %dot_general3A_295 : vector<1024x256xf32>
      %jit3A_297 = arith.constant 0.000000e+00 : f32
      %broadcast_in_dim3A_298 = vector.shape_cast %lt3A_289 : vector<1x256xi1> to vector<1x256xi1>
      %broadcast_in_dim3A_299 = vector.broadcast %broadcast_in_dim3A_298 : vector<1x256xi1> to vector<1024x256xi1>
      %broadcast_in_dim3A_300 = vector.broadcast %jit3A_297 : f32 to vector<1024x256xf32>
      %select_n3A_301 = arith.select %broadcast_in_dim3A_299, %exp23A_296, %broadcast_in_dim3A_300 : vector<1024x256xi1>, vector<1024x256xf32>
      %add3A_302 = arith.addf %add3A_268, %select_n3A_301 : vector<1024x256xf32>
      %sub3A_303 = arith.constant 4096 : i32
      %sub3A_304 = arith.subi %sub3A_40, %sub3A_303 : i32
      %lt3A_305 = vector.broadcast %sub3A_304 : i32 to vector<1x256xi32>
      %lt3A_306 = arith.cmpi slt, %iota3A, %lt3A_305 : vector<1x256xi32>
      %get3A_307 = arith.constant 4096 : index
      %get3A_308 = arith.constant 0 : index
      %get3A_309 = vector.load %arg6[%get3A_307, %get3A_308] : memref<8192x64xf32, #tpu.memory_space<vmem>>, vector<256x64xf32>
      %convert_element_type3A_310 = arith.truncf %get3A_309 : vector<256x64xf32> to vector<256x64xbf16>
      %dot_general3A_311 = arith.constant dense<0.000000e+00> : vector<1024x256xf32>
      %dot_general3A_312 = tpu.matmul %get3A_28, %convert_element_type3A_310, %dot_general3A_311 {dimension_numbers = #tpu.dot_dimension_numbers<[1], [1], [0], [0], [0, 0, 1, 0], [], []>, transpose_lhs_hint = false} : vector<1024x64xbf16>, vector<256x64xbf16>, vector<1024x256xf32> -> vector<1024x256xf32>
      %exp23A_313 = math.exp2 %dot_general3A_312 : vector<1024x256xf32>
      %jit3A_314 = arith.constant 0.000000e+00 : f32
      %broadcast_in_dim3A_315 = vector.shape_cast %lt3A_306 : vector<1x256xi1> to vector<1x256xi1>
      %broadcast_in_dim3A_316 = vector.broadcast %broadcast_in_dim3A_315 : vector<1x256xi1> to vector<1024x256xi1>
      %broadcast_in_dim3A_317 = vector.broadcast %jit3A_314 : f32 to vector<1024x256xf32>
      %select_n3A_318 = arith.select %broadcast_in_dim3A_316, %exp23A_313, %broadcast_in_dim3A_317 : vector<1024x256xi1>, vector<1024x256xf32>
      %add3A_319 = arith.addf %add3A_285, %select_n3A_318 : vector<1024x256xf32>
      %sub3A_320 = arith.constant 4352 : i32
      %sub3A_321 = arith.subi %sub3A_40, %sub3A_320 : i32
      %lt3A_322 = vector.broadcast %sub3A_321 : i32 to vector<1x256xi32>
      %lt3A_323 = arith.cmpi slt, %iota3A, %lt3A_322 : vector<1x256xi32>
      %get3A_324 = arith.constant 4352 : index
      %get3A_325 = arith.constant 0 : index
      %get3A_326 = vector.load %arg6[%get3A_324, %get3A_325] : memref<8192x64xf32, #tpu.memory_space<vmem>>, vector<256x64xf32>
      %convert_element_type3A_327 = arith.truncf %get3A_326 : vector<256x64xf32> to vector<256x64xbf16>
      %dot_general3A_328 = arith.constant dense<0.000000e+00> : vector<1024x256xf32>
      %dot_general3A_329 = tpu.matmul %get3A_28, %convert_element_type3A_327, %dot_general3A_328 {dimension_numbers = #tpu.dot_dimension_numbers<[1], [1], [0], [0], [0, 0, 1, 0], [], []>, transpose_lhs_hint = false} : vector<1024x64xbf16>, vector<256x64xbf16>, vector<1024x256xf32> -> vector<1024x256xf32>
      %exp23A_330 = math.exp2 %dot_general3A_329 : vector<1024x256xf32>
      %jit3A_331 = arith.constant 0.000000e+00 : f32
      %broadcast_in_dim3A_332 = vector.shape_cast %lt3A_323 : vector<1x256xi1> to vector<1x256xi1>
      %broadcast_in_dim3A_333 = vector.broadcast %broadcast_in_dim3A_332 : vector<1x256xi1> to vector<1024x256xi1>
      %broadcast_in_dim3A_334 = vector.broadcast %jit3A_331 : f32 to vector<1024x256xf32>
      %select_n3A_335 = arith.select %broadcast_in_dim3A_333, %exp23A_330, %broadcast_in_dim3A_334 : vector<1024x256xi1>, vector<1024x256xf32>
      %add3A_336 = arith.addf %add3A_302, %select_n3A_335 : vector<1024x256xf32>
      %sub3A_337 = arith.constant 4608 : i32
      %sub3A_338 = arith.subi %sub3A_40, %sub3A_337 : i32
      %lt3A_339 = vector.broadcast %sub3A_338 : i32 to vector<1x256xi32>
      %lt3A_340 = arith.cmpi slt, %iota3A, %lt3A_339 : vector<1x256xi32>
      %get3A_341 = arith.constant 4608 : index
      %get3A_342 = arith.constant 0 : index
      %get3A_343 = vector.load %arg6[%get3A_341, %get3A_342] : memref<8192x64xf32, #tpu.memory_space<vmem>>, vector<256x64xf32>
      %convert_element_type3A_344 = arith.truncf %get3A_343 : vector<256x64xf32> to vector<256x64xbf16>
      %dot_general3A_345 = arith.constant dense<0.000000e+00> : vector<1024x256xf32>
      %dot_general3A_346 = tpu.matmul %get3A_28, %convert_element_type3A_344, %dot_general3A_345 {dimension_numbers = #tpu.dot_dimension_numbers<[1], [1], [0], [0], [0, 0, 1, 0], [], []>, transpose_lhs_hint = false} : vector<1024x64xbf16>, vector<256x64xbf16>, vector<1024x256xf32> -> vector<1024x256xf32>
      %exp23A_347 = math.exp2 %dot_general3A_346 : vector<1024x256xf32>
      %jit3A_348 = arith.constant 0.000000e+00 : f32
      %broadcast_in_dim3A_349 = vector.shape_cast %lt3A_340 : vector<1x256xi1> to vector<1x256xi1>
      %broadcast_in_dim3A_350 = vector.broadcast %broadcast_in_dim3A_349 : vector<1x256xi1> to vector<1024x256xi1>
      %broadcast_in_dim3A_351 = vector.broadcast %jit3A_348 : f32 to vector<1024x256xf32>
      %select_n3A_352 = arith.select %broadcast_in_dim3A_350, %exp23A_347, %broadcast_in_dim3A_351 : vector<1024x256xi1>, vector<1024x256xf32>
      %add3A_353 = arith.addf %add3A_319, %select_n3A_352 : vector<1024x256xf32>
      %sub3A_354 = arith.constant 4864 : i32
      %sub3A_355 = arith.subi %sub3A_40, %sub3A_354 : i32
      %lt3A_356 = vector.broadcast %sub3A_355 : i32 to vector<1x256xi32>
      %lt3A_357 = arith.cmpi slt, %iota3A, %lt3A_356 : vector<1x256xi32>
      %get3A_358 = arith.constant 4864 : index
      %get3A_359 = arith.constant 0 : index
      %get3A_360 = vector.load %arg6[%get3A_358, %get3A_359] : memref<8192x64xf32, #tpu.memory_space<vmem>>, vector<256x64xf32>
      %convert_element_type3A_361 = arith.truncf %get3A_360 : vector<256x64xf32> to vector<256x64xbf16>
      %dot_general3A_362 = arith.constant dense<0.000000e+00> : vector<1024x256xf32>
      %dot_general3A_363 = tpu.matmul %get3A_28, %convert_element_type3A_361, %dot_general3A_362 {dimension_numbers = #tpu.dot_dimension_numbers<[1], [1], [0], [0], [0, 0, 1, 0], [], []>, transpose_lhs_hint = false} : vector<1024x64xbf16>, vector<256x64xbf16>, vector<1024x256xf32> -> vector<1024x256xf32>
      %exp23A_364 = math.exp2 %dot_general3A_363 : vector<1024x256xf32>
      %jit3A_365 = arith.constant 0.000000e+00 : f32
      %broadcast_in_dim3A_366 = vector.shape_cast %lt3A_357 : vector<1x256xi1> to vector<1x256xi1>
      %broadcast_in_dim3A_367 = vector.broadcast %broadcast_in_dim3A_366 : vector<1x256xi1> to vector<1024x256xi1>
      %broadcast_in_dim3A_368 = vector.broadcast %jit3A_365 : f32 to vector<1024x256xf32>
      %select_n3A_369 = arith.select %broadcast_in_dim3A_367, %exp23A_364, %broadcast_in_dim3A_368 : vector<1024x256xi1>, vector<1024x256xf32>
      %add3A_370 = arith.addf %add3A_336, %select_n3A_369 : vector<1024x256xf32>
      %sub3A_371 = arith.constant 5120 : i32
      %sub3A_372 = arith.subi %sub3A_40, %sub3A_371 : i32
      %lt3A_373 = vector.broadcast %sub3A_372 : i32 to vector<1x256xi32>
      %lt3A_374 = arith.cmpi slt, %iota3A, %lt3A_373 : vector<1x256xi32>
      %get3A_375 = arith.constant 5120 : index
      %get3A_376 = arith.constant 0 : index
      %get3A_377 = vector.load %arg6[%get3A_375, %get3A_376] : memref<8192x64xf32, #tpu.memory_space<vmem>>, vector<256x64xf32>
      %convert_element_type3A_378 = arith.truncf %get3A_377 : vector<256x64xf32> to vector<256x64xbf16>
      %dot_general3A_379 = arith.constant dense<0.000000e+00> : vector<1024x256xf32>
      %dot_general3A_380 = tpu.matmul %get3A_28, %convert_element_type3A_378, %dot_general3A_379 {dimension_numbers = #tpu.dot_dimension_numbers<[1], [1], [0], [0], [0, 0, 1, 0], [], []>, transpose_lhs_hint = false} : vector<1024x64xbf16>, vector<256x64xbf16>, vector<1024x256xf32> -> vector<1024x256xf32>
      %exp23A_381 = math.exp2 %dot_general3A_380 : vector<1024x256xf32>
      %jit3A_382 = arith.constant 0.000000e+00 : f32
      %broadcast_in_dim3A_383 = vector.shape_cast %lt3A_374 : vector<1x256xi1> to vector<1x256xi1>
      %broadcast_in_dim3A_384 = vector.broadcast %broadcast_in_dim3A_383 : vector<1x256xi1> to vector<1024x256xi1>
      %broadcast_in_dim3A_385 = vector.broadcast %jit3A_382 : f32 to vector<1024x256xf32>
      %select_n3A_386 = arith.select %broadcast_in_dim3A_384, %exp23A_381, %broadcast_in_dim3A_385 : vector<1024x256xi1>, vector<1024x256xf32>
      %add3A_387 = arith.addf %add3A_353, %select_n3A_386 : vector<1024x256xf32>
      %sub3A_388 = arith.constant 5376 : i32
      %sub3A_389 = arith.subi %sub3A_40, %sub3A_388 : i32
      %lt3A_390 = vector.broadcast %sub3A_389 : i32 to vector<1x256xi32>
      %lt3A_391 = arith.cmpi slt, %iota3A, %lt3A_390 : vector<1x256xi32>
      %get3A_392 = arith.constant 5376 : index
      %get3A_393 = arith.constant 0 : index
      %get3A_394 = vector.load %arg6[%get3A_392, %get3A_393] : memref<8192x64xf32, #tpu.memory_space<vmem>>, vector<256x64xf32>
      %convert_element_type3A_395 = arith.truncf %get3A_394 : vector<256x64xf32> to vector<256x64xbf16>
      %dot_general3A_396 = arith.constant dense<0.000000e+00> : vector<1024x256xf32>
      %dot_general3A_397 = tpu.matmul %get3A_28, %convert_element_type3A_395, %dot_general3A_396 {dimension_numbers = #tpu.dot_dimension_numbers<[1], [1], [0], [0], [0, 0, 1, 0], [], []>, transpose_lhs_hint = false} : vector<1024x64xbf16>, vector<256x64xbf16>, vector<1024x256xf32> -> vector<1024x256xf32>
      %exp23A_398 = math.exp2 %dot_general3A_397 : vector<1024x256xf32>
      %jit3A_399 = arith.constant 0.000000e+00 : f32
      %broadcast_in_dim3A_400 = vector.shape_cast %lt3A_391 : vector<1x256xi1> to vector<1x256xi1>
      %broadcast_in_dim3A_401 = vector.broadcast %broadcast_in_dim3A_400 : vector<1x256xi1> to vector<1024x256xi1>
      %broadcast_in_dim3A_402 = vector.broadcast %jit3A_399 : f32 to vector<1024x256xf32>
      %select_n3A_403 = arith.select %broadcast_in_dim3A_401, %exp23A_398, %broadcast_in_dim3A_402 : vector<1024x256xi1>, vector<1024x256xf32>
      %add3A_404 = arith.addf %add3A_370, %select_n3A_403 : vector<1024x256xf32>
      %sub3A_405 = arith.constant 5632 : i32
      %sub3A_406 = arith.subi %sub3A_40, %sub3A_405 : i32
      %lt3A_407 = vector.broadcast %sub3A_406 : i32 to vector<1x256xi32>
      %lt3A_408 = arith.cmpi slt, %iota3A, %lt3A_407 : vector<1x256xi32>
      %get3A_409 = arith.constant 5632 : index
      %get3A_410 = arith.constant 0 : index
      %get3A_411 = vector.load %arg6[%get3A_409, %get3A_410] : memref<8192x64xf32, #tpu.memory_space<vmem>>, vector<256x64xf32>
      %convert_element_type3A_412 = arith.truncf %get3A_411 : vector<256x64xf32> to vector<256x64xbf16>
      %dot_general3A_413 = arith.constant dense<0.000000e+00> : vector<1024x256xf32>
      %dot_general3A_414 = tpu.matmul %get3A_28, %convert_element_type3A_412, %dot_general3A_413 {dimension_numbers = #tpu.dot_dimension_numbers<[1], [1], [0], [0], [0, 0, 1, 0], [], []>, transpose_lhs_hint = false} : vector<1024x64xbf16>, vector<256x64xbf16>, vector<1024x256xf32> -> vector<1024x256xf32>
      %exp23A_415 = math.exp2 %dot_general3A_414 : vector<1024x256xf32>
      %jit3A_416 = arith.constant 0.000000e+00 : f32
      %broadcast_in_dim3A_417 = vector.shape_cast %lt3A_408 : vector<1x256xi1> to vector<1x256xi1>
      %broadcast_in_dim3A_418 = vector.broadcast %broadcast_in_dim3A_417 : vector<1x256xi1> to vector<1024x256xi1>
      %broadcast_in_dim3A_419 = vector.broadcast %jit3A_416 : f32 to vector<1024x256xf32>
      %select_n3A_420 = arith.select %broadcast_in_dim3A_418, %exp23A_415, %broadcast_in_dim3A_419 : vector<1024x256xi1>, vector<1024x256xf32>
      %add3A_421 = arith.addf %add3A_387, %select_n3A_420 : vector<1024x256xf32>
      %sub3A_422 = arith.constant 5888 : i32
      %sub3A_423 = arith.subi %sub3A_40, %sub3A_422 : i32
      %lt3A_424 = vector.broadcast %sub3A_423 : i32 to vector<1x256xi32>
      %lt3A_425 = arith.cmpi slt, %iota3A, %lt3A_424 : vector<1x256xi32>
      %get3A_426 = arith.constant 5888 : index
      %get3A_427 = arith.constant 0 : index
      %get3A_428 = vector.load %arg6[%get3A_426, %get3A_427] : memref<8192x64xf32, #tpu.memory_space<vmem>>, vector<256x64xf32>
      %convert_element_type3A_429 = arith.truncf %get3A_428 : vector<256x64xf32> to vector<256x64xbf16>
      %dot_general3A_430 = arith.constant dense<0.000000e+00> : vector<1024x256xf32>
      %dot_general3A_431 = tpu.matmul %get3A_28, %convert_element_type3A_429, %dot_general3A_430 {dimension_numbers = #tpu.dot_dimension_numbers<[1], [1], [0], [0], [0, 0, 1, 0], [], []>, transpose_lhs_hint = false} : vector<1024x64xbf16>, vector<256x64xbf16>, vector<1024x256xf32> -> vector<1024x256xf32>
      %exp23A_432 = math.exp2 %dot_general3A_431 : vector<1024x256xf32>
      %jit3A_433 = arith.constant 0.000000e+00 : f32
      %broadcast_in_dim3A_434 = vector.shape_cast %lt3A_425 : vector<1x256xi1> to vector<1x256xi1>
      %broadcast_in_dim3A_435 = vector.broadcast %broadcast_in_dim3A_434 : vector<1x256xi1> to vector<1024x256xi1>
      %broadcast_in_dim3A_436 = vector.broadcast %jit3A_433 : f32 to vector<1024x256xf32>
      %select_n3A_437 = arith.select %broadcast_in_dim3A_435, %exp23A_432, %broadcast_in_dim3A_436 : vector<1024x256xi1>, vector<1024x256xf32>
      %add3A_438 = arith.addf %add3A_404, %select_n3A_437 : vector<1024x256xf32>
      %sub3A_439 = arith.constant 6144 : i32
      %sub3A_440 = arith.subi %sub3A_40, %sub3A_439 : i32
      %lt3A_441 = vector.broadcast %sub3A_440 : i32 to vector<1x256xi32>
      %lt3A_442 = arith.cmpi slt, %iota3A, %lt3A_441 : vector<1x256xi32>
      %get3A_443 = arith.constant 6144 : index
      %get3A_444 = arith.constant 0 : index
      %get3A_445 = vector.load %arg6[%get3A_443, %get3A_444] : memref<8192x64xf32, #tpu.memory_space<vmem>>, vector<256x64xf32>
      %convert_element_type3A_446 = arith.truncf %get3A_445 : vector<256x64xf32> to vector<256x64xbf16>
      %dot_general3A_447 = arith.constant dense<0.000000e+00> : vector<1024x256xf32>
      %dot_general3A_448 = tpu.matmul %get3A_28, %convert_element_type3A_446, %dot_general3A_447 {dimension_numbers = #tpu.dot_dimension_numbers<[1], [1], [0], [0], [0, 0, 1, 0], [], []>, transpose_lhs_hint = false} : vector<1024x64xbf16>, vector<256x64xbf16>, vector<1024x256xf32> -> vector<1024x256xf32>
      %exp23A_449 = math.exp2 %dot_general3A_448 : vector<1024x256xf32>
      %jit3A_450 = arith.constant 0.000000e+00 : f32
      %broadcast_in_dim3A_451 = vector.shape_cast %lt3A_442 : vector<1x256xi1> to vector<1x256xi1>
      %broadcast_in_dim3A_452 = vector.broadcast %broadcast_in_dim3A_451 : vector<1x256xi1> to vector<1024x256xi1>
      %broadcast_in_dim3A_453 = vector.broadcast %jit3A_450 : f32 to vector<1024x256xf32>
      %select_n3A_454 = arith.select %broadcast_in_dim3A_452, %exp23A_449, %broadcast_in_dim3A_453 : vector<1024x256xi1>, vector<1024x256xf32>
      %add3A_455 = arith.addf %add3A_421, %select_n3A_454 : vector<1024x256xf32>
      %sub3A_456 = arith.constant 6400 : i32
      %sub3A_457 = arith.subi %sub3A_40, %sub3A_456 : i32
      %lt3A_458 = vector.broadcast %sub3A_457 : i32 to vector<1x256xi32>
      %lt3A_459 = arith.cmpi slt, %iota3A, %lt3A_458 : vector<1x256xi32>
      %get3A_460 = arith.constant 6400 : index
      %get3A_461 = arith.constant 0 : index
      %get3A_462 = vector.load %arg6[%get3A_460, %get3A_461] : memref<8192x64xf32, #tpu.memory_space<vmem>>, vector<256x64xf32>
      %convert_element_type3A_463 = arith.truncf %get3A_462 : vector<256x64xf32> to vector<256x64xbf16>
      %dot_general3A_464 = arith.constant dense<0.000000e+00> : vector<1024x256xf32>
      %dot_general3A_465 = tpu.matmul %get3A_28, %convert_element_type3A_463, %dot_general3A_464 {dimension_numbers = #tpu.dot_dimension_numbers<[1], [1], [0], [0], [0, 0, 1, 0], [], []>, transpose_lhs_hint = false} : vector<1024x64xbf16>, vector<256x64xbf16>, vector<1024x256xf32> -> vector<1024x256xf32>
      %exp23A_466 = math.exp2 %dot_general3A_465 : vector<1024x256xf32>
      %jit3A_467 = arith.constant 0.000000e+00 : f32
      %broadcast_in_dim3A_468 = vector.shape_cast %lt3A_459 : vector<1x256xi1> to vector<1x256xi1>
      %broadcast_in_dim3A_469 = vector.broadcast %broadcast_in_dim3A_468 : vector<1x256xi1> to vector<1024x256xi1>
      %broadcast_in_dim3A_470 = vector.broadcast %jit3A_467 : f32 to vector<1024x256xf32>
      %select_n3A_471 = arith.select %broadcast_in_dim3A_469, %exp23A_466, %broadcast_in_dim3A_470 : vector<1024x256xi1>, vector<1024x256xf32>
      %add3A_472 = arith.addf %add3A_438, %select_n3A_471 : vector<1024x256xf32>
      %sub3A_473 = arith.constant 6656 : i32
      %sub3A_474 = arith.subi %sub3A_40, %sub3A_473 : i32
      %lt3A_475 = vector.broadcast %sub3A_474 : i32 to vector<1x256xi32>
      %lt3A_476 = arith.cmpi slt, %iota3A, %lt3A_475 : vector<1x256xi32>
      %get3A_477 = arith.constant 6656 : index
      %get3A_478 = arith.constant 0 : index
      %get3A_479 = vector.load %arg6[%get3A_477, %get3A_478] : memref<8192x64xf32, #tpu.memory_space<vmem>>, vector<256x64xf32>
      %convert_element_type3A_480 = arith.truncf %get3A_479 : vector<256x64xf32> to vector<256x64xbf16>
      %dot_general3A_481 = arith.constant dense<0.000000e+00> : vector<1024x256xf32>
      %dot_general3A_482 = tpu.matmul %get3A_28, %convert_element_type3A_480, %dot_general3A_481 {dimension_numbers = #tpu.dot_dimension_numbers<[1], [1], [0], [0], [0, 0, 1, 0], [], []>, transpose_lhs_hint = false} : vector<1024x64xbf16>, vector<256x64xbf16>, vector<1024x256xf32> -> vector<1024x256xf32>
      %exp23A_483 = math.exp2 %dot_general3A_482 : vector<1024x256xf32>
      %jit3A_484 = arith.constant 0.000000e+00 : f32
      %broadcast_in_dim3A_485 = vector.shape_cast %lt3A_476 : vector<1x256xi1> to vector<1x256xi1>
      %broadcast_in_dim3A_486 = vector.broadcast %broadcast_in_dim3A_485 : vector<1x256xi1> to vector<1024x256xi1>
      %broadcast_in_dim3A_487 = vector.broadcast %jit3A_484 : f32 to vector<1024x256xf32>
      %select_n3A_488 = arith.select %broadcast_in_dim3A_486, %exp23A_483, %broadcast_in_dim3A_487 : vector<1024x256xi1>, vector<1024x256xf32>
      %add3A_489 = arith.addf %add3A_455, %select_n3A_488 : vector<1024x256xf32>
      %sub3A_490 = arith.constant 6912 : i32
      %sub3A_491 = arith.subi %sub3A_40, %sub3A_490 : i32
      %lt3A_492 = vector.broadcast %sub3A_491 : i32 to vector<1x256xi32>
      %lt3A_493 = arith.cmpi slt, %iota3A, %lt3A_492 : vector<1x256xi32>
      %get3A_494 = arith.constant 6912 : index
      %get3A_495 = arith.constant 0 : index
      %get3A_496 = vector.load %arg6[%get3A_494, %get3A_495] : memref<8192x64xf32, #tpu.memory_space<vmem>>, vector<256x64xf32>
      %convert_element_type3A_497 = arith.truncf %get3A_496 : vector<256x64xf32> to vector<256x64xbf16>
      %dot_general3A_498 = arith.constant dense<0.000000e+00> : vector<1024x256xf32>
      %dot_general3A_499 = tpu.matmul %get3A_28, %convert_element_type3A_497, %dot_general3A_498 {dimension_numbers = #tpu.dot_dimension_numbers<[1], [1], [0], [0], [0, 0, 1, 0], [], []>, transpose_lhs_hint = false} : vector<1024x64xbf16>, vector<256x64xbf16>, vector<1024x256xf32> -> vector<1024x256xf32>
      %exp23A_500 = math.exp2 %dot_general3A_499 : vector<1024x256xf32>
      %jit3A_501 = arith.constant 0.000000e+00 : f32
      %broadcast_in_dim3A_502 = vector.shape_cast %lt3A_493 : vector<1x256xi1> to vector<1x256xi1>
      %broadcast_in_dim3A_503 = vector.broadcast %broadcast_in_dim3A_502 : vector<1x256xi1> to vector<1024x256xi1>
      %broadcast_in_dim3A_504 = vector.broadcast %jit3A_501 : f32 to vector<1024x256xf32>
      %select_n3A_505 = arith.select %broadcast_in_dim3A_503, %exp23A_500, %broadcast_in_dim3A_504 : vector<1024x256xi1>, vector<1024x256xf32>
      %add3A_506 = arith.addf %add3A_472, %select_n3A_505 : vector<1024x256xf32>
      %sub3A_507 = arith.constant 7168 : i32
      %sub3A_508 = arith.subi %sub3A_40, %sub3A_507 : i32
      %lt3A_509 = vector.broadcast %sub3A_508 : i32 to vector<1x256xi32>
      %lt3A_510 = arith.cmpi slt, %iota3A, %lt3A_509 : vector<1x256xi32>
      %get3A_511 = arith.constant 7168 : index
      %get3A_512 = arith.constant 0 : index
      %get3A_513 = vector.load %arg6[%get3A_511, %get3A_512] : memref<8192x64xf32, #tpu.memory_space<vmem>>, vector<256x64xf32>
      %convert_element_type3A_514 = arith.truncf %get3A_513 : vector<256x64xf32> to vector<256x64xbf16>
      %dot_general3A_515 = arith.constant dense<0.000000e+00> : vector<1024x256xf32>
      %dot_general3A_516 = tpu.matmul %get3A_28, %convert_element_type3A_514, %dot_general3A_515 {dimension_numbers = #tpu.dot_dimension_numbers<[1], [1], [0], [0], [0, 0, 1, 0], [], []>, transpose_lhs_hint = false} : vector<1024x64xbf16>, vector<256x64xbf16>, vector<1024x256xf32> -> vector<1024x256xf32>
      %exp23A_517 = math.exp2 %dot_general3A_516 : vector<1024x256xf32>
      %jit3A_518 = arith.constant 0.000000e+00 : f32
      %broadcast_in_dim3A_519 = vector.shape_cast %lt3A_510 : vector<1x256xi1> to vector<1x256xi1>
      %broadcast_in_dim3A_520 = vector.broadcast %broadcast_in_dim3A_519 : vector<1x256xi1> to vector<1024x256xi1>
      %broadcast_in_dim3A_521 = vector.broadcast %jit3A_518 : f32 to vector<1024x256xf32>
      %select_n3A_522 = arith.select %broadcast_in_dim3A_520, %exp23A_517, %broadcast_in_dim3A_521 : vector<1024x256xi1>, vector<1024x256xf32>
      %add3A_523 = arith.addf %add3A_489, %select_n3A_522 : vector<1024x256xf32>
      %sub3A_524 = arith.constant 7424 : i32
      %sub3A_525 = arith.subi %sub3A_40, %sub3A_524 : i32
      %lt3A_526 = vector.broadcast %sub3A_525 : i32 to vector<1x256xi32>
      %lt3A_527 = arith.cmpi slt, %iota3A, %lt3A_526 : vector<1x256xi32>
      %get3A_528 = arith.constant 7424 : index
      %get3A_529 = arith.constant 0 : index
      %get3A_530 = vector.load %arg6[%get3A_528, %get3A_529] : memref<8192x64xf32, #tpu.memory_space<vmem>>, vector<256x64xf32>
      %convert_element_type3A_531 = arith.truncf %get3A_530 : vector<256x64xf32> to vector<256x64xbf16>
      %dot_general3A_532 = arith.constant dense<0.000000e+00> : vector<1024x256xf32>
      %dot_general3A_533 = tpu.matmul %get3A_28, %convert_element_type3A_531, %dot_general3A_532 {dimension_numbers = #tpu.dot_dimension_numbers<[1], [1], [0], [0], [0, 0, 1, 0], [], []>, transpose_lhs_hint = false} : vector<1024x64xbf16>, vector<256x64xbf16>, vector<1024x256xf32> -> vector<1024x256xf32>
      %exp23A_534 = math.exp2 %dot_general3A_533 : vector<1024x256xf32>
      %jit3A_535 = arith.constant 0.000000e+00 : f32
      %broadcast_in_dim3A_536 = vector.shape_cast %lt3A_527 : vector<1x256xi1> to vector<1x256xi1>
      %broadcast_in_dim3A_537 = vector.broadcast %broadcast_in_dim3A_536 : vector<1x256xi1> to vector<1024x256xi1>
      %broadcast_in_dim3A_538 = vector.broadcast %jit3A_535 : f32 to vector<1024x256xf32>
      %select_n3A_539 = arith.select %broadcast_in_dim3A_537, %exp23A_534, %broadcast_in_dim3A_538 : vector<1024x256xi1>, vector<1024x256xf32>
      %add3A_540 = arith.addf %add3A_506, %select_n3A_539 : vector<1024x256xf32>
      %sub3A_541 = arith.constant 7680 : i32
      %sub3A_542 = arith.subi %sub3A_40, %sub3A_541 : i32
      %lt3A_543 = vector.broadcast %sub3A_542 : i32 to vector<1x256xi32>
      %lt3A_544 = arith.cmpi slt, %iota3A, %lt3A_543 : vector<1x256xi32>
      %get3A_545 = arith.constant 7680 : index
      %get3A_546 = arith.constant 0 : index
      %get3A_547 = vector.load %arg6[%get3A_545, %get3A_546] : memref<8192x64xf32, #tpu.memory_space<vmem>>, vector<256x64xf32>
      %convert_element_type3A_548 = arith.truncf %get3A_547 : vector<256x64xf32> to vector<256x64xbf16>
      %dot_general3A_549 = arith.constant dense<0.000000e+00> : vector<1024x256xf32>
      %dot_general3A_550 = tpu.matmul %get3A_28, %convert_element_type3A_548, %dot_general3A_549 {dimension_numbers = #tpu.dot_dimension_numbers<[1], [1], [0], [0], [0, 0, 1, 0], [], []>, transpose_lhs_hint = false} : vector<1024x64xbf16>, vector<256x64xbf16>, vector<1024x256xf32> -> vector<1024x256xf32>
      %exp23A_551 = math.exp2 %dot_general3A_550 : vector<1024x256xf32>
      %jit3A_552 = arith.constant 0.000000e+00 : f32
      %broadcast_in_dim3A_553 = vector.shape_cast %lt3A_544 : vector<1x256xi1> to vector<1x256xi1>
      %broadcast_in_dim3A_554 = vector.broadcast %broadcast_in_dim3A_553 : vector<1x256xi1> to vector<1024x256xi1>
      %broadcast_in_dim3A_555 = vector.broadcast %jit3A_552 : f32 to vector<1024x256xf32>
      %select_n3A_556 = arith.select %broadcast_in_dim3A_554, %exp23A_551, %broadcast_in_dim3A_555 : vector<1024x256xi1>, vector<1024x256xf32>
      %add3A_557 = arith.addf %add3A_523, %select_n3A_556 : vector<1024x256xf32>
      %sub3A_558 = arith.constant 7936 : i32
      %sub3A_559 = arith.subi %sub3A_40, %sub3A_558 : i32
      %lt3A_560 = vector.broadcast %sub3A_559 : i32 to vector<1x256xi32>
      %lt3A_561 = arith.cmpi slt, %iota3A, %lt3A_560 : vector<1x256xi32>
      %get3A_562 = arith.constant 7936 : index
      %get3A_563 = arith.constant 0 : index
      %get3A_564 = vector.load %arg6[%get3A_562, %get3A_563] : memref<8192x64xf32, #tpu.memory_space<vmem>>, vector<256x64xf32>
      %convert_element_type3A_565 = arith.truncf %get3A_564 : vector<256x64xf32> to vector<256x64xbf16>
      %dot_general3A_566 = arith.constant dense<0.000000e+00> : vector<1024x256xf32>
      %dot_general3A_567 = tpu.matmul %get3A_28, %convert_element_type3A_565, %dot_general3A_566 {dimension_numbers = #tpu.dot_dimension_numbers<[1], [1], [0], [0], [0, 0, 1, 0], [], []>, transpose_lhs_hint = false} : vector<1024x64xbf16>, vector<256x64xbf16>, vector<1024x256xf32> -> vector<1024x256xf32>
      %exp23A_568 = math.exp2 %dot_general3A_567 : vector<1024x256xf32>
      %jit3A_569 = arith.constant 0.000000e+00 : f32
      %broadcast_in_dim3A_570 = vector.shape_cast %lt3A_561 : vector<1x256xi1> to vector<1x256xi1>
      %broadcast_in_dim3A_571 = vector.broadcast %broadcast_in_dim3A_570 : vector<1x256xi1> to vector<1024x256xi1>
      %broadcast_in_dim3A_572 = vector.broadcast %jit3A_569 : f32 to vector<1024x256xf32>
      %select_n3A_573 = arith.select %broadcast_in_dim3A_571, %exp23A_568, %broadcast_in_dim3A_572 : vector<1024x256xi1>, vector<1024x256xf32>
      %add3A_574 = arith.addf %add3A_540, %select_n3A_573 : vector<1024x256xf32>
      %get3A_575 = arith.constant 0 : index
      %get3A_576 = arith.constant 0 : index
      %get3A_577 = vector.load %arg9[%get3A_575, %get3A_576] : memref<1024x256xf32, #tpu.memory_space<vmem>>, vector<1024x256xf32>
      %add3A_578 = arith.addf %add3A_557, %add3A_574 : vector<1024x256xf32>
      %add3A_579 = arith.addf %get3A_577, %add3A_578 : vector<1024x256xf32>
      %swap3A = arith.constant 0 : index
      %swap3A_580 = arith.constant 0 : index
      %swap3A_581 = vector.load %arg9[%swap3A, %swap3A_580] : memref<1024x256xf32, #tpu.memory_space<vmem>>, vector<1024x256xf32>
      tpu.vector_store %arg9[%swap3A, %swap3A_580], %add3A_579 {strides = array<i32>} : memref<1024x256xf32, #tpu.memory_space<vmem>>, vector<1024x256xf32>,
    } else {
    }
    return
  }
  func.func @transform_0(%arg0: i32) -> (i32, i32) {
    %c0_i32 = arith.constant 0 : i32
    %c0_i32_0 = arith.constant 0 : i32
    %c0_i32_1 = arith.constant 0 : i32
    return %c0_i32, %c0_i32_0 : i32, i32
  }
  func.func @transform_1(%arg0: i32) -> (i32, i32) {
    %c0_i32 = arith.constant 0 : i32
    %c0_i32_0 = arith.constant 0 : i32
    %c0_i32_1 = arith.constant 0 : i32
    return %c0_i32, %c0_i32_0 : i32, i32
  }
  func.func @transform_2(%arg0: i32) -> (i32, i32) {
    %c0_i32 = arith.constant 0 : i32
    %c0_i32_0 = arith.constant 0 : i32
    %c0_i32_1 = arith.constant 0 : i32
    return %c0_i32, %c0_i32_0 : i32, i32
  }
  func.func @transform_3(%arg0: i32) -> (i32, i32) {
    %c0_i32 = arith.constant 0 : i32
    %c0_i32_0 = arith.constant 0 : i32
    return %arg0, %c0_i32 : i32, i32
  }
  func.func @transform_4(%arg0: i32) -> (i32, i32) {
    %c0_i32 = arith.constant 0 : i32
    %c0_i32_0 = arith.constant 0 : i32
    return %arg0, %c0_i32 : i32, i32
  }
  func.func @transform_5(%arg0: i32) -> (i32, i32) {
    %c0_i32 = arith.constant 0 : i32
    %c0_i32_0 = arith.constant 0 : i32
    return %arg0, %c0_i32 : i32, i32
  }
  func.func @transform_6(%arg0: i32) -> (i32, i32) {
    %c0_i32 = arith.constant 0 : i32
    %c0_i32_0 = arith.constant 0 : i32
    %c0_i32_1 = arith.constant 0 : i32
    return %c0_i32, %c0_i32_0 : i32, i32
  }
  func.func @transform_7(%arg0: i32) -> (i32, i32) {
    %c0_i32 = arith.constant 0 : i32
    %c0_i32_0 = arith.constant 0 : i32
    %c0_i32_1 = arith.constant 0 : i32
    return %c0_i32, %c0_i32_0 : i32, i32
  }
  func.func @transform_8(%arg0: i32) -> (i32, i32) {
    %c0_i32 = arith.constant 0 : i32
    %c0_i32_0 = arith.constant 0 : i32
    %c0_i32_1 = arith.constant 0 : i32
    return %c0_i32, %c0_i32_0 : i32, i32
  }
}

module attributes {stable_mosaic.version = 14 : i64} {
  func.func @_combine_kernel(%arg0: memref<1024x64xf32, #tpu.memory_space<vmem>>, %arg1: memref<1024x64xf32, #tpu.memory_space<vmem>>, %arg2: memref<1024x64xf32, #tpu.memory_space<vmem>>, %arg3: memref<1024x64xf32, #tpu.memory_space<vmem>>, %arg4: memref<1024x64xf32, #tpu.memory_space<vmem>>, %arg5: memref<1024x64xf32, #tpu.memory_space<vmem>>, %arg6: memref<1024x64xf32, #tpu.memory_space<vmem>>, %arg7: memref<1024x64xf32, #tpu.memory_space<vmem>>, %arg8: memref<1024x64xf32, #tpu.memory_space<vmem>>, %arg9: memref<1024x256xf32, #tpu.memory_space<vmem>>, %arg10: memref<1024x256xf32, #tpu.memory_space<vmem>>, %arg11: memref<1024x256xf32, #tpu.memory_space<vmem>>, %arg12: memref<1x1xf32, #tpu.memory_space<vmem>>) attributes {dimension_semantics = [], scalar_prefetch = 0 : i64, scratch_operands = 0 : i64, tpu.core_type = #tpu.core_type<tc>} {
    %get3A = arith.constant 0 : index
    %get3A_0 = arith.constant 0 : index
    %get3A_1 = vector.load %arg0[%get3A, %get3A_0] : memref<1024x64xf32, #tpu.memory_space<vmem>>, vector<1024x64xf32>
    %mul3A = arith.mulf %get3A_1, %get3A_1 : vector<1024x64xf32>
    %reduce_sum3A = arith.constant dense<0.000000e+00> : vector<1024xf32>
    %reduce_sum3A_2 = vector.multi_reduction <add>, %mul3A, %reduce_sum3A [1] : vector<1024x64xf32> to vector<1024xf32>
    %broadcast_in_dim3A = vector.shape_cast %reduce_sum3A_2 : vector<1024xf32> to vector<1024x1xf32>
    %sqrt3A = math.sqrt %broadcast_in_dim3A : vector<1024x1xf32>
    %max3A = arith.constant 9.99999996E-13 : f32
    %max3A_3 = vector.broadcast %max3A : f32 to vector<1024x1xf32>
    %max3A_4 = arith.maximumf %sqrt3A, %max3A_3 : vector<1024x1xf32>
    %div3A = vector.broadcast %max3A_4 : vector<1024x1xf32> to vector<1024x64xf32>
    %div3A_5 = arith.divf %get3A_1, %div3A : vector<1024x64xf32>
    %get3A_6 = arith.constant 0 : index
    %get3A_7 = arith.constant 0 : index
    %get3A_8 = vector.load %arg9[%get3A_6, %get3A_7] : memref<1024x256xf32, #tpu.memory_space<vmem>>, vector<1024x256xf32>
    %reduce_sum3A_9 = arith.constant dense<0.000000e+00> : vector<1024xf32>
    %reduce_sum3A_10 = vector.multi_reduction <add>, %get3A_8, %reduce_sum3A_9 [1] : vector<1024x256xf32> to vector<1024xf32>
    %broadcast_in_dim3A_11 = vector.shape_cast %reduce_sum3A_10 : vector<1024xf32> to vector<1024x1xf32>
    %log3A = math.log %broadcast_in_dim3A_11 : vector<1024x1xf32>
    %get3A_12 = arith.constant 0 : index
    %get3A_13 = arith.constant 0 : index
    %get3A_14 = vector.load %arg6[%get3A_12, %get3A_13] : memref<1024x64xf32, #tpu.memory_space<vmem>>, vector<1024x64xf32>
    %mul3A_15 = arith.mulf %div3A_5, %get3A_14 : vector<1024x64xf32>
    %reduce_sum3A_16 = arith.constant dense<0.000000e+00> : vector<1024xf32>
    %reduce_sum3A_17 = vector.multi_reduction <add>, %mul3A_15, %reduce_sum3A_16 [1] : vector<1024x64xf32> to vector<1024xf32>
    %broadcast_in_dim3A_18 = vector.shape_cast %reduce_sum3A_17 : vector<1024xf32> to vector<1024x1xf32>
    %mul3A_19 = arith.constant 2.000000e+01 : f32
    %mul3A_20 = vector.broadcast %mul3A_19 : f32 to vector<1024x1xf32>
    %mul3A_21 = arith.mulf %broadcast_in_dim3A_18, %mul3A_20 : vector<1024x1xf32>
    %sub3A = arith.subf %log3A, %mul3A_21 : vector<1024x1xf32>
    %reduce_sum3A_22 = vector.shape_cast %sub3A : vector<1024x1xf32> to vector<1x1024x1xf32>
    %reduce_sum3A_23 = arith.constant dense<0.000000e+00> : vector<1xf32>
    %reduce_sum3A_24 = vector.multi_reduction <add>, %reduce_sum3A_22, %reduce_sum3A_23 [1, 2] : vector<1x1024x1xf32> to vector<1xf32>
    %reduce_sum3A_25 = vector.shape_cast %reduce_sum3A_24 : vector<1xf32> to vector<1x1x1xf32>
    %reduce_sum3A_26 = vector.extract %reduce_sum3A_25[0, 0, 0] : f32 from vector<1x1x1xf32>
    %mul3A_27 = arith.constant 9.765625E-4 : f32
    %mul3A_28 = arith.mulf %reduce_sum3A_26, %mul3A_27 : f32
    %get3A_29 = arith.constant 0 : index
    %get3A_30 = arith.constant 0 : index
    %get3A_31 = vector.load %arg3[%get3A_29, %get3A_30] : memref<1024x64xf32, #tpu.memory_space<vmem>>, vector<1024x64xf32>
    %mul3A_32 = arith.mulf %get3A_31, %get3A_31 : vector<1024x64xf32>
    %reduce_sum3A_33 = arith.constant dense<0.000000e+00> : vector<1024xf32>
    %reduce_sum3A_34 = vector.multi_reduction <add>, %mul3A_32, %reduce_sum3A_33 [1] : vector<1024x64xf32> to vector<1024xf32>
    %broadcast_in_dim3A_35 = vector.shape_cast %reduce_sum3A_34 : vector<1024xf32> to vector<1024x1xf32>
    %sqrt3A_36 = math.sqrt %broadcast_in_dim3A_35 : vector<1024x1xf32>
    %max3A_37 = arith.constant 9.99999996E-13 : f32
    %max3A_38 = vector.broadcast %max3A_37 : f32 to vector<1024x1xf32>
    %max3A_39 = arith.maximumf %sqrt3A_36, %max3A_38 : vector<1024x1xf32>
    %div3A_40 = vector.broadcast %max3A_39 : vector<1024x1xf32> to vector<1024x64xf32>
    %div3A_41 = arith.divf %get3A_31, %div3A_40 : vector<1024x64xf32>
    %sub3A_42 = arith.subf %div3A_5, %div3A_41 : vector<1024x64xf32>
    %integer_pow3A = arith.mulf %sub3A_42, %sub3A_42 : vector<1024x64xf32>
    %reduce_sum3A_43 = vector.shape_cast %integer_pow3A : vector<1024x64xf32> to vector<1x1024x64xf32>
    %reduce_sum3A_44 = arith.constant dense<0.000000e+00> : vector<1xf32>
    %reduce_sum3A_45 = vector.multi_reduction <add>, %reduce_sum3A_43, %reduce_sum3A_44 [1, 2] : vector<1x1024x64xf32> to vector<1xf32>
    %reduce_sum3A_46 = vector.shape_cast %reduce_sum3A_45 : vector<1xf32> to vector<1x1x1xf32>
    %reduce_sum3A_47 = vector.extract %reduce_sum3A_46[0, 0, 0] : f32 from vector<1x1x1xf32>
    %mul3A_48 = arith.constant 9.765625E-4 : f32
    %mul3A_49 = arith.mulf %reduce_sum3A_47, %mul3A_48 : f32
    %mul3A_50 = arith.constant 1.000000e+00 : f32
    %mul3A_51 = arith.mulf %mul3A_50, %mul3A_49 : f32
    %add3A = arith.addf %mul3A_28, %mul3A_51 : f32
    %mul3A_52 = arith.constant 5.000000e-01 : f32
    %mul3A_53 = arith.mulf %mul3A_52, %add3A : f32
    %add3A_54 = arith.constant 0.000000e+00 : f32
    %add3A_55 = arith.addf %add3A_54, %mul3A_53 : f32
    %get3A_56 = arith.constant 0 : index
    %get3A_57 = arith.constant 0 : index
    %get3A_58 = vector.load %arg1[%get3A_56, %get3A_57] : memref<1024x64xf32, #tpu.memory_space<vmem>>, vector<1024x64xf32>
    %mul3A_59 = arith.mulf %get3A_58, %get3A_58 : vector<1024x64xf32>
    %reduce_sum3A_60 = arith.constant dense<0.000000e+00> : vector<1024xf32>
    %reduce_sum3A_61 = vector.multi_reduction <add>, %mul3A_59, %reduce_sum3A_60 [1] : vector<1024x64xf32> to vector<1024xf32>
    %broadcast_in_dim3A_62 = vector.shape_cast %reduce_sum3A_61 : vector<1024xf32> to vector<1024x1xf32>
    %sqrt3A_63 = math.sqrt %broadcast_in_dim3A_62 : vector<1024x1xf32>
    %max3A_64 = arith.constant 9.99999996E-13 : f32
    %max3A_65 = vector.broadcast %max3A_64 : f32 to vector<1024x1xf32>
    %max3A_66 = arith.maximumf %sqrt3A_63, %max3A_65 : vector<1024x1xf32>
    %div3A_67 = vector.broadcast %max3A_66 : vector<1024x1xf32> to vector<1024x64xf32>
    %div3A_68 = arith.divf %get3A_58, %div3A_67 : vector<1024x64xf32>
    %get3A_69 = arith.constant 0 : index
    %get3A_70 = arith.constant 0 : index
    %get3A_71 = vector.load %arg10[%get3A_69, %get3A_70] : memref<1024x256xf32, #tpu.memory_space<vmem>>, vector<1024x256xf32>
    %reduce_sum3A_72 = arith.constant dense<0.000000e+00> : vector<1024xf32>
    %reduce_sum3A_73 = vector.multi_reduction <add>, %get3A_71, %reduce_sum3A_72 [1] : vector<1024x256xf32> to vector<1024xf32>
    %broadcast_in_dim3A_74 = vector.shape_cast %reduce_sum3A_73 : vector<1024xf32> to vector<1024x1xf32>
    %log3A_75 = math.log %broadcast_in_dim3A_74 : vector<1024x1xf32>
    %get3A_76 = arith.constant 0 : index
    %get3A_77 = arith.constant 0 : index
    %get3A_78 = vector.load %arg7[%get3A_76, %get3A_77] : memref<1024x64xf32, #tpu.memory_space<vmem>>, vector<1024x64xf32>
    %mul3A_79 = arith.mulf %div3A_68, %get3A_78 : vector<1024x64xf32>
    %reduce_sum3A_80 = arith.constant dense<0.000000e+00> : vector<1024xf32>
    %reduce_sum3A_81 = vector.multi_reduction <add>, %mul3A_79, %reduce_sum3A_80 [1] : vector<1024x64xf32> to vector<1024xf32>
    %broadcast_in_dim3A_82 = vector.shape_cast %reduce_sum3A_81 : vector<1024xf32> to vector<1024x1xf32>
    %mul3A_83 = arith.constant 2.000000e+01 : f32
    %mul3A_84 = vector.broadcast %mul3A_83 : f32 to vector<1024x1xf32>
    %mul3A_85 = arith.mulf %broadcast_in_dim3A_82, %mul3A_84 : vector<1024x1xf32>
    %sub3A_86 = arith.subf %log3A_75, %mul3A_85 : vector<1024x1xf32>
    %reduce_sum3A_87 = vector.shape_cast %sub3A_86 : vector<1024x1xf32> to vector<1x1024x1xf32>
    %reduce_sum3A_88 = arith.constant dense<0.000000e+00> : vector<1xf32>
    %reduce_sum3A_89 = vector.multi_reduction <add>, %reduce_sum3A_87, %reduce_sum3A_88 [1, 2] : vector<1x1024x1xf32> to vector<1xf32>
    %reduce_sum3A_90 = vector.shape_cast %reduce_sum3A_89 : vector<1xf32> to vector<1x1x1xf32>
    %reduce_sum3A_91 = vector.extract %reduce_sum3A_90[0, 0, 0] : f32 from vector<1x1x1xf32>
    %mul3A_92 = arith.constant 9.765625E-4 : f32
    %mul3A_93 = arith.mulf %reduce_sum3A_91, %mul3A_92 : f32
    %get3A_94 = arith.constant 0 : index
    %get3A_95 = arith.constant 0 : index
    %get3A_96 = vector.load %arg4[%get3A_94, %get3A_95] : memref<1024x64xf32, #tpu.memory_space<vmem>>, vector<1024x64xf32>
    %mul3A_97 = arith.mulf %get3A_96, %get3A_96 : vector<1024x64xf32>
    %reduce_sum3A_98 = arith.constant dense<0.000000e+00> : vector<1024xf32>
    %reduce_sum3A_99 = vector.multi_reduction <add>, %mul3A_97, %reduce_sum3A_98 [1] : vector<1024x64xf32> to vector<1024xf32>
    %broadcast_in_dim3A_100 = vector.shape_cast %reduce_sum3A_99 : vector<1024xf32> to vector<1024x1xf32>
    %sqrt3A_101 = math.sqrt %broadcast_in_dim3A_100 : vector<1024x1xf32>
    %max3A_102 = arith.constant 9.99999996E-13 : f32
    %max3A_103 = vector.broadcast %max3A_102 : f32 to vector<1024x1xf32>
    %max3A_104 = arith.maximumf %sqrt3A_101, %max3A_103 : vector<1024x1xf32>
    %div3A_105 = vector.broadcast %max3A_104 : vector<1024x1xf32> to vector<1024x64xf32>
    %div3A_106 = arith.divf %get3A_96, %div3A_105 : vector<1024x64xf32>
    %sub3A_107 = arith.subf %div3A_68, %div3A_106 : vector<1024x64xf32>
    %integer_pow3A_108 = arith.mulf %sub3A_107, %sub3A_107 : vector<1024x64xf32>
    %reduce_sum3A_109 = vector.shape_cast %integer_pow3A_108 : vector<1024x64xf32> to vector<1x1024x64xf32>
    %reduce_sum3A_110 = arith.constant dense<0.000000e+00> : vector<1xf32>
    %reduce_sum3A_111 = vector.multi_reduction <add>, %reduce_sum3A_109, %reduce_sum3A_110 [1, 2] : vector<1x1024x64xf32> to vector<1xf32>
    %reduce_sum3A_112 = vector.shape_cast %reduce_sum3A_111 : vector<1xf32> to vector<1x1x1xf32>
    %reduce_sum3A_113 = vector.extract %reduce_sum3A_112[0, 0, 0] : f32 from vector<1x1x1xf32>
    %mul3A_114 = arith.constant 9.765625E-4 : f32
    %mul3A_115 = arith.mulf %reduce_sum3A_113, %mul3A_114 : f32
    %mul3A_116 = arith.constant 1.000000e+00 : f32
    %mul3A_117 = arith.mulf %mul3A_116, %mul3A_115 : f32
    %add3A_118 = arith.addf %mul3A_93, %mul3A_117 : f32
    %mul3A_119 = arith.constant 5.000000e-01 : f32
    %mul3A_120 = arith.mulf %mul3A_119, %add3A_118 : f32
    %add3A_121 = arith.addf %add3A_55, %mul3A_120 : f32
    %get3A_122 = arith.constant 0 : index
    %get3A_123 = arith.constant 0 : index
    %get3A_124 = vector.load %arg2[%get3A_122, %get3A_123] : memref<1024x64xf32, #tpu.memory_space<vmem>>, vector<1024x64xf32>
    %mul3A_125 = arith.mulf %get3A_124, %get3A_124 : vector<1024x64xf32>
    %reduce_sum3A_126 = arith.constant dense<0.000000e+00> : vector<1024xf32>
    %reduce_sum3A_127 = vector.multi_reduction <add>, %mul3A_125, %reduce_sum3A_126 [1] : vector<1024x64xf32> to vector<1024xf32>
    %broadcast_in_dim3A_128 = vector.shape_cast %reduce_sum3A_127 : vector<1024xf32> to vector<1024x1xf32>
    %sqrt3A_129 = math.sqrt %broadcast_in_dim3A_128 : vector<1024x1xf32>
    %max3A_130 = arith.constant 9.99999996E-13 : f32
    %max3A_131 = vector.broadcast %max3A_130 : f32 to vector<1024x1xf32>
    %max3A_132 = arith.maximumf %sqrt3A_129, %max3A_131 : vector<1024x1xf32>
    %div3A_133 = vector.broadcast %max3A_132 : vector<1024x1xf32> to vector<1024x64xf32>
    %div3A_134 = arith.divf %get3A_124, %div3A_133 : vector<1024x64xf32>
    %get3A_135 = arith.constant 0 : index
    %get3A_136 = arith.constant 0 : index
    %get3A_137 = vector.load %arg11[%get3A_135, %get3A_136] : memref<1024x256xf32, #tpu.memory_space<vmem>>, vector<1024x256xf32>
    %reduce_sum3A_138 = arith.constant dense<0.000000e+00> : vector<1024xf32>
    %reduce_sum3A_139 = vector.multi_reduction <add>, %get3A_137, %reduce_sum3A_138 [1] : vector<1024x256xf32> to vector<1024xf32>
    %broadcast_in_dim3A_140 = vector.shape_cast %reduce_sum3A_139 : vector<1024xf32> to vector<1024x1xf32>
    %log3A_141 = math.log %broadcast_in_dim3A_140 : vector<1024x1xf32>
    %get3A_142 = arith.constant 0 : index
    %get3A_143 = arith.constant 0 : index
    %get3A_144 = vector.load %arg8[%get3A_142, %get3A_143] : memref<1024x64xf32, #tpu.memory_space<vmem>>, vector<1024x64xf32>
    %mul3A_145 = arith.mulf %div3A_134, %get3A_144 : vector<1024x64xf32>
    %reduce_sum3A_146 = arith.constant dense<0.000000e+00> : vector<1024xf32>
    %reduce_sum3A_147 = vector.multi_reduction <add>, %mul3A_145, %reduce_sum3A_146 [1] : vector<1024x64xf32> to vector<1024xf32>
    %broadcast_in_dim3A_148 = vector.shape_cast %reduce_sum3A_147 : vector<1024xf32> to vector<1024x1xf32>
    %mul3A_149 = arith.constant 2.000000e+01 : f32
    %mul3A_150 = vector.broadcast %mul3A_149 : f32 to vector<1024x1xf32>
    %mul3A_151 = arith.mulf %broadcast_in_dim3A_148, %mul3A_150 : vector<1024x1xf32>
    %sub3A_152 = arith.subf %log3A_141, %mul3A_151 : vector<1024x1xf32>
    %reduce_sum3A_153 = vector.shape_cast %sub3A_152 : vector<1024x1xf32> to vector<1x1024x1xf32>
    %reduce_sum3A_154 = arith.constant dense<0.000000e+00> : vector<1xf32>
    %reduce_sum3A_155 = vector.multi_reduction <add>, %reduce_sum3A_153, %reduce_sum3A_154 [1, 2] : vector<1x1024x1xf32> to vector<1xf32>
    %reduce_sum3A_156 = vector.shape_cast %reduce_sum3A_155 : vector<1xf32> to vector<1x1x1xf32>
    %reduce_sum3A_157 = vector.extract %reduce_sum3A_156[0, 0, 0] : f32 from vector<1x1x1xf32>
    %mul3A_158 = arith.constant 9.765625E-4 : f32
    %mul3A_159 = arith.mulf %reduce_sum3A_157, %mul3A_158 : f32
    %get3A_160 = arith.constant 0 : index
    %get3A_161 = arith.constant 0 : index
    %get3A_162 = vector.load %arg5[%get3A_160, %get3A_161] : memref<1024x64xf32, #tpu.memory_space<vmem>>, vector<1024x64xf32>
    %mul3A_163 = arith.mulf %get3A_162, %get3A_162 : vector<1024x64xf32>
    %reduce_sum3A_164 = arith.constant dense<0.000000e+00> : vector<1024xf32>
    %reduce_sum3A_165 = vector.multi_reduction <add>, %mul3A_163, %reduce_sum3A_164 [1] : vector<1024x64xf32> to vector<1024xf32>
    %broadcast_in_dim3A_166 = vector.shape_cast %reduce_sum3A_165 : vector<1024xf32> to vector<1024x1xf32>
    %sqrt3A_167 = math.sqrt %broadcast_in_dim3A_166 : vector<1024x1xf32>
    %max3A_168 = arith.constant 9.99999996E-13 : f32
    %max3A_169 = vector.broadcast %max3A_168 : f32 to vector<1024x1xf32>
    %max3A_170 = arith.maximumf %sqrt3A_167, %max3A_169 : vector<1024x1xf32>
    %div3A_171 = vector.broadcast %max3A_170 : vector<1024x1xf32> to vector<1024x64xf32>
    %div3A_172 = arith.divf %get3A_162, %div3A_171 : vector<1024x64xf32>
    %sub3A_173 = arith.subf %div3A_134, %div3A_172 : vector<1024x64xf32>
    %integer_pow3A_174 = arith.mulf %sub3A_173, %sub3A_173 : vector<1024x64xf32>
    %reduce_sum3A_175 = vector.shape_cast %integer_pow3A_174 : vector<1024x64xf32> to vector<1x1024x64xf32>
    %reduce_sum3A_176 = arith.constant dense<0.000000e+00> : vector<1xf32>
    %reduce_sum3A_177 = vector.multi_reduction <add>, %reduce_sum3A_175, %reduce_sum3A_176 [1, 2] : vector<1x1024x64xf32> to vector<1xf32>
    %reduce_sum3A_178 = vector.shape_cast %reduce_sum3A_177 : vector<1xf32> to vector<1x1x1xf32>
    %reduce_sum3A_179 = vector.extract %reduce_sum3A_178[0, 0, 0] : f32 from vector<1x1x1xf32>
    %mul3A_180 = arith.constant 9.765625E-4 : f32
    %mul3A_181 = arith.mulf %reduce_sum3A_179, %mul3A_180 : f32
    %mul3A_182 = arith.constant 1.000000e+00 : f32
    %mul3A_183 = arith.mulf %mul3A_182, %mul3A_181 : f32
    %add3A_184 = arith.addf %mul3A_159, %mul3A_183 : f32
    %mul3A_185 = arith.constant 5.000000e-01 : f32
    %mul3A_186 = arith.mulf %mul3A_185, %add3A_184 : f32
    %add3A_187 = arith.addf %add3A_121, %mul3A_186 : f32
    %reshape3A = vector.broadcast %add3A_187 : f32 to vector<1x1xf32>
    %swap3A = arith.constant 0 : index
    %swap3A_188 = arith.constant 0 : index
    %swap3A_189 = vector.load %arg12[%swap3A, %swap3A_188] : memref<1x1xf32, #tpu.memory_space<vmem>>, vector<1x1xf32>
    tpu.vector_store %arg12[%swap3A, %swap3A_188], %reshape3A {strides = array<i32>} : memref<1x1xf32, #tpu.memory_space<vmem>>, vector<1x1xf32>,
    return
  }
}

</mosaic_0001>

<sc_bundles>
// kernel: kernel.5.cloned.1.call-start
scs
__scs_entry_jumppad:
0x0: {  	(pc) =	sbr.rel $0x88, $3  }
0x1: {  	(tag) =	ssettag $0x0;
	lr =	simm.s32 $0x1  }
0x2: {  	[smem:$0x3F97] =	sst lr;
	_ =	strace $0xD0000000  }
0x3: {  	_ = 	snop  }
0x4: {  	_ = 	snop  }
0x5: {  	_ = 	snop  }
0x6: {  	_ = 	snop  }
0x7: {  	_ = 	snop  }
__scs_overlays_trampoline_lowered:
0x8: {  	[smem:$0x3FA6] =	sst s0  }
0x9: {  	[smem:$0x3FA7] =	sst s1  }
0xa: {  	[smem:$0x3FA8] =	sst s2  }
0xb: {  	[smem:$0x3FA9] =	sst s3  }
0xc: {  	[smem:$0x3FAA] =	sst s4  }
0xd: {  	[smem:$0x3FAB] =	sst s5  }
0xe: {  	[smem:$0x3FAC] =	sst s6  }
0xf: {  	[smem:$0x3FAD] =	sst s7  }
0x10: {  	[smem:$0x3FAE] =	sst s8  }
0x11: {  	[smem:$0x3FAF] =	sst s9;
	s0 =	simm.s32 @!p0 $0x0  }
0x12: {  	s1 =	sld [smem:$0x3F95];
	s0 =	simm.s32 @p0 $0x1  }
0x13: {  	[smem:$0x3FB0] =	sst s0;
	s0 =	simm.s32 @!p1 $0x0  }
0x14: {  	s2 =	sld [smem:$0x3F94];
	s0 =	simm.s32 @p1 $0x1  }
0x15: {  	[smem:$0x3FB1] =	sst s0;
	s0 =	simm.s32 @!p2 $0x0  }
0x16: {  	s3 =	sld [smem:$0x3FDB];
	s0 =	simm.s32 @p2 $0x1  }
0x17: {  	s4 =	simm.s32 $0x1BF5;
	[smem:$0x3FB3] =	sst s0  }
0x18: {  	s0 =	sld [smem:$0x3F96];
	_ =	swait.ge [sflag:s4], $0x0  }
0x19: {  	s7 =	sld [smem:$0x3F97]  }
0x1a: {  	s8 =	sadd.s32 $0xFFFFE003, lr  }
0x1b: {  	s9 =	sadd.s32 $0xFFFFFEF7, lr;
	s5 =	simm.s32 $0xFFFFFFFF;
	p2 =	slt.u32 s8, $0xFFFFF086  }
0x1c: {  	p1 =	slt.u32 s9, $0xF7A;
	s5 =	simm.s32 @!p2 $0x0  }
0x1d: {  	s5 =	simm.s32 @p1 $0x1;
	p0 =	seq.s32 s7, s2  }
0x1e: {  	s7 =	smul.u32 @!p0 $0xF7A, s2;
	p2 =	seq.s32 @!p0 s5, $0x0  }
0x1f: {  	s9 =	smul.u32 $0xF7A, s1;
	s8 =	simm.s32 @!p0 $0x1BF5;
	p2 =	por !p2, p0  }
0x20: {  	[sflag:s8] =	ssyncset.s32 @!p0 $0xFFFFF086;
	s6 =	sadd.s32 @!p0 s3, s7;
	s7 =	simm.s32 @!p0 $0x108  }
0x21: {  	s3 =	sadd.s32 s3, s9;
	s6 =	sadd.s32 @!p0 $0x88, s6;
	s7 =	simm.s32 @p2 $0x1082  }
0x22: {  	[simem:s7], [sflag:s8] =	dma.local @!p0 [hbm:s6], $0xF7A  }
0x23: {  	s9 =	sor.u32 $0xD0000000, s2;
	s6 =	simm.s32 $0x108;
	_ =	swait.ge @!p0 [sflag:s8], $0x0  }
0x24: {  	s3 =	sadd.s32 $0x88, s3;
	s6 =	simm.s32 @!p1 $0x1082;
	[sflag:s4] =	ssyncset.s32 $0xFFFFF086  }
0x25: {  	[simem:s6], [sflag:s4] =	dma.local [hbm:s3], $0xF7A  }
0x26: {  	[smem:$0x3F97] =	sst s1;
	(tag) =	ssettag s2;
	_ =	strace s9  }
0x27: {  	s1 =	sld [smem:$0x3FA7]  }
0x28: {  	s2 =	sld [smem:$0x3FA8]  }
0x29: {  	s4 =	sld [smem:$0x3FAA]  }
0x2a: {  	p0 =	seq.s32 s5, $0x0;
	s5 =	sld [smem:$0x3FAB]  }
0x2b: {  	s6 =	sld [smem:$0x3FAC]  }
0x2c: {  	s7 =	sld [smem:$0x3FAD]  }
0x2d: {  	s3 =	simm.s32 $0x108;
	s8 =	sld [smem:$0x3FAE]  }
0x2e: {  	s3 =	simm.s32 @!p0 $0x1082;
	s9 =	sld [smem:$0x3FAF]  }
0x2f: {  	lr =	sadd.s32 s0, s3;
	s0 =	sld [smem:$0x3FA6]  }
0x30: {  	s3 =	sld [smem:$0x3FA9]  }
0x31: {  	[smem:$0x3FB2] =	sst s10  }
0x32: {  	s10 =	sld [smem:$0x3FB0];
	_ =	sdelay $0x3  }
0x33: {  	p0 =	seq.s32 s10, $0x1;
	s10 =	sld [smem:$0x3FB2];
	_ =	sdelay $0x3  }
0x34: {  	[smem:$0x3FB2] =	sst s10  }
0x35: {  	s10 =	sld [smem:$0x3FB1];
	_ =	sdelay $0x3  }
0x36: {  	p1 =	seq.s32 s10, $0x1;
	s10 =	sld [smem:$0x3FB2];
	_ =	sdelay $0x3  }
0x37: {  	[smem:$0x3FB2] =	sst s10  }
0x38: {  	s10 =	sld [smem:$0x3FB3]  }
0x39: {  	_ = 	snop;
	(pc) =	sbr.ind lr, $3  }
0x3a: {  	_ = 	snop  }
0x3b: {  	_ = 	snop  }
0x3c: {  	p2 =	seq.s32 s10, $0x1;
	s10 =	sld [smem:$0x3FB2]  }
0x3d: {  	_ =	shalt  }
0x3e: {  	_ =	shalt  }
0x3f: {  	_ =	shalt  }
0x40: {  	_ =	shalt  }
0x41: {  	_ =	shalt  }
0x42: {  	_ =	shalt  }
0x43: {  	_ =	shalt  }
0x44: {  	_ =	shalt  }
0x45: {  	_ =	shalt  }
0x46: {  	_ =	shalt  }
0x47: {  	_ =	shalt  }
0x48: {  	_ =	shalt  }
0x49: {  	_ =	shalt  }
0x4a: {  	_ =	shalt  }
0x4b: {  	_ =	shalt  }
0x4c: {  	_ =	shalt  }
0x4d: {  	_ =	shalt  }
0x4e: {  	_ =	shalt  }
0x4f: {  	_ =	shalt  }
0x50: {  	_ =	shalt  }
0x51: {  	_ =	shalt  }
0x52: {  	_ =	shalt  }
0x53: {  	_ =	shalt  }
0x54: {  	_ =	shalt  }
0x55: {  	_ =	shalt  }
0x56: {  	_ =	shalt  }
0x57: {  	_ =	shalt  }
0x58: {  	_ =	shalt  }
0x59: {  	_ =	shalt  }
0x5a: {  	_ =	shalt  }
0x5b: {  	_ =	shalt  }
0x5c: {  	_ =	shalt  }
0x5d: {  	_ =	shalt  }
0x5e: {  	_ =	shalt  }
0x5f: {  	_ =	shalt  }
0x60: {  	_ =	shalt  }
0x61: {  	_ =	shalt  }
0x62: {  	_ =	shalt  }
0x63: {  	_ =	shalt  }
0x64: {  	_ =	shalt  }
0x65: {  	_ =	shalt  }
0x66: {  	_ =	shalt  }
0x67: {  	_ =	shalt  }
0x68: {  	_ =	shalt  }
0x69: {  	_ =	shalt  }
0x6a: {  	_ =	shalt  }
0x6b: {  	_ =	shalt  }
0x6c: {  	_ =	shalt  }
0x6d: {  	_ =	shalt  }
0x6e: {  	_ =	shalt  }
0x6f: {  	_ =	shalt  }
0x70: {  	_ =	shalt  }
0x71: {  	_ =	shalt  }
0x72: {  	_ =	shalt  }
0x73: {  	_ =	shalt  }
0x74: {  	_ =	shalt  }
0x75: {  	_ =	shalt  }
0x76: {  	_ =	shalt  }
0x77: {  	_ =	shalt  }
0x78: {  	_ =	shalt  }
0x79: {  	_ =	shalt  }
0x7a: {  	_ =	shalt  }
0x7b: {  	_ =	shalt  }
0x7c: {  	_ =	shalt  }
0x7d: {  	_ =	shalt  }
0x7e: {  	_ =	shalt  }
0x7f: {  	_ =	shalt  }
0x80: {  	_ =	shalt  }
0x81: {  	_ =	shalt  }
0x82: {  	_ =	shalt  }
0x83: {  	_ =	shalt  }
0x84: {  	_ =	shalt  }
0x85: {  	_ =	shalt  }
0x86: {  	_ =	shalt  }
0x87: {  	_ =	shalt  }
.Lfunc_end0:
.L_simem_size_0:
called_computation_lowered:
.L_overlay_start_0:
0x88: {  	s2 =	sld [smem:$0x3FD9]  }
0x89: {  	s3 =	sld [smem:$0x3FFE];
	_ =	sdelay $0x1  }
0x8a: {  	s1 =	srdreg.scid  }
0x8b: {  	s0 =	sand.u32 $0x1, s1  }
0x8c: {  	s17 =	sshll.u32 s0, $0xA;
	s2 =	sadd.s32 s3, s2  }
0x8d: {  	s2 =	sadd.s32 s2, s17  }
0x8e: {  	[smem:$0x3FBE] =	sst s2  }
0x8f: {  	_ = 	snop  }
0x90: {  	s2 =	sld [smem:$0x3FC3];
	(tm) =	ssettm $0x1  }
0x91: {  	s18 =	sld [smem:$0x3FFB];
	_ =	sdelay $0x3  }
0x92: {  	_ =	strace s18  }
0x93: {  	s3 =	sld [smem:$0x3FFC];
	_ =	sdelay $0x3  }
0x94: {  	_ =	strace s3  }
0x95: {  	s3 =	sld [smem:$0x3FFD];
	_ =	sdelay $0x3  }
0x96: {  	_ =	strace s3  }
0x97: {  	_ =	strace $0x8FFFFFFF  }
0x98: {  	s19 =	sld [smem:$0x3FDB];
	_ =	sdelay $0x1  }
0x99: {  	s4 =	simm.s32 $_scs_section_size  }
0x9a: {  	s5 =	simm.s32 $_size__tile_overlayer_lowered;
	s6 =	simm.s32 $_tile_overlayer_lowered  }
0x9b: {  	s22 =	simm.s32 $0x1BFF;
	s21 =	sshll.u32 s6, $0x1;
	s3 =	sadd.s32 s4, s19  }
0x9c: {  	s7 =	simm.s32 $0x0;
	s20 =	sshll.u32 s5, $0x1;
	s5 =	sadd.s32 s21, s3  }
0x9d: {  	[timem:s7], [sflag:s22] =	dma.local [hbm:s5], s20  }
0x9e: {  	_ =	swait.ge [sflag:s22], s20  }
0x9f: {  	s4 =	ssub.s32 $0x0, s20;
	[sflag:s22] =	ssyncset.done $0x0  }
0xa0: {  	[sflag:s22] =	ssyncadd.s32 s4;
	_ =	sdelay $0x1  }
0xa1: {  	s23 =	simm.s32 $0x1B8B  }
0xa2: {  	_ =	swait.ge [sflag:s23], $0x1  }
0xa3: {  	[sflag:s23] =	ssyncset.done $0x0  }
0xa4: {  	s25 =	simm.s32 $0x1B8E;
	s24 =	sld [smem:$0x3FFE];
	[sflag:s23] =	ssyncadd.s32 $0xFFFFFFFF  }
0xa5: {  	s26 =	simm.s32 $execute0_lowered;
	[smem:$0x3FD2] =	sst s25  }
0xa6: {  	s5 =	sshll.u32 s26, $0x1;
	_ =	strace $0x80000046;
	[dreg:$0x1] =	wrdreg $0xFFFFFFFF  }
0xa7: {  	s28 =	simm.s32 $_size_execute0_lowered;
	s3 =	sadd.s32 s3, s5;
	[dreg:$0x0] =	wrdreg $0x0  }
0xa8: {  	s5 =	sshll.u32 s28, $0x1;
	[dreg:$0x2] =	wrdreg s3  }
0xa9: {  	[dreg:$0x3] =	wrdreg s5  }
0xaa: {  	[dreg:$0x4] =	wrdreg $0xC0  }
0xab: {  	_ =	task [dreg:s7], $0x5FFFF  }
0xac: {  	[dreg:$0x1] =	wrdreg $0xFFFFFFFF  }
0xad: {  	[dreg:$0x0] =	wrdreg $0x60  }
0xae: {  	[dreg:$0x2] =	wrdreg s24  }
0xaf: {  	[dreg:$0x3] =	wrdreg s2  }
0xb0: {  	[dreg:$0x4] =	wrdreg $0x9  }
0xb1: {  	_ =	task.clear_ibuf [dreg:s7], $0x5FFFF;
	_ =	strace $0x90000046  }
0xb2: {  	s29 =	simm.s32 $0x9;
	_ =	strace $0x80000048  }
0xb3: {  	_ =	swait.ge [sflag:s29], $0x1  }
0xb4: {  	[sflag:s29] =	ssyncadd.s32 $0xFFFFFFFF  }
0xb5: {  	_ =	strace $0x90000048  }
0xb6: {  	_ =	sfence  }
0xb7: {  	s30 =	sld [smem:$0x0];
	_ =	sdelay $0x2  }
0xb8: {  	s31 =	sshll.u32 s1, $0xD;
	s1 =	sshrl.u32 s1, $0x2  }
0xb9: {  	s3 =	sand.u32 $0x4000, s31;
	s1 =	sadd.s32 s1, s30  }
0xba: {  	s0 =	sor.u32 s3, s0;
	s1 =	sshll.u32 s1, $0x11  }
0xbb: {  	s0 =	sor.u32 s1, s0  }
0xbc: {  	s0 =	sadd.s32 $0x8F2B, s0  }
0xbd: {  	[sflag:s0] =	ssyncadd.remote.s32 $0x1  }
0xbe: {  	_ =	sfence.sel $0xFFFF  }
0xbf: {  	[dreg:$0x0] =	wrdreg $0xFFFFFFFF;
	(pc) =	sbr.abs _section_cstart, $3  }
0xc0: {  	[dreg:$0x1] =	wrdreg $0xFFFFFFFF  }
0xc1: {  	_ =	task.clear_ibuf [dreg:s7], $0x2FFFF;
	_ =	strace $0x9FFFFFFF  }
0xc2: {  	(tm) =	ssettm $0x7FFFFFFF  }
0xc3: {  	_ =	shalt  }
tec
execute0_lowered:
.L_overlay_start_1:
0x0: {  	(tag) =	ssettag $0x1  }
0x1: {  	s1 =	srdreg.scid  }
0x2: {  	s11 =	rddreg [dreg:$0x0];
	s0 =	stileid.u32;
	s12 =	sand.u32 $0x1, s1  }
0x3: {  	s3 =	rddreg [dreg:$0x1];
	s4 =	sshll.u32 s0, $0x6;
	s5 =	sshll.u32 s12, $0x5  }
0x4: {  	s2 =	simm.s32 $0x0;
	s1 =	rddreg [dreg:$0x2];
	s8 =	sor.u32 s5, s4  }
0x5: {  	[smem:$0x7FF] =	sst s2;
	s4 =	sshrl.u32 s8, $0x3  }
0x6: {  	_ =	strace $0x80000047;
	s4 =	sadd.s32 s3, s4;
	s3 =	simm.s32 $0x2  }
0x7: {  	[tilespmem:s2], [sflag:$0x2] =	stream.linear.gather [hbm4b:s4+s2], $0x20, $0x38;
	[tilespmem:$0x820] =	vst v63  }
0x8: {  	_ =	swait.ge [sflag:s3], $0x20  }
0x9: {  	s6 =	simm.s32 $0x20;
	[sflag:s3] =	ssyncset.done $0x0  }
0xa: {  	s7 =	simm.s32 $0x1;
	s5 =	sadd.s32 $0x61C200, s11;
	[sflag:s3] =	ssyncadd.s32 $0xFFFFFFE0  }
0xb: {  	[tilespmem:s6], [sflag:$0x1] =	stream.indirect.gather [hbm4b:s5+s6], $0x40, s2, s6, $0xb8;
	[tilespmem:$0x820] =	vst v63  }
0xc: {  	s8 =	sshll.u32 s8, $0x3;
	_ =	swait.ge [sflag:s7], $0x800  }
0xd: {  	s13 =	sadd.s32 s8, s11;
	[sflag:s7] =	ssyncset.done $0x0  }
0xe: {  	s8 =	sadd.s32 $0x6E3800, s13;
	[sflag:s7] =	ssyncadd.s32 $0xFFFFF800  }
0xf: {  	[hbm4b:s8+s2] =	stream.linear.scatter [tilespmem:s6], [sflag:$0x2], $0x800, $0x38;
	[tilespmem:$0x820] =	vst v63  }
0x10: {  	_ =	swait.ge [sflag:s3], $0x800  }
0x11: {  	[sflag:s3] =	ssyncset.done $0x0  }
0x12: {  	s9 =	sadd.s32 $0x558C00, s11;
	[sflag:s3] =	ssyncadd.s32 $0xFFFFF800  }
0x13: {  	[tilespmem:s6], [sflag:$0x1] =	stream.indirect.gather [hbm4b:s9+s6], $0x40, s2, s6, $0xb8;
	[tilespmem:$0x820] =	vst v63  }
0x14: {  	_ =	swait.ge [sflag:s7], $0x800  }
0x15: {  	[sflag:s7] =	ssyncset.done $0x0  }
0x16: {  	s12 =	ssub.s32 $0x2, s12;
	s10 =	sadd.s32 $0x6E1800, s13;
	[sflag:s7] =	ssyncadd.s32 $0xFFFFF800  }
0x17: {  	[hbm4b:s10+s2] =	stream.linear.scatter [tilespmem:s6], [sflag:$0x2], $0x800, $0x38;
	[tilespmem:$0x820] =	vst v63  }
0x18: {  	s14 =	sshrl.u32 s12, $0x1;
	_ =	swait.ge [sflag:s3], $0x800  }
0x19: {  	s14 =	ssub.s32 s12, s14;
	[sflag:s3] =	ssyncset.done $0x0  }
0x1a: {  	s11 =	sadd.s32 $0x495600, s11;
	s31 =	smax.u32 s14, $0x1;
	[sflag:s3] =	ssyncadd.s32 $0xFFFFF800  }
0x1b: {  	[tilespmem:s6], [sflag:$0x1] =	stream.indirect.gather [hbm4b:s11+s6], $0x40, s2, s6, $0xb8;
	[tilespmem:$0x820] =	vst v63  }
0x1c: {  	p0 =	sne.s32 s31, $0x1;
	_ =	swait.ge [sflag:s7], $0x800  }
.Ltmp0:
0x1d: {  	[sflag:s7] =	ssyncset.done $0x0;
	(pc) =	sbr.rel @!p0 .LBB2_2-.Ltmp0, $4  }
0x1e: {  	s12 =	sadd.s32 $0x6DF800, s13;
	[sflag:s7] =	ssyncadd.s32 $0xFFFFF800  }
0x1f: {  	[hbm4b:s12+s2] =	stream.linear.scatter [tilespmem:s6], [sflag:$0x2], $0x800, $0x38;
	[tilespmem:$0x820] =	vst v63  }
0x20: {  	_ =	swait.ge [sflag:s3], $0x800  }
0x21: {  	s13 =	sadd.s32 $0xFFFFFFFF, s31;
	[sflag:s3] =	ssyncset.done $0x0  }
.LBB2_1:
0x22: {  	p0 =	sne.s32 s13, $0x1;
	s13 =	sadd.s32 $0xFFFFFFFF, s13;
	[sflag:s3] =	ssyncadd.s32 $0xFFFFF800  }
0x23: {  	[tilespmem:s2], [sflag:$0x2] =	stream.linear.gather [hbm4b:s4+s2], $0x20, $0x38;
	[tilespmem:$0x820] =	vst v63  }
0x24: {  	_ =	swait.ge [sflag:s3], $0x20  }
0x25: {  	[sflag:s3] =	ssyncset.done $0x0  }
0x26: {  	[sflag:s3] =	ssyncadd.s32 $0xFFFFFFE0  }
0x27: {  	[tilespmem:s6], [sflag:$0x1] =	stream.indirect.gather [hbm4b:s5+s6], $0x40, s2, s6, $0xb8;
	[tilespmem:$0x820] =	vst v63  }
0x28: {  	_ =	swait.ge [sflag:s7], $0x800  }
0x29: {  	[sflag:s7] =	ssyncset.done $0x0  }
0x2a: {  	[sflag:s7] =	ssyncadd.s32 $0xFFFFF800  }
0x2b: {  	[hbm4b:s8+s2] =	stream.linear.scatter [tilespmem:s6], [sflag:$0x2], $0x800, $0x38;
	[tilespmem:$0x820] =	vst v63  }
0x2c: {  	_ =	swait.ge [sflag:s3], $0x800  }
0x2d: {  	[sflag:s3] =	ssyncset.done $0x0  }
0x2e: {  	[sflag:s3] =	ssyncadd.s32 $0xFFFFF800  }
0x2f: {  	[tilespmem:s6], [sflag:$0x1] =	stream.indirect.gather [hbm4b:s9+s6], $0x40, s2, s6, $0xb8;
	[tilespmem:$0x820] =	vst v63  }
0x30: {  	_ =	swait.ge [sflag:s7], $0x800  }
0x31: {  	[sflag:s7] =	ssyncset.done $0x0  }
0x32: {  	[sflag:s7] =	ssyncadd.s32 $0xFFFFF800  }
0x33: {  	[hbm4b:s10+s2] =	stream.linear.scatter [tilespmem:s6], [sflag:$0x2], $0x800, $0x38;
	[tilespmem:$0x820] =	vst v63  }
0x34: {  	_ =	swait.ge [sflag:s3], $0x800  }
0x35: {  	[sflag:s3] =	ssyncset.done $0x0  }
0x36: {  	[sflag:s3] =	ssyncadd.s32 $0xFFFFF800  }
0x37: {  	[tilespmem:s6], [sflag:$0x1] =	stream.indirect.gather [hbm4b:s11+s6], $0x40, s2, s6, $0xb8;
	[tilespmem:$0x820] =	vst v63  }
0x38: {  	_ =	swait.ge [sflag:s7], $0x800  }
.Ltmp1:
0x39: {  	[sflag:s7] =	ssyncset.done $0x0;
	(pc) =	sbr.rel @p0 .LBB2_1-.Ltmp1, $4  }
0x3a: {  	[sflag:s7] =	ssyncadd.s32 $0xFFFFF800  }
0x3b: {  	[hbm4b:s12+s2] =	stream.linear.scatter [tilespmem:s6], [sflag:$0x2], $0x800, $0x38;
	[tilespmem:$0x820] =	vst v63  }
0x3c: {  	_ =	swait.ge [sflag:s3], $0x800  }
0x3d: {  	[sflag:s3] =	ssyncset.done $0x0  }
.LBB2_2:
0x3e: {  	[sflag:s3] =	ssyncadd.s32 $0xFFFFF800  }
0x3f: {  	_ =	sfence.sel $0x180000  }
0x40: {  	[bflag:$0x0] =	sbarrier.arrive $0xFFFF  }
0x41: {  	p0 =	sne.s32 s0, $0x0;
	_ =	strace $0x90000047  }
0x42: {  	s0 =	sadd.s32 @!p0 $0x100000, s1;
	[bflag:$0x2] =	sbarrier.arrive $0xFFFF  }
0x43: {  	[sflag:s0] =	ssyncadd.tile.s32 @!p0 $0x1;
	_ =	shalt  }
.Lfunc_end2:
_tile_overlayer_lowered:
.L_overlay_start_2:
0x44: {  	(tag) =	ssettag $0x2  }
0x45: {  	s0 =	rddreg [dreg:$0x0];
	s2 =	stileid.u32  }
0x46: {  	s1 =	rddreg [dreg:$0x1];
	p0 =	sne.s32 s2, $0x0  }
0x47: {  	s3 =	rddreg [dreg:$0x2];
	[bflag:$0x3] =	sbarrier.arrive $0xFFFF;
	s2 =	simm.s32 @!p0 $0x1C02  }
0x48: {  	[timem:s3], [sflag:s2] =	dma.local @!p0 [hbm:s0], s1  }
0x49: {  	s0 =	simm.s32 @!p0 $0x2  }
0x4a: {  	_ =	swait.ge @!p0 [sflag:s0], s1  }
0x4b: {  	s1 =	ssub.s32 @!p0 $0x0, s1;
	[sflag:s0] =	ssyncset.done @!p0 $0x0  }
0x4c: {  	[sflag:s0] =	ssyncadd.s32 @!p0 s1  }
0x4d: {  	[bflag:$0x3] =	sbarrier.arrive $0xFFFF  }
0x4e: {  	_ =	shalt  }

</sc_bundles>
